<compile_context>
chip_gen: v7x
topology: tpu7x:2x2x1
jax: 0.10.2.dev20260603
libtpu: 0.0.44.dev20260713+nightly
codegen_flags: <defaults>
</compile_context>

<pallas_src>
import functools

import jax
import jax.numpy as jnp
from jax import lax
from jax.experimental import pallas as pl
from jax.experimental.pallas import tpu as pltpu
from jax.experimental.pallas import tpu_sc as plsc

_B, _S, _HIDDEN, _INTER, _E, _K = 8, 4, 512, 1024, 8, 2
_T = _B * _S
_L = 16
_NCHUNK = _T // _L
_NSUB = 16
_HH = _HIDDEN // 2


def _router_sc(xt_hbm, rw_hbm, part_hbm, xv, rwv, part):
    c = lax.axis_index("c")
    s = lax.axis_index("s")
    e = s // 2
    hh = s % 2

    pltpu.sync_copy(xt_hbm.at[pl.ds(c * _HIDDEN * _L + hh * _HH * _L, _HH * _L)], xv)
    pltpu.sync_copy(rw_hbm.at[:, pl.ds(hh * _HH, _HH)], rwv)

    acc = jnp.zeros((_L,), jnp.float32)
    for jb in range(_HH // _L):
        rv = rwv[e, pl.ds(jb * _L, _L)]
        for i in range(_L):
            acc += rv[i] * xv[pl.ds((jb * _L + i) * _L, _L)]
    part[...] = acc
    pltpu.sync_copy(part, part_hbm.at[c, s, :])


@functools.cache
def _get_router_kernel():
    return functools.partial(
        pl.kernel,
        mesh=plsc.VectorSubcoreMesh(
            core_axis_name="c", subcore_axis_name="s", num_cores=2
        ),
        out_type=jax.ShapeDtypeStruct((_NCHUNK, _NSUB, _L), jnp.float32),
        scratch_types=[
            pltpu.VMEM((_HH * _L,), jnp.float32),
            pltpu.VMEM((_E, _HH), jnp.float32),
            pltpu.VMEM((_L,), jnp.float32),
        ],
    )(_router_sc)


def _ffn_kernel(x_ref, part_ref, w13_ref, w2_ref, out_ref):
    e = pl.program_id(0)

    p = part_ref[...]
    pc = jnp.concatenate([p[0], p[1]], axis=1)
    logits = pc.reshape(_E, 2, _T).sum(axis=1).T

    probs = jax.nn.softmax(logits, axis=-1)
    i1 = jnp.argmax(probs, axis=-1)
    m1 = jnp.max(probs, axis=-1)
    eidx = lax.broadcasted_iota(jnp.int32, probs.shape, 1)
    masked = jnp.where(eidx == i1[:, None], -jnp.inf, probs)
    i2 = jnp.argmax(masked, axis=-1)
    m2 = jnp.max(masked, axis=-1)
    denom = m1 + m2 + 1e-6
    coef = (jnp.where(i1 == e, m1, 0.0) + jnp.where(i2 == e, m2, 0.0)) / denom

    xb = x_ref[...].astype(jnp.bfloat16)
    h = jnp.dot(xb, w13_ref[0].astype(jnp.bfloat16),
                preferred_element_type=jnp.float32)
    gate = h[:, :_INTER]
    up = h[:, _INTER:]
    act = gate * jax.nn.sigmoid(gate) * up
    o = jnp.dot(act.astype(jnp.bfloat16), w2_ref[0].astype(jnp.bfloat16),
                preferred_element_type=jnp.float32)
    contrib = o * coef[:, None]

    @pl.when(e == 0)
    def _init():
        out_ref[...] = contrib

    @pl.when(e != 0)
    def _acc():
        out_ref[...] += contrib


@jax.jit
def kernel(x, router_w, w13, w2):
    xf = x.reshape(_T, _HIDDEN)

    xt_flat = xf.T.reshape(_HIDDEN, _NCHUNK, _L).transpose(1, 0, 2).reshape(-1)
    parts = _get_router_kernel()(xt_flat, router_w)

    out = pl.pallas_call(
        _ffn_kernel,
        grid=(_E,),
        in_specs=[
            pl.BlockSpec((_T, _HIDDEN), lambda e: (0, 0)),
            pl.BlockSpec((_NCHUNK, _NSUB, _L), lambda e: (0, 0, 0)),
            pl.BlockSpec((1, _HIDDEN, 2 * _INTER), lambda e: (e, 0, 0)),
            pl.BlockSpec((1, _INTER, _HIDDEN), lambda e: (e, 0, 0)),
        ],
        out_specs=pl.BlockSpec((_T, _HIDDEN), lambda e: (0, 0)),
        out_shape=jax.ShapeDtypeStruct((_T, _HIDDEN), jnp.float32),
    )(xf, parts, w13, w2)
    return out.reshape(_B, _S, _HIDDEN)

# --- scband reference (transcript-rebuilt; emitter-appended) ---
"""Pipeline reference for scband-aydin-mo-etensoric-455266534075 (READ-ONLY COPY).

The authoritative reference and input builder live on the scoring server;
editing this copy changes nothing except your own understanding.
"""

import jax, jax.numpy as jnp
import numpy as np

B, S = 8, 4
HIDDEN = 512
INTER = 1024
E = 8
K = 2


def setup_inputs(seed: int = 0) -> dict:
    key = jax.random.key(seed)
    k1, k2, k3, k4 = jax.random.split(key, 4)
    x = jax.random.normal(k1, (B, S, HIDDEN), dtype=jnp.float32)
    # router: nn.Linear(hidden_dim, num_experts, bias=False) -> weight [E, HIDDEN]
    router_w = jax.random.normal(k2, (E, HIDDEN), dtype=jnp.float32) * 0.02
    # expert params, init normal(0, 0.02) as in reset_parameters
    w13 = jax.random.normal(k3, (E, HIDDEN, 2 * INTER), dtype=jnp.float32) * 0.02
    w2 = jax.random.normal(k4, (E, INTER, HIDDEN), dtype=jnp.float32) * 0.02
    return {"x": x, "router_w": router_w, "w13": w13, "w2": w2}


def reference(x, router_w, w13, w2):
    # router_logits = Linear(x) = x @ W^T
    router_logits = jnp.matmul(x, router_w.T)              # [B, S, E]
    routing_probs = jax.nn.softmax(router_logits, axis=-1)  # [B, S, E]
    weights, indices = jax.lax.top_k(routing_probs, K)      # [B, S, K] each
    weights = weights / (jnp.sum(weights, axis=-1, keepdims=True) + 1e-06)
    # TensoricSwiGLU: gather full expert weights per (token, k)
    w13_selected = jnp.take(w13, indices, axis=0)            # [B, S, K, H, 2I]
    x_expanded = x[:, :, None, None, :]                      # [B, S, 1, 1, H]
    h13 = jnp.matmul(x_expanded, w13_selected)               # [B, S, K, 1, 2I]
    gate, up = jnp.split(h13, 2, axis=-1)                    # each [B, S, K, 1, I]
    h_inter = jax.nn.silu(gate) * up                         # [B, S, K, 1, I]
    w2_selected = jnp.take(w2, indices, axis=0)              # [B, S, K, I, H]
    out = jnp.matmul(h_inter, w2_selected)                   # [B, S, K, 1, H]
    expert_output = jnp.squeeze(out, axis=-2)                # [B, S, K, H]
    weighted_output = expert_output * weights[..., None]     # [B, S, K, H]
    final_output = jnp.sum(weighted_output, axis=2)          # [B, S, H]
    return final_output

if __name__ == "__main__":
    import jax
    _d = setup_inputs()
    print(jax.jit(kernel)(*tuple(_d.values())))

</pallas_src>

<mosaic_0001>
#map = affine_map<(d0, d1) -> (0)>
#map1 = affine_map<(d0, d1) -> (0, 0)>
#map2 = affine_map<(d0, d1) -> (0, 0, 0)>
module attributes {stable_mosaic.version = 14 : i64} {
  func.func @_router_sc(%arg0: i32, %arg1: i32, %arg2: memref<16384xf32, #tpu.memory_space<hbm>>, %arg3: memref<8x512xf32, #tpu.memory_space<hbm>>, %arg4: memref<2x16x16xf32, #tpu.memory_space<hbm>>, %arg5: memref<4096xf32, #tpu.memory_space<vmem>>, %arg6: memref<8x256xf32, #tpu.memory_space<vmem>>, %arg7: memref<16xf32, #tpu.memory_space<vmem>>) attributes {dimension_semantics = [#tpu.dimension_semantics<core_parallel>, #tpu.dimension_semantics<subcore_parallel>], iteration_bounds = array<i64: 2, 16>, scalar_prefetch = 0 : i64, scratch_operands = 3 : i64, tpu.core_type = #tpu.core_type<sc_vector_subcore>, window_params = [{transform_indices = #map}, {transform_indices = #map1}, {transform_indices = #map2}]} {
    %jit3A = arith.constant 2 : i32
    %div3A = arith.divsi %arg1, %jit3A : i32
    %sign3A = arith.constant 0 : i32
    %sign3A_0 = arith.cmpi sgt, %arg1, %sign3A : i32
    %sign3A_1 = arith.extui %sign3A_0 : i1 to i32
    %sign3A_2 = arith.constant 0 : i32
    %sign3A_3 = arith.cmpi slt, %arg1, %sign3A_2 : i32
    %sign3A_4 = arith.extui %sign3A_3 : i1 to i32
    %sign3A_5 = arith.subi %sign3A_1, %sign3A_4 : i32
    %sign3A_6 = arith.constant 0 : i32
    %sign3A_7 = arith.cmpi sgt, %jit3A, %sign3A_6 : i32
    %sign3A_8 = arith.extui %sign3A_7 : i1 to i32
    %sign3A_9 = arith.constant 0 : i32
    %sign3A_10 = arith.cmpi slt, %jit3A, %sign3A_9 : i32
    %sign3A_11 = arith.extui %sign3A_10 : i1 to i32
    %sign3A_12 = arith.subi %sign3A_8, %sign3A_11 : i32
    %ne3A = arith.cmpi ne, %sign3A_5, %sign3A_12 : i32
    %rem3A = arith.remsi %arg1, %jit3A : i32
    %ne3A_13 = arith.constant 0 : i32
    %ne3A_14 = arith.cmpi ne, %rem3A, %ne3A_13 : i32
    %and3A = arith.andi %ne3A, %ne3A_14 : i1
    %sub3A = arith.constant 1 : i32
    %sub3A_15 = arith.subi %div3A, %sub3A : i32
    %select_n3A = arith.select %and3A, %sub3A_15, %div3A : i32
    %jit3A_16 = arith.constant 2 : i32
    %eq3A = arith.constant 0 : i32
    %eq3A_17 = arith.cmpi eq, %jit3A_16, %eq3A : i32
    %jit3A_18 = arith.constant 1 : i32
    %select_n3A_19 = arith.select %eq3A_17, %jit3A_18, %jit3A_16 : i32
    %rem3A_20 = arith.remsi %arg1, %select_n3A_19 : i32
    %ne3A_21 = arith.constant 0 : i32
    %ne3A_22 = arith.cmpi ne, %rem3A_20, %ne3A_21 : i32
    %lt3A = arith.constant 0 : i32
    %lt3A_23 = arith.cmpi slt, %rem3A_20, %lt3A : i32
    %lt3A_24 = arith.constant 0 : i32
    %lt3A_25 = arith.cmpi slt, %select_n3A_19, %lt3A_24 : i32
    %ne3A_26 = arith.xori %lt3A_23, %lt3A_25 : i1
    %and3A_27 = arith.andi %ne3A_26, %ne3A_22 : i1
    %add3A = arith.addi %rem3A_20, %select_n3A_19 : i32
    %select_n3A_28 = arith.select %and3A_27, %add3A, %rem3A_20 : i32
    %mul3A = arith.constant 512 : i32
    %mul3A_29 = arith.muli %arg0, %mul3A : i32
    %mul3A_30 = arith.constant 16 : i32
    %mul3A_31 = arith.muli %mul3A_29, %mul3A_30 : i32
    %mul3A_32 = arith.constant 256 : i32
    %mul3A_33 = arith.muli %select_n3A_28, %mul3A_32 : i32
    %mul3A_34 = arith.constant 16 : i32
    %mul3A_35 = arith.muli %mul3A_33, %mul3A_34 : i32
    %add3A_36 = arith.addi %mul3A_31, %mul3A_35 : i32
    "tpu.region"() ({
      %run_scoped3A = tpu.sem_alloc : memref<!tpu.dma_semaphore, #tpu.memory_space<semaphore_mem>>
      %dma_start3A = tpu.memref_slice %arg2[%add3A_36] : memref<16384xf32, #tpu.memory_space<hbm>> -> memref<4096xf32, #tpu.memory_space<hbm>>
      %dma_start3A_2152 = tpu.memref_slice %arg2[%add3A_36] : memref<16384xf32, #tpu.memory_space<hbm>> -> memref<4096xf32, #tpu.memory_space<hbm>>
      tpu.enqueue_dma source(%dma_start3A_2152 : memref<4096xf32, #tpu.memory_space<hbm>>) target(%arg5 : memref<4096xf32, #tpu.memory_space<vmem>>) target_semaphore(%run_scoped3A : memref<!tpu.dma_semaphore, #tpu.memory_space<semaphore_mem>>)
      %dma_wait3A = tpu.memref_slice %arg2[%add3A_36] : memref<16384xf32, #tpu.memory_space<hbm>> -> memref<4096xf32, #tpu.memory_space<hbm>>
      %dma_wait3A_2153 = tpu.memref_slice %arg2[%add3A_36] : memref<16384xf32, #tpu.memory_space<hbm>> -> memref<4096xf32, #tpu.memory_space<hbm>>
      tpu.wait_dma2 semaphore(%run_scoped3A : memref<!tpu.dma_semaphore, #tpu.memory_space<semaphore_mem>>) src(%dma_wait3A_2153 : memref<4096xf32, #tpu.memory_space<hbm>>) dst(%arg5 : memref<4096xf32, #tpu.memory_space<vmem>>)
      tpu.yield
    }) : () -> ()
    %mul3A_37 = arith.constant 256 : i32
    %mul3A_38 = arith.muli %select_n3A_28, %mul3A_37 : i32
    "tpu.region"() ({
      %run_scoped3A = tpu.sem_alloc : memref<!tpu.dma_semaphore, #tpu.memory_space<semaphore_mem>>
      %dma_start3A = arith.constant 0 : i32
      %dma_start3A_2152 = tpu.memref_slice %arg3[%dma_start3A, %mul3A_38] : memref<8x512xf32, #tpu.memory_space<hbm>> -> memref<8x256xf32, #tpu.memory_space<hbm>>
      %dma_start3A_2153 = arith.constant 0 : i32
      %dma_start3A_2154 = tpu.memref_slice %arg3[%dma_start3A_2153, %mul3A_38] : memref<8x512xf32, #tpu.memory_space<hbm>> -> memref<8x256xf32, #tpu.memory_space<hbm>>
      tpu.enqueue_dma source(%dma_start3A_2154 : memref<8x256xf32, #tpu.memory_space<hbm>>) target(%arg6 : memref<8x256xf32, #tpu.memory_space<vmem>>) target_semaphore(%run_scoped3A : memref<!tpu.dma_semaphore, #tpu.memory_space<semaphore_mem>>)
      %dma_wait3A = arith.constant 0 : i32
      %dma_wait3A_2155 = tpu.memref_slice %arg3[%dma_wait3A, %mul3A_38] : memref<8x512xf32, #tpu.memory_space<hbm>> -> memref<8x256xf32, #tpu.memory_space<hbm>>
      %dma_wait3A_2156 = arith.constant 0 : i32
      %dma_wait3A_2157 = tpu.memref_slice %arg3[%dma_wait3A_2156, %mul3A_38] : memref<8x512xf32, #tpu.memory_space<hbm>> -> memref<8x256xf32, #tpu.memory_space<hbm>>
      tpu.wait_dma2 semaphore(%run_scoped3A : memref<!tpu.dma_semaphore, #tpu.memory_space<semaphore_mem>>) src(%dma_wait3A_2157 : memref<8x256xf32, #tpu.memory_space<hbm>>) dst(%arg6 : memref<8x256xf32, #tpu.memory_space<vmem>>)
      tpu.yield
    }) : () -> ()
    %broadcast_in_dim3A = arith.constant 0.000000e+00 : f32
    %broadcast_in_dim3A_39 = vector.broadcast %broadcast_in_dim3A : f32 to vector<16xf32>
    %get3A = arith.index_cast %select_n3A : i32 to index
    %get3A_40 = arith.constant 0 : index
    %get3A_41 = tpu.vector_load %arg6[%get3A, %get3A_40] {strides = array<i32>} : memref<8x256xf32, #tpu.memory_space<vmem>>, vector<1x16xf32>,
    %get3A_42 = vector.shape_cast %get3A_41 : vector<1x16xf32> to vector<16xf32>
    %slice3A = vector.extract_strided_slice %get3A_42 {offsets = [0], sizes = [1], strides = [1]} : vector<16xf32> to vector<1xf32>
    %squeeze3A = vector.extract %slice3A[0] : f32 from vector<1xf32>
    %get3A_43 = arith.constant 0 : index
    %get3A_44 = tpu.vector_load %arg5[%get3A_43] {strides = array<i32>} : memref<4096xf32, #tpu.memory_space<vmem>>, vector<16xf32>,
    %get3A_45 = vector.shape_cast %get3A_44 : vector<16xf32> to vector<16xf32>
    %mul3A_46 = vector.broadcast %squeeze3A : f32 to vector<16xf32>
    %mul3A_47 = arith.mulf %mul3A_46, %get3A_45 : vector<16xf32>
    %add3A_48 = arith.addf %broadcast_in_dim3A_39, %mul3A_47 : vector<16xf32>
    %slice3A_49 = vector.extract_strided_slice %get3A_42 {offsets = [1], sizes = [1], strides = [1]} : vector<16xf32> to vector<1xf32>
    %squeeze3A_50 = vector.extract %slice3A_49[0] : f32 from vector<1xf32>
    %get3A_51 = arith.constant 16 : index
    %get3A_52 = tpu.vector_load %arg5[%get3A_51] {strides = array<i32>} : memref<4096xf32, #tpu.memory_space<vmem>>, vector<16xf32>,
    %get3A_53 = vector.shape_cast %get3A_52 : vector<16xf32> to vector<16xf32>
    %mul3A_54 = vector.broadcast %squeeze3A_50 : f32 to vector<16xf32>
    %mul3A_55 = arith.mulf %mul3A_54, %get3A_53 : vector<16xf32>
    %add3A_56 = arith.addf %add3A_48, %mul3A_55 : vector<16xf32>
    %slice3A_57 = vector.extract_strided_slice %get3A_42 {offsets = [2], sizes = [1], strides = [1]} : vector<16xf32> to vector<1xf32>
    %squeeze3A_58 = vector.extract %slice3A_57[0] : f32 from vector<1xf32>
    %get3A_59 = arith.constant 32 : index
    %get3A_60 = tpu.vector_load %arg5[%get3A_59] {strides = array<i32>} : memref<4096xf32, #tpu.memory_space<vmem>>, vector<16xf32>,
    %get3A_61 = vector.shape_cast %get3A_60 : vector<16xf32> to vector<16xf32>
    %mul3A_62 = vector.broadcast %squeeze3A_58 : f32 to vector<16xf32>
    %mul3A_63 = arith.mulf %mul3A_62, %get3A_61 : vector<16xf32>
    %add3A_64 = arith.addf %add3A_56, %mul3A_63 : vector<16xf32>
    %slice3A_65 = vector.extract_strided_slice %get3A_42 {offsets = [3], sizes = [1], strides = [1]} : vector<16xf32> to vector<1xf32>
    %squeeze3A_66 = vector.extract %slice3A_65[0] : f32 from vector<1xf32>
    %get3A_67 = arith.constant 48 : index
    %get3A_68 = tpu.vector_load %arg5[%get3A_67] {strides = array<i32>} : memref<4096xf32, #tpu.memory_space<vmem>>, vector<16xf32>,
    %get3A_69 = vector.shape_cast %get3A_68 : vector<16xf32> to vector<16xf32>
    %mul3A_70 = vector.broadcast %squeeze3A_66 : f32 to vector<16xf32>
    %mul3A_71 = arith.mulf %mul3A_70, %get3A_69 : vector<16xf32>
    %add3A_72 = arith.addf %add3A_64, %mul3A_71 : vector<16xf32>
    %slice3A_73 = vector.extract_strided_slice %get3A_42 {offsets = [4], sizes = [1], strides = [1]} : vector<16xf32> to vector<1xf32>
    %squeeze3A_74 = vector.extract %slice3A_73[0] : f32 from vector<1xf32>
    %get3A_75 = arith.constant 64 : index
    %get3A_76 = tpu.vector_load %arg5[%get3A_75] {strides = array<i32>} : memref<4096xf32, #tpu.memory_space<vmem>>, vector<16xf32>,
    %get3A_77 = vector.shape_cast %get3A_76 : vector<16xf32> to vector<16xf32>
    %mul3A_78 = vector.broadcast %squeeze3A_74 : f32 to vector<16xf32>
    %mul3A_79 = arith.mulf %mul3A_78, %get3A_77 : vector<16xf32>
    %add3A_80 = arith.addf %add3A_72, %mul3A_79 : vector<16xf32>
    %slice3A_81 = vector.extract_strided_slice %get3A_42 {offsets = [5], sizes = [1], strides = [1]} : vector<16xf32> to vector<1xf32>
    %squeeze3A_82 = vector.extract %slice3A_81[0] : f32 from vector<1xf32>
    %get3A_83 = arith.constant 80 : index
    %get3A_84 = tpu.vector_load %arg5[%get3A_83] {strides = array<i32>} : memref<4096xf32, #tpu.memory_space<vmem>>, vector<16xf32>,
    %get3A_85 = vector.shape_cast %get3A_84 : vector<16xf32> to vector<16xf32>
    %mul3A_86 = vector.broadcast %squeeze3A_82 : f32 to vector<16xf32>
    %mul3A_87 = arith.mulf %mul3A_86, %get3A_85 : vector<16xf32>
    %add3A_88 = arith.addf %add3A_80, %mul3A_87 : vector<16xf32>
    %slice3A_89 = vector.extract_strided_slice %get3A_42 {offsets = [6], sizes = [1], strides = [1]} : vector<16xf32> to vector<1xf32>
    %squeeze3A_90 = vector.extract %slice3A_89[0] : f32 from vector<1xf32>
    %get3A_91 = arith.constant 96 : index
    %get3A_92 = tpu.vector_load %arg5[%get3A_91] {strides = array<i32>} : memref<4096xf32, #tpu.memory_space<vmem>>, vector<16xf32>,
    %get3A_93 = vector.shape_cast %get3A_92 : vector<16xf32> to vector<16xf32>
    %mul3A_94 = vector.broadcast %squeeze3A_90 : f32 to vector<16xf32>
    %mul3A_95 = arith.mulf %mul3A_94, %get3A_93 : vector<16xf32>
    %add3A_96 = arith.addf %add3A_88, %mul3A_95 : vector<16xf32>
    %slice3A_97 = vector.extract_strided_slice %get3A_42 {offsets = [7], sizes = [1], strides = [1]} : vector<16xf32> to vector<1xf32>
    %squeeze3A_98 = vector.extract %slice3A_97[0] : f32 from vector<1xf32>
    %get3A_99 = arith.constant 112 : index
    %get3A_100 = tpu.vector_load %arg5[%get3A_99] {strides = array<i32>} : memref<4096xf32, #tpu.memory_space<vmem>>, vector<16xf32>,
    %get3A_101 = vector.shape_cast %get3A_100 : vector<16xf32> to vector<16xf32>
    %mul3A_102 = vector.broadcast %squeeze3A_98 : f32 to vector<16xf32>
    %mul3A_103 = arith.mulf %mul3A_102, %get3A_101 : vector<16xf32>
    %add3A_104 = arith.addf %add3A_96, %mul3A_103 : vector<16xf32>
    %slice3A_105 = vector.extract_strided_slice %get3A_42 {offsets = [8], sizes = [1], strides = [1]} : vector<16xf32> to vector<1xf32>
    %squeeze3A_106 = vector.extract %slice3A_105[0] : f32 from vector<1xf32>
    %get3A_107 = arith.constant 128 : index
    %get3A_108 = tpu.vector_load %arg5[%get3A_107] {strides = array<i32>} : memref<4096xf32, #tpu.memory_space<vmem>>, vector<16xf32>,
    %get3A_109 = vector.shape_cast %get3A_108 : vector<16xf32> to vector<16xf32>
    %mul3A_110 = vector.broadcast %squeeze3A_106 : f32 to vector<16xf32>
    %mul3A_111 = arith.mulf %mul3A_110, %get3A_109 : vector<16xf32>
    %add3A_112 = arith.addf %add3A_104, %mul3A_111 : vector<16xf32>
    %slice3A_113 = vector.extract_strided_slice %get3A_42 {offsets = [9], sizes = [1], strides = [1]} : vector<16xf32> to vector<1xf32>
    %squeeze3A_114 = vector.extract %slice3A_113[0] : f32 from vector<1xf32>
    %get3A_115 = arith.constant 144 : index
    %get3A_116 = tpu.vector_load %arg5[%get3A_115] {strides = array<i32>} : memref<4096xf32, #tpu.memory_space<vmem>>, vector<16xf32>,
    %get3A_117 = vector.shape_cast %get3A_116 : vector<16xf32> to vector<16xf32>
    %mul3A_118 = vector.broadcast %squeeze3A_114 : f32 to vector<16xf32>
    %mul3A_119 = arith.mulf %mul3A_118, %get3A_117 : vector<16xf32>
    %add3A_120 = arith.addf %add3A_112, %mul3A_119 : vector<16xf32>
    %slice3A_121 = vector.extract_strided_slice %get3A_42 {offsets = [10], sizes = [1], strides = [1]} : vector<16xf32> to vector<1xf32>
    %squeeze3A_122 = vector.extract %slice3A_121[0] : f32 from vector<1xf32>
    %get3A_123 = arith.constant 160 : index
    %get3A_124 = tpu.vector_load %arg5[%get3A_123] {strides = array<i32>} : memref<4096xf32, #tpu.memory_space<vmem>>, vector<16xf32>,
    %get3A_125 = vector.shape_cast %get3A_124 : vector<16xf32> to vector<16xf32>
    %mul3A_126 = vector.broadcast %squeeze3A_122 : f32 to vector<16xf32>
    %mul3A_127 = arith.mulf %mul3A_126, %get3A_125 : vector<16xf32>
    %add3A_128 = arith.addf %add3A_120, %mul3A_127 : vector<16xf32>
    %slice3A_129 = vector.extract_strided_slice %get3A_42 {offsets = [11], sizes = [1], strides = [1]} : vector<16xf32> to vector<1xf32>
    %squeeze3A_130 = vector.extract %slice3A_129[0] : f32 from vector<1xf32>
    %get3A_131 = arith.constant 176 : index
    %get3A_132 = tpu.vector_load %arg5[%get3A_131] {strides = array<i32>} : memref<4096xf32, #tpu.memory_space<vmem>>, vector<16xf32>,
    %get3A_133 = vector.shape_cast %get3A_132 : vector<16xf32> to vector<16xf32>
    %mul3A_134 = vector.broadcast %squeeze3A_130 : f32 to vector<16xf32>
    %mul3A_135 = arith.mulf %mul3A_134, %get3A_133 : vector<16xf32>
    %add3A_136 = arith.addf %add3A_128, %mul3A_135 : vector<16xf32>
    %slice3A_137 = vector.extract_strided_slice %get3A_42 {offsets = [12], sizes = [1], strides = [1]} : vector<16xf32> to vector<1xf32>
    %squeeze3A_138 = vector.extract %slice3A_137[0] : f32 from vector<1xf32>
    %get3A_139 = arith.constant 192 : index
    %get3A_140 = tpu.vector_load %arg5[%get3A_139] {strides = array<i32>} : memref<4096xf32, #tpu.memory_space<vmem>>, vector<16xf32>,
    %get3A_141 = vector.shape_cast %get3A_140 : vector<16xf32> to vector<16xf32>
    %mul3A_142 = vector.broadcast %squeeze3A_138 : f32 to vector<16xf32>
    %mul3A_143 = arith.mulf %mul3A_142, %get3A_141 : vector<16xf32>
    %add3A_144 = arith.addf %add3A_136, %mul3A_143 : vector<16xf32>
    %slice3A_145 = vector.extract_strided_slice %get3A_42 {offsets = [13], sizes = [1], strides = [1]} : vector<16xf32> to vector<1xf32>
    %squeeze3A_146 = vector.extract %slice3A_145[0] : f32 from vector<1xf32>
    %get3A_147 = arith.constant 208 : index
    %get3A_148 = tpu.vector_load %arg5[%get3A_147] {strides = array<i32>} : memref<4096xf32, #tpu.memory_space<vmem>>, vector<16xf32>,
    %get3A_149 = vector.shape_cast %get3A_148 : vector<16xf32> to vector<16xf32>
    %mul3A_150 = vector.broadcast %squeeze3A_146 : f32 to vector<16xf32>
    %mul3A_151 = arith.mulf %mul3A_150, %get3A_149 : vector<16xf32>
    %add3A_152 = arith.addf %add3A_144, %mul3A_151 : vector<16xf32>
    %slice3A_153 = vector.extract_strided_slice %get3A_42 {offsets = [14], sizes = [1], strides = [1]} : vector<16xf32> to vector<1xf32>
    %squeeze3A_154 = vector.extract %slice3A_153[0] : f32 from vector<1xf32>
    %get3A_155 = arith.constant 224 : index
    %get3A_156 = tpu.vector_load %arg5[%get3A_155] {strides = array<i32>} : memref<4096xf32, #tpu.memory_space<vmem>>, vector<16xf32>,
    %get3A_157 = vector.shape_cast %get3A_156 : vector<16xf32> to vector<16xf32>
    %mul3A_158 = vector.broadcast %squeeze3A_154 : f32 to vector<16xf32>
    %mul3A_159 = arith.mulf %mul3A_158, %get3A_157 : vector<16xf32>
    %add3A_160 = arith.addf %add3A_152, %mul3A_159 : vector<16xf32>
    %slice3A_161 = vector.extract_strided_slice %get3A_42 {offsets = [15], sizes = [1], strides = [1]} : vector<16xf32> to vector<1xf32>
    %squeeze3A_162 = vector.extract %slice3A_161[0] : f32 from vector<1xf32>
    %get3A_163 = arith.constant 240 : index
    %get3A_164 = tpu.vector_load %arg5[%get3A_163] {strides = array<i32>} : memref<4096xf32, #tpu.memory_space<vmem>>, vector<16xf32>,
    %get3A_165 = vector.shape_cast %get3A_164 : vector<16xf32> to vector<16xf32>
    %mul3A_166 = vector.broadcast %squeeze3A_162 : f32 to vector<16xf32>
    %mul3A_167 = arith.mulf %mul3A_166, %get3A_165 : vector<16xf32>
    %add3A_168 = arith.addf %add3A_160, %mul3A_167 : vector<16xf32>
    %get3A_169 = arith.index_cast %select_n3A : i32 to index
    %get3A_170 = arith.constant 16 : index
    %get3A_171 = tpu.vector_load %arg6[%get3A_169, %get3A_170] {strides = array<i32>} : memref<8x256xf32, #tpu.memory_space<vmem>>, vector<1x16xf32>,
    %get3A_172 = vector.shape_cast %get3A_171 : vector<1x16xf32> to vector<16xf32>
    %slice3A_173 = vector.extract_strided_slice %get3A_172 {offsets = [0], sizes = [1], strides = [1]} : vector<16xf32> to vector<1xf32>
    %squeeze3A_174 = vector.extract %slice3A_173[0] : f32 from vector<1xf32>
    %get3A_175 = arith.constant 256 : index
    %get3A_176 = tpu.vector_load %arg5[%get3A_175] {strides = array<i32>} : memref<4096xf32, #tpu.memory_space<vmem>>, vector<16xf32>,
    %get3A_177 = vector.shape_cast %get3A_176 : vector<16xf32> to vector<16xf32>
    %mul3A_178 = vector.broadcast %squeeze3A_174 : f32 to vector<16xf32>
    %mul3A_179 = arith.mulf %mul3A_178, %get3A_177 : vector<16xf32>
    %add3A_180 = arith.addf %add3A_168, %mul3A_179 : vector<16xf32>
    %slice3A_181 = vector.extract_strided_slice %get3A_172 {offsets = [1], sizes = [1], strides = [1]} : vector<16xf32> to vector<1xf32>
    %squeeze3A_182 = vector.extract %slice3A_181[0] : f32 from vector<1xf32>
    %get3A_183 = arith.constant 272 : index
    %get3A_184 = tpu.vector_load %arg5[%get3A_183] {strides = array<i32>} : memref<4096xf32, #tpu.memory_space<vmem>>, vector<16xf32>,
    %get3A_185 = vector.shape_cast %get3A_184 : vector<16xf32> to vector<16xf32>
    %mul3A_186 = vector.broadcast %squeeze3A_182 : f32 to vector<16xf32>
    %mul3A_187 = arith.mulf %mul3A_186, %get3A_185 : vector<16xf32>
    %add3A_188 = arith.addf %add3A_180, %mul3A_187 : vector<16xf32>
    %slice3A_189 = vector.extract_strided_slice %get3A_172 {offsets = [2], sizes = [1], strides = [1]} : vector<16xf32> to vector<1xf32>
    %squeeze3A_190 = vector.extract %slice3A_189[0] : f32 from vector<1xf32>
    %get3A_191 = arith.constant 288 : index
    %get3A_192 = tpu.vector_load %arg5[%get3A_191] {strides = array<i32>} : memref<4096xf32, #tpu.memory_space<vmem>>, vector<16xf32>,
    %get3A_193 = vector.shape_cast %get3A_192 : vector<16xf32> to vector<16xf32>
    %mul3A_194 = vector.broadcast %squeeze3A_190 : f32 to vector<16xf32>
    %mul3A_195 = arith.mulf %mul3A_194, %get3A_193 : vector<16xf32>
    %add3A_196 = arith.addf %add3A_188, %mul3A_195 : vector<16xf32>
    %slice3A_197 = vector.extract_strided_slice %get3A_172 {offsets = [3], sizes = [1], strides = [1]} : vector<16xf32> to vector<1xf32>
    %squeeze3A_198 = vector.extract %slice3A_197[0] : f32 from vector<1xf32>
    %get3A_199 = arith.constant 304 : index
    %get3A_200 = tpu.vector_load %arg5[%get3A_199] {strides = array<i32>} : memref<4096xf32, #tpu.memory_space<vmem>>, vector<16xf32>,
    %get3A_201 = vector.shape_cast %get3A_200 : vector<16xf32> to vector<16xf32>
    %mul3A_202 = vector.broadcast %squeeze3A_198 : f32 to vector<16xf32>
    %mul3A_203 = arith.mulf %mul3A_202, %get3A_201 : vector<16xf32>
    %add3A_204 = arith.addf %add3A_196, %mul3A_203 : vector<16xf32>
    %slice3A_205 = vector.extract_strided_slice %get3A_172 {offsets = [4], sizes = [1], strides = [1]} : vector<16xf32> to vector<1xf32>
    %squeeze3A_206 = vector.extract %slice3A_205[0] : f32 from vector<1xf32>
    %get3A_207 = arith.constant 320 : index
    %get3A_208 = tpu.vector_load %arg5[%get3A_207] {strides = array<i32>} : memref<4096xf32, #tpu.memory_space<vmem>>, vector<16xf32>,
    %get3A_209 = vector.shape_cast %get3A_208 : vector<16xf32> to vector<16xf32>
    %mul3A_210 = vector.broadcast %squeeze3A_206 : f32 to vector<16xf32>
    %mul3A_211 = arith.mulf %mul3A_210, %get3A_209 : vector<16xf32>
    %add3A_212 = arith.addf %add3A_204, %mul3A_211 : vector<16xf32>
    %slice3A_213 = vector.extract_strided_slice %get3A_172 {offsets = [5], sizes = [1], strides = [1]} : vector<16xf32> to vector<1xf32>
    %squeeze3A_214 = vector.extract %slice3A_213[0] : f32 from vector<1xf32>
    %get3A_215 = arith.constant 336 : index
    %get3A_216 = tpu.vector_load %arg5[%get3A_215] {strides = array<i32>} : memref<4096xf32, #tpu.memory_space<vmem>>, vector<16xf32>,
    %get3A_217 = vector.shape_cast %get3A_216 : vector<16xf32> to vector<16xf32>
    %mul3A_218 = vector.broadcast %squeeze3A_214 : f32 to vector<16xf32>
    %mul3A_219 = arith.mulf %mul3A_218, %get3A_217 : vector<16xf32>
    %add3A_220 = arith.addf %add3A_212, %mul3A_219 : vector<16xf32>
    %slice3A_221 = vector.extract_strided_slice %get3A_172 {offsets = [6], sizes = [1], strides = [1]} : vector<16xf32> to vector<1xf32>
    %squeeze3A_222 = vector.extract %slice3A_221[0] : f32 from vector<1xf32>
    %get3A_223 = arith.constant 352 : index
    %get3A_224 = tpu.vector_load %arg5[%get3A_223] {strides = array<i32>} : memref<4096xf32, #tpu.memory_space<vmem>>, vector<16xf32>,
    %get3A_225 = vector.shape_cast %get3A_224 : vector<16xf32> to vector<16xf32>
    %mul3A_226 = vector.broadcast %squeeze3A_222 : f32 to vector<16xf32>
    %mul3A_227 = arith.mulf %mul3A_226, %get3A_225 : vector<16xf32>
    %add3A_228 = arith.addf %add3A_220, %mul3A_227 : vector<16xf32>
    %slice3A_229 = vector.extract_strided_slice %get3A_172 {offsets = [7], sizes = [1], strides = [1]} : vector<16xf32> to vector<1xf32>
    %squeeze3A_230 = vector.extract %slice3A_229[0] : f32 from vector<1xf32>
    %get3A_231 = arith.constant 368 : index
    %get3A_232 = tpu.vector_load %arg5[%get3A_231] {strides = array<i32>} : memref<4096xf32, #tpu.memory_space<vmem>>, vector<16xf32>,
    %get3A_233 = vector.shape_cast %get3A_232 : vector<16xf32> to vector<16xf32>
    %mul3A_234 = vector.broadcast %squeeze3A_230 : f32 to vector<16xf32>
    %mul3A_235 = arith.mulf %mul3A_234, %get3A_233 : vector<16xf32>
    %add3A_236 = arith.addf %add3A_228, %mul3A_235 : vector<16xf32>
    %slice3A_237 = vector.extract_strided_slice %get3A_172 {offsets = [8], sizes = [1], strides = [1]} : vector<16xf32> to vector<1xf32>
    %squeeze3A_238 = vector.extract %slice3A_237[0] : f32 from vector<1xf32>
    %get3A_239 = arith.constant 384 : index
    %get3A_240 = tpu.vector_load %arg5[%get3A_239] {strides = array<i32>} : memref<4096xf32, #tpu.memory_space<vmem>>, vector<16xf32>,
    %get3A_241 = vector.shape_cast %get3A_240 : vector<16xf32> to vector<16xf32>
    %mul3A_242 = vector.broadcast %squeeze3A_238 : f32 to vector<16xf32>
    %mul3A_243 = arith.mulf %mul3A_242, %get3A_241 : vector<16xf32>
    %add3A_244 = arith.addf %add3A_236, %mul3A_243 : vector<16xf32>
    %slice3A_245 = vector.extract_strided_slice %get3A_172 {offsets = [9], sizes = [1], strides = [1]} : vector<16xf32> to vector<1xf32>
    %squeeze3A_246 = vector.extract %slice3A_245[0] : f32 from vector<1xf32>
    %get3A_247 = arith.constant 400 : index
    %get3A_248 = tpu.vector_load %arg5[%get3A_247] {strides = array<i32>} : memref<4096xf32, #tpu.memory_space<vmem>>, vector<16xf32>,
    %get3A_249 = vector.shape_cast %get3A_248 : vector<16xf32> to vector<16xf32>
    %mul3A_250 = vector.broadcast %squeeze3A_246 : f32 to vector<16xf32>
    %mul3A_251 = arith.mulf %mul3A_250, %get3A_249 : vector<16xf32>
    %add3A_252 = arith.addf %add3A_244, %mul3A_251 : vector<16xf32>
    %slice3A_253 = vector.extract_strided_slice %get3A_172 {offsets = [10], sizes = [1], strides = [1]} : vector<16xf32> to vector<1xf32>
    %squeeze3A_254 = vector.extract %slice3A_253[0] : f32 from vector<1xf32>
    %get3A_255 = arith.constant 416 : index
    %get3A_256 = tpu.vector_load %arg5[%get3A_255] {strides = array<i32>} : memref<4096xf32, #tpu.memory_space<vmem>>, vector<16xf32>,
    %get3A_257 = vector.shape_cast %get3A_256 : vector<16xf32> to vector<16xf32>
    %mul3A_258 = vector.broadcast %squeeze3A_254 : f32 to vector<16xf32>
    %mul3A_259 = arith.mulf %mul3A_258, %get3A_257 : vector<16xf32>
    %add3A_260 = arith.addf %add3A_252, %mul3A_259 : vector<16xf32>
    %slice3A_261 = vector.extract_strided_slice %get3A_172 {offsets = [11], sizes = [1], strides = [1]} : vector<16xf32> to vector<1xf32>
    %squeeze3A_262 = vector.extract %slice3A_261[0] : f32 from vector<1xf32>
    %get3A_263 = arith.constant 432 : index
    %get3A_264 = tpu.vector_load %arg5[%get3A_263] {strides = array<i32>} : memref<4096xf32, #tpu.memory_space<vmem>>, vector<16xf32>,
    %get3A_265 = vector.shape_cast %get3A_264 : vector<16xf32> to vector<16xf32>
    %mul3A_266 = vector.broadcast %squeeze3A_262 : f32 to vector<16xf32>
    %mul3A_267 = arith.mulf %mul3A_266, %get3A_265 : vector<16xf32>
    %add3A_268 = arith.addf %add3A_260, %mul3A_267 : vector<16xf32>
    %slice3A_269 = vector.extract_strided_slice %get3A_172 {offsets = [12], sizes = [1], strides = [1]} : vector<16xf32> to vector<1xf32>
    %squeeze3A_270 = vector.extract %slice3A_269[0] : f32 from vector<1xf32>
    %get3A_271 = arith.constant 448 : index
    %get3A_272 = tpu.vector_load %arg5[%get3A_271] {strides = array<i32>} : memref<4096xf32, #tpu.memory_space<vmem>>, vector<16xf32>,
    %get3A_273 = vector.shape_cast %get3A_272 : vector<16xf32> to vector<16xf32>
    %mul3A_274 = vector.broadcast %squeeze3A_270 : f32 to vector<16xf32>
    %mul3A_275 = arith.mulf %mul3A_274, %get3A_273 : vector<16xf32>
    %add3A_276 = arith.addf %add3A_268, %mul3A_275 : vector<16xf32>
    %slice3A_277 = vector.extract_strided_slice %get3A_172 {offsets = [13], sizes = [1], strides = [1]} : vector<16xf32> to vector<1xf32>
    %squeeze3A_278 = vector.extract %slice3A_277[0] : f32 from vector<1xf32>
    %get3A_279 = arith.constant 464 : index
    %get3A_280 = tpu.vector_load %arg5[%get3A_279] {strides = array<i32>} : memref<4096xf32, #tpu.memory_space<vmem>>, vector<16xf32>,
    %get3A_281 = vector.shape_cast %get3A_280 : vector<16xf32> to vector<16xf32>
    %mul3A_282 = vector.broadcast %squeeze3A_278 : f32 to vector<16xf32>
    %mul3A_283 = arith.mulf %mul3A_282, %get3A_281 : vector<16xf32>
    %add3A_284 = arith.addf %add3A_276, %mul3A_283 : vector<16xf32>
    %slice3A_285 = vector.extract_strided_slice %get3A_172 {offsets = [14], sizes = [1], strides = [1]} : vector<16xf32> to vector<1xf32>
    %squeeze3A_286 = vector.extract %slice3A_285[0] : f32 from vector<1xf32>
    %get3A_287 = arith.constant 480 : index
    %get3A_288 = tpu.vector_load %arg5[%get3A_287] {strides = array<i32>} : memref<4096xf32, #tpu.memory_space<vmem>>, vector<16xf32>,
    %get3A_289 = vector.shape_cast %get3A_288 : vector<16xf32> to vector<16xf32>
    %mul3A_290 = vector.broadcast %squeeze3A_286 : f32 to vector<16xf32>
    %mul3A_291 = arith.mulf %mul3A_290, %get3A_289 : vector<16xf32>
    %add3A_292 = arith.addf %add3A_284, %mul3A_291 : vector<16xf32>
    %slice3A_293 = vector.extract_strided_slice %get3A_172 {offsets = [15], sizes = [1], strides = [1]} : vector<16xf32> to vector<1xf32>
    %squeeze3A_294 = vector.extract %slice3A_293[0] : f32 from vector<1xf32>
    %get3A_295 = arith.constant 496 : index
    %get3A_296 = tpu.vector_load %arg5[%get3A_295] {strides = array<i32>} : memref<4096xf32, #tpu.memory_space<vmem>>, vector<16xf32>,
    %get3A_297 = vector.shape_cast %get3A_296 : vector<16xf32> to vector<16xf32>
    %mul3A_298 = vector.broadcast %squeeze3A_294 : f32 to vector<16xf32>
    %mul3A_299 = arith.mulf %mul3A_298, %get3A_297 : vector<16xf32>
    %add3A_300 = arith.addf %add3A_292, %mul3A_299 : vector<16xf32>
    %get3A_301 = arith.index_cast %select_n3A : i32 to index
    %get3A_302 = arith.constant 32 : index
    %get3A_303 = tpu.vector_load %arg6[%get3A_301, %get3A_302] {strides = array<i32>} : memref<8x256xf32, #tpu.memory_space<vmem>>, vector<1x16xf32>,
    %get3A_304 = vector.shape_cast %get3A_303 : vector<1x16xf32> to vector<16xf32>
    %slice3A_305 = vector.extract_strided_slice %get3A_304 {offsets = [0], sizes = [1], strides = [1]} : vector<16xf32> to vector<1xf32>
    %squeeze3A_306 = vector.extract %slice3A_305[0] : f32 from vector<1xf32>
    %get3A_307 = arith.constant 512 : index
    %get3A_308 = tpu.vector_load %arg5[%get3A_307] {strides = array<i32>} : memref<4096xf32, #tpu.memory_space<vmem>>, vector<16xf32>,
    %get3A_309 = vector.shape_cast %get3A_308 : vector<16xf32> to vector<16xf32>
    %mul3A_310 = vector.broadcast %squeeze3A_306 : f32 to vector<16xf32>
    %mul3A_311 = arith.mulf %mul3A_310, %get3A_309 : vector<16xf32>
    %add3A_312 = arith.addf %add3A_300, %mul3A_311 : vector<16xf32>
    %slice3A_313 = vector.extract_strided_slice %get3A_304 {offsets = [1], sizes = [1], strides = [1]} : vector<16xf32> to vector<1xf32>
    %squeeze3A_314 = vector.extract %slice3A_313[0] : f32 from vector<1xf32>
    %get3A_315 = arith.constant 528 : index
    %get3A_316 = tpu.vector_load %arg5[%get3A_315] {strides = array<i32>} : memref<4096xf32, #tpu.memory_space<vmem>>, vector<16xf32>,
    %get3A_317 = vector.shape_cast %get3A_316 : vector<16xf32> to vector<16xf32>
    %mul3A_318 = vector.broadcast %squeeze3A_314 : f32 to vector<16xf32>
    %mul3A_319 = arith.mulf %mul3A_318, %get3A_317 : vector<16xf32>
    %add3A_320 = arith.addf %add3A_312, %mul3A_319 : vector<16xf32>
    %slice3A_321 = vector.extract_strided_slice %get3A_304 {offsets = [2], sizes = [1], strides = [1]} : vector<16xf32> to vector<1xf32>
    %squeeze3A_322 = vector.extract %slice3A_321[0] : f32 from vector<1xf32>
    %get3A_323 = arith.constant 544 : index
    %get3A_324 = tpu.vector_load %arg5[%get3A_323] {strides = array<i32>} : memref<4096xf32, #tpu.memory_space<vmem>>, vector<16xf32>,
    %get3A_325 = vector.shape_cast %get3A_324 : vector<16xf32> to vector<16xf32>
    %mul3A_326 = vector.broadcast %squeeze3A_322 : f32 to vector<16xf32>
    %mul3A_327 = arith.mulf %mul3A_326, %get3A_325 : vector<16xf32>
    %add3A_328 = arith.addf %add3A_320, %mul3A_327 : vector<16xf32>
    %slice3A_329 = vector.extract_strided_slice %get3A_304 {offsets = [3], sizes = [1], strides = [1]} : vector<16xf32> to vector<1xf32>
    %squeeze3A_330 = vector.extract %slice3A_329[0] : f32 from vector<1xf32>
    %get3A_331 = arith.constant 560 : index
    %get3A_332 = tpu.vector_load %arg5[%get3A_331] {strides = array<i32>} : memref<4096xf32, #tpu.memory_space<vmem>>, vector<16xf32>,
    %get3A_333 = vector.shape_cast %get3A_332 : vector<16xf32> to vector<16xf32>
    %mul3A_334 = vector.broadcast %squeeze3A_330 : f32 to vector<16xf32>
    %mul3A_335 = arith.mulf %mul3A_334, %get3A_333 : vector<16xf32>
    %add3A_336 = arith.addf %add3A_328, %mul3A_335 : vector<16xf32>
    %slice3A_337 = vector.extract_strided_slice %get3A_304 {offsets = [4], sizes = [1], strides = [1]} : vector<16xf32> to vector<1xf32>
    %squeeze3A_338 = vector.extract %slice3A_337[0] : f32 from vector<1xf32>
    %get3A_339 = arith.constant 576 : index
    %get3A_340 = tpu.vector_load %arg5[%get3A_339] {strides = array<i32>} : memref<4096xf32, #tpu.memory_space<vmem>>, vector<16xf32>,
    %get3A_341 = vector.shape_cast %get3A_340 : vector<16xf32> to vector<16xf32>
    %mul3A_342 = vector.broadcast %squeeze3A_338 : f32 to vector<16xf32>
    %mul3A_343 = arith.mulf %mul3A_342, %get3A_341 : vector<16xf32>
    %add3A_344 = arith.addf %add3A_336, %mul3A_343 : vector<16xf32>
    %slice3A_345 = vector.extract_strided_slice %get3A_304 {offsets = [5], sizes = [1], strides = [1]} : vector<16xf32> to vector<1xf32>
    %squeeze3A_346 = vector.extract %slice3A_345[0] : f32 from vector<1xf32>
    %get3A_347 = arith.constant 592 : index
    %get3A_348 = tpu.vector_load %arg5[%get3A_347] {strides = array<i32>} : memref<4096xf32, #tpu.memory_space<vmem>>, vector<16xf32>,
    %get3A_349 = vector.shape_cast %get3A_348 : vector<16xf32> to vector<16xf32>
    %mul3A_350 = vector.broadcast %squeeze3A_346 : f32 to vector<16xf32>
    %mul3A_351 = arith.mulf %mul3A_350, %get3A_349 : vector<16xf32>
    %add3A_352 = arith.addf %add3A_344, %mul3A_351 : vector<16xf32>
    %slice3A_353 = vector.extract_strided_slice %get3A_304 {offsets = [6], sizes = [1], strides = [1]} : vector<16xf32> to vector<1xf32>
    %squeeze3A_354 = vector.extract %slice3A_353[0] : f32 from vector<1xf32>
    %get3A_355 = arith.constant 608 : index
    %get3A_356 = tpu.vector_load %arg5[%get3A_355] {strides = array<i32>} : memref<4096xf32, #tpu.memory_space<vmem>>, vector<16xf32>,
    %get3A_357 = vector.shape_cast %get3A_356 : vector<16xf32> to vector<16xf32>
    %mul3A_358 = vector.broadcast %squeeze3A_354 : f32 to vector<16xf32>
    %mul3A_359 = arith.mulf %mul3A_358, %get3A_357 : vector<16xf32>
    %add3A_360 = arith.addf %add3A_352, %mul3A_359 : vector<16xf32>
    %slice3A_361 = vector.extract_strided_slice %get3A_304 {offsets = [7], sizes = [1], strides = [1]} : vector<16xf32> to vector<1xf32>
    %squeeze3A_362 = vector.extract %slice3A_361[0] : f32 from vector<1xf32>
    %get3A_363 = arith.constant 624 : index
    %get3A_364 = tpu.vector_load %arg5[%get3A_363] {strides = array<i32>} : memref<4096xf32, #tpu.memory_space<vmem>>, vector<16xf32>,
    %get3A_365 = vector.shape_cast %get3A_364 : vector<16xf32> to vector<16xf32>
    %mul3A_366 = vector.broadcast %squeeze3A_362 : f32 to vector<16xf32>
    %mul3A_367 = arith.mulf %mul3A_366, %get3A_365 : vector<16xf32>
    %add3A_368 = arith.addf %add3A_360, %mul3A_367 : vector<16xf32>
    %slice3A_369 = vector.extract_strided_slice %get3A_304 {offsets = [8], sizes = [1], strides = [1]} : vector<16xf32> to vector<1xf32>
    %squeeze3A_370 = vector.extract %slice3A_369[0] : f32 from vector<1xf32>
    %get3A_371 = arith.constant 640 : index
    %get3A_372 = tpu.vector_load %arg5[%get3A_371] {strides = array<i32>} : memref<4096xf32, #tpu.memory_space<vmem>>, vector<16xf32>,
    %get3A_373 = vector.shape_cast %get3A_372 : vector<16xf32> to vector<16xf32>
    %mul3A_374 = vector.broadcast %squeeze3A_370 : f32 to vector<16xf32>
    %mul3A_375 = arith.mulf %mul3A_374, %get3A_373 : vector<16xf32>
    %add3A_376 = arith.addf %add3A_368, %mul3A_375 : vector<16xf32>
    %slice3A_377 = vector.extract_strided_slice %get3A_304 {offsets = [9], sizes = [1], strides = [1]} : vector<16xf32> to vector<1xf32>
    %squeeze3A_378 = vector.extract %slice3A_377[0] : f32 from vector<1xf32>
    %get3A_379 = arith.constant 656 : index
    %get3A_380 = tpu.vector_load %arg5[%get3A_379] {strides = array<i32>} : memref<4096xf32, #tpu.memory_space<vmem>>, vector<16xf32>,
    %get3A_381 = vector.shape_cast %get3A_380 : vector<16xf32> to vector<16xf32>
    %mul3A_382 = vector.broadcast %squeeze3A_378 : f32 to vector<16xf32>
    %mul3A_383 = arith.mulf %mul3A_382, %get3A_381 : vector<16xf32>
    %add3A_384 = arith.addf %add3A_376, %mul3A_383 : vector<16xf32>
    %slice3A_385 = vector.extract_strided_slice %get3A_304 {offsets = [10], sizes = [1], strides = [1]} : vector<16xf32> to vector<1xf32>
    %squeeze3A_386 = vector.extract %slice3A_385[0] : f32 from vector<1xf32>
    %get3A_387 = arith.constant 672 : index
    %get3A_388 = tpu.vector_load %arg5[%get3A_387] {strides = array<i32>} : memref<4096xf32, #tpu.memory_space<vmem>>, vector<16xf32>,
    %get3A_389 = vector.shape_cast %get3A_388 : vector<16xf32> to vector<16xf32>
    %mul3A_390 = vector.broadcast %squeeze3A_386 : f32 to vector<16xf32>
    %mul3A_391 = arith.mulf %mul3A_390, %get3A_389 : vector<16xf32>
    %add3A_392 = arith.addf %add3A_384, %mul3A_391 : vector<16xf32>
    %slice3A_393 = vector.extract_strided_slice %get3A_304 {offsets = [11], sizes = [1], strides = [1]} : vector<16xf32> to vector<1xf32>
    %squeeze3A_394 = vector.extract %slice3A_393[0] : f32 from vector<1xf32>
    %get3A_395 = arith.constant 688 : index
    %get3A_396 = tpu.vector_load %arg5[%get3A_395] {strides = array<i32>} : memref<4096xf32, #tpu.memory_space<vmem>>, vector<16xf32>,
    %get3A_397 = vector.shape_cast %get3A_396 : vector<16xf32> to vector<16xf32>
    %mul3A_398 = vector.broadcast %squeeze3A_394 : f32 to vector<16xf32>
    %mul3A_399 = arith.mulf %mul3A_398, %get3A_397 : vector<16xf32>
    %add3A_400 = arith.addf %add3A_392, %mul3A_399 : vector<16xf32>
    %slice3A_401 = vector.extract_strided_slice %get3A_304 {offsets = [12], sizes = [1], strides = [1]} : vector<16xf32> to vector<1xf32>
    %squeeze3A_402 = vector.extract %slice3A_401[0] : f32 from vector<1xf32>
    %get3A_403 = arith.constant 704 : index
    %get3A_404 = tpu.vector_load %arg5[%get3A_403] {strides = array<i32>} : memref<4096xf32, #tpu.memory_space<vmem>>, vector<16xf32>,
    %get3A_405 = vector.shape_cast %get3A_404 : vector<16xf32> to vector<16xf32>
    %mul3A_406 = vector.broadcast %squeeze3A_402 : f32 to vector<16xf32>
    %mul3A_407 = arith.mulf %mul3A_406, %get3A_405 : vector<16xf32>
    %add3A_408 = arith.addf %add3A_400, %mul3A_407 : vector<16xf32>
    %slice3A_409 = vector.extract_strided_slice %get3A_304 {offsets = [13], sizes = [1], strides = [1]} : vector<16xf32> to vector<1xf32>
    %squeeze3A_410 = vector.extract %slice3A_409[0] : f32 from vector<1xf32>
    %get3A_411 = arith.constant 720 : index
    %get3A_412 = tpu.vector_load %arg5[%get3A_411] {strides = array<i32>} : memref<4096xf32, #tpu.memory_space<vmem>>, vector<16xf32>,
    %get3A_413 = vector.shape_cast %get3A_412 : vector<16xf32> to vector<16xf32>
    %mul3A_414 = vector.broadcast %squeeze3A_410 : f32 to vector<16xf32>
    %mul3A_415 = arith.mulf %mul3A_414, %get3A_413 : vector<16xf32>
    %add3A_416 = arith.addf %add3A_408, %mul3A_415 : vector<16xf32>
    %slice3A_417 = vector.extract_strided_slice %get3A_304 {offsets = [14], sizes = [1], strides = [1]} : vector<16xf32> to vector<1xf32>
    %squeeze3A_418 = vector.extract %slice3A_417[0] : f32 from vector<1xf32>
    %get3A_419 = arith.constant 736 : index
    %get3A_420 = tpu.vector_load %arg5[%get3A_419] {strides = array<i32>} : memref<4096xf32, #tpu.memory_space<vmem>>, vector<16xf32>,
    %get3A_421 = vector.shape_cast %get3A_420 : vector<16xf32> to vector<16xf32>
    %mul3A_422 = vector.broadcast %squeeze3A_418 : f32 to vector<16xf32>
    %mul3A_423 = arith.mulf %mul3A_422, %get3A_421 : vector<16xf32>
    %add3A_424 = arith.addf %add3A_416, %mul3A_423 : vector<16xf32>
    %slice3A_425 = vector.extract_strided_slice %get3A_304 {offsets = [15], sizes = [1], strides = [1]} : vector<16xf32> to vector<1xf32>
    %squeeze3A_426 = vector.extract %slice3A_425[0] : f32 from vector<1xf32>
    %get3A_427 = arith.constant 752 : index
    %get3A_428 = tpu.vector_load %arg5[%get3A_427] {strides = array<i32>} : memref<4096xf32, #tpu.memory_space<vmem>>, vector<16xf32>,
    %get3A_429 = vector.shape_cast %get3A_428 : vector<16xf32> to vector<16xf32>
    %mul3A_430 = vector.broadcast %squeeze3A_426 : f32 to vector<16xf32>
    %mul3A_431 = arith.mulf %mul3A_430, %get3A_429 : vector<16xf32>
    %add3A_432 = arith.addf %add3A_424, %mul3A_431 : vector<16xf32>
    %get3A_433 = arith.index_cast %select_n3A : i32 to index
    %get3A_434 = arith.constant 48 : index
    %get3A_435 = tpu.vector_load %arg6[%get3A_433, %get3A_434] {strides = array<i32>} : memref<8x256xf32, #tpu.memory_space<vmem>>, vector<1x16xf32>,
    %get3A_436 = vector.shape_cast %get3A_435 : vector<1x16xf32> to vector<16xf32>
    %slice3A_437 = vector.extract_strided_slice %get3A_436 {offsets = [0], sizes = [1], strides = [1]} : vector<16xf32> to vector<1xf32>
    %squeeze3A_438 = vector.extract %slice3A_437[0] : f32 from vector<1xf32>
    %get3A_439 = arith.constant 768 : index
    %get3A_440 = tpu.vector_load %arg5[%get3A_439] {strides = array<i32>} : memref<4096xf32, #tpu.memory_space<vmem>>, vector<16xf32>,
    %get3A_441 = vector.shape_cast %get3A_440 : vector<16xf32> to vector<16xf32>
    %mul3A_442 = vector.broadcast %squeeze3A_438 : f32 to vector<16xf32>
    %mul3A_443 = arith.mulf %mul3A_442, %get3A_441 : vector<16xf32>
    %add3A_444 = arith.addf %add3A_432, %mul3A_443 : vector<16xf32>
    %slice3A_445 = vector.extract_strided_slice %get3A_436 {offsets = [1], sizes = [1], strides = [1]} : vector<16xf32> to vector<1xf32>
    %squeeze3A_446 = vector.extract %slice3A_445[0] : f32 from vector<1xf32>
    %get3A_447 = arith.constant 784 : index
    %get3A_448 = tpu.vector_load %arg5[%get3A_447] {strides = array<i32>} : memref<4096xf32, #tpu.memory_space<vmem>>, vector<16xf32>,
    %get3A_449 = vector.shape_cast %get3A_448 : vector<16xf32> to vector<16xf32>
    %mul3A_450 = vector.broadcast %squeeze3A_446 : f32 to vector<16xf32>
    %mul3A_451 = arith.mulf %mul3A_450, %get3A_449 : vector<16xf32>
    %add3A_452 = arith.addf %add3A_444, %mul3A_451 : vector<16xf32>
    %slice3A_453 = vector.extract_strided_slice %get3A_436 {offsets = [2], sizes = [1], strides = [1]} : vector<16xf32> to vector<1xf32>
    %squeeze3A_454 = vector.extract %slice3A_453[0] : f32 from vector<1xf32>
    %get3A_455 = arith.constant 800 : index
    %get3A_456 = tpu.vector_load %arg5[%get3A_455] {strides = array<i32>} : memref<4096xf32, #tpu.memory_space<vmem>>, vector<16xf32>,
    %get3A_457 = vector.shape_cast %get3A_456 : vector<16xf32> to vector<16xf32>
    %mul3A_458 = vector.broadcast %squeeze3A_454 : f32 to vector<16xf32>
    %mul3A_459 = arith.mulf %mul3A_458, %get3A_457 : vector<16xf32>
    %add3A_460 = arith.addf %add3A_452, %mul3A_459 : vector<16xf32>
    %slice3A_461 = vector.extract_strided_slice %get3A_436 {offsets = [3], sizes = [1], strides = [1]} : vector<16xf32> to vector<1xf32>
    %squeeze3A_462 = vector.extract %slice3A_461[0] : f32 from vector<1xf32>
    %get3A_463 = arith.constant 816 : index
    %get3A_464 = tpu.vector_load %arg5[%get3A_463] {strides = array<i32>} : memref<4096xf32, #tpu.memory_space<vmem>>, vector<16xf32>,
    %get3A_465 = vector.shape_cast %get3A_464 : vector<16xf32> to vector<16xf32>
    %mul3A_466 = vector.broadcast %squeeze3A_462 : f32 to vector<16xf32>
    %mul3A_467 = arith.mulf %mul3A_466, %get3A_465 : vector<16xf32>
    %add3A_468 = arith.addf %add3A_460, %mul3A_467 : vector<16xf32>
    %slice3A_469 = vector.extract_strided_slice %get3A_436 {offsets = [4], sizes = [1], strides = [1]} : vector<16xf32> to vector<1xf32>
    %squeeze3A_470 = vector.extract %slice3A_469[0] : f32 from vector<1xf32>
    %get3A_471 = arith.constant 832 : index
    %get3A_472 = tpu.vector_load %arg5[%get3A_471] {strides = array<i32>} : memref<4096xf32, #tpu.memory_space<vmem>>, vector<16xf32>,
    %get3A_473 = vector.shape_cast %get3A_472 : vector<16xf32> to vector<16xf32>
    %mul3A_474 = vector.broadcast %squeeze3A_470 : f32 to vector<16xf32>
    %mul3A_475 = arith.mulf %mul3A_474, %get3A_473 : vector<16xf32>
    %add3A_476 = arith.addf %add3A_468, %mul3A_475 : vector<16xf32>
    %slice3A_477 = vector.extract_strided_slice %get3A_436 {offsets = [5], sizes = [1], strides = [1]} : vector<16xf32> to vector<1xf32>
    %squeeze3A_478 = vector.extract %slice3A_477[0] : f32 from vector<1xf32>
    %get3A_479 = arith.constant 848 : index
    %get3A_480 = tpu.vector_load %arg5[%get3A_479] {strides = array<i32>} : memref<4096xf32, #tpu.memory_space<vmem>>, vector<16xf32>,
    %get3A_481 = vector.shape_cast %get3A_480 : vector<16xf32> to vector<16xf32>
    %mul3A_482 = vector.broadcast %squeeze3A_478 : f32 to vector<16xf32>
    %mul3A_483 = arith.mulf %mul3A_482, %get3A_481 : vector<16xf32>
    %add3A_484 = arith.addf %add3A_476, %mul3A_483 : vector<16xf32>
    %slice3A_485 = vector.extract_strided_slice %get3A_436 {offsets = [6], sizes = [1], strides = [1]} : vector<16xf32> to vector<1xf32>
    %squeeze3A_486 = vector.extract %slice3A_485[0] : f32 from vector<1xf32>
    %get3A_487 = arith.constant 864 : index
    %get3A_488 = tpu.vector_load %arg5[%get3A_487] {strides = array<i32>} : memref<4096xf32, #tpu.memory_space<vmem>>, vector<16xf32>,
    %get3A_489 = vector.shape_cast %get3A_488 : vector<16xf32> to vector<16xf32>
    %mul3A_490 = vector.broadcast %squeeze3A_486 : f32 to vector<16xf32>
    %mul3A_491 = arith.mulf %mul3A_490, %get3A_489 : vector<16xf32>
    %add3A_492 = arith.addf %add3A_484, %mul3A_491 : vector<16xf32>
    %slice3A_493 = vector.extract_strided_slice %get3A_436 {offsets = [7], sizes = [1], strides = [1]} : vector<16xf32> to vector<1xf32>
    %squeeze3A_494 = vector.extract %slice3A_493[0] : f32 from vector<1xf32>
    %get3A_495 = arith.constant 880 : index
    %get3A_496 = tpu.vector_load %arg5[%get3A_495] {strides = array<i32>} : memref<4096xf32, #tpu.memory_space<vmem>>, vector<16xf32>,
    %get3A_497 = vector.shape_cast %get3A_496 : vector<16xf32> to vector<16xf32>
    %mul3A_498 = vector.broadcast %squeeze3A_494 : f32 to vector<16xf32>
    %mul3A_499 = arith.mulf %mul3A_498, %get3A_497 : vector<16xf32>
    %add3A_500 = arith.addf %add3A_492, %mul3A_499 : vector<16xf32>
    %slice3A_501 = vector.extract_strided_slice %get3A_436 {offsets = [8], sizes = [1], strides = [1]} : vector<16xf32> to vector<1xf32>
    %squeeze3A_502 = vector.extract %slice3A_501[0] : f32 from vector<1xf32>
    %get3A_503 = arith.constant 896 : index
    %get3A_504 = tpu.vector_load %arg5[%get3A_503] {strides = array<i32>} : memref<4096xf32, #tpu.memory_space<vmem>>, vector<16xf32>,
    %get3A_505 = vector.shape_cast %get3A_504 : vector<16xf32> to vector<16xf32>
    %mul3A_506 = vector.broadcast %squeeze3A_502 : f32 to vector<16xf32>
    %mul3A_507 = arith.mulf %mul3A_506, %get3A_505 : vector<16xf32>
    %add3A_508 = arith.addf %add3A_500, %mul3A_507 : vector<16xf32>
    %slice3A_509 = vector.extract_strided_slice %get3A_436 {offsets = [9], sizes = [1], strides = [1]} : vector<16xf32> to vector<1xf32>
    %squeeze3A_510 = vector.extract %slice3A_509[0] : f32 from vector<1xf32>
    %get3A_511 = arith.constant 912 : index
    %get3A_512 = tpu.vector_load %arg5[%get3A_511] {strides = array<i32>} : memref<4096xf32, #tpu.memory_space<vmem>>, vector<16xf32>,
    %get3A_513 = vector.shape_cast %get3A_512 : vector<16xf32> to vector<16xf32>
    %mul3A_514 = vector.broadcast %squeeze3A_510 : f32 to vector<16xf32>
    %mul3A_515 = arith.mulf %mul3A_514, %get3A_513 : vector<16xf32>
    %add3A_516 = arith.addf %add3A_508, %mul3A_515 : vector<16xf32>
    %slice3A_517 = vector.extract_strided_slice %get3A_436 {offsets = [10], sizes = [1], strides = [1]} : vector<16xf32> to vector<1xf32>
    %squeeze3A_518 = vector.extract %slice3A_517[0] : f32 from vector<1xf32>
    %get3A_519 = arith.constant 928 : index
    %get3A_520 = tpu.vector_load %arg5[%get3A_519] {strides = array<i32>} : memref<4096xf32, #tpu.memory_space<vmem>>, vector<16xf32>,
    %get3A_521 = vector.shape_cast %get3A_520 : vector<16xf32> to vector<16xf32>
    %mul3A_522 = vector.broadcast %squeeze3A_518 : f32 to vector<16xf32>
    %mul3A_523 = arith.mulf %mul3A_522, %get3A_521 : vector<16xf32>
    %add3A_524 = arith.addf %add3A_516, %mul3A_523 : vector<16xf32>
    %slice3A_525 = vector.extract_strided_slice %get3A_436 {offsets = [11], sizes = [1], strides = [1]} : vector<16xf32> to vector<1xf32>
    %squeeze3A_526 = vector.extract %slice3A_525[0] : f32 from vector<1xf32>
    %get3A_527 = arith.constant 944 : index
    %get3A_528 = tpu.vector_load %arg5[%get3A_527] {strides = array<i32>} : memref<4096xf32, #tpu.memory_space<vmem>>, vector<16xf32>,
    %get3A_529 = vector.shape_cast %get3A_528 : vector<16xf32> to vector<16xf32>
    %mul3A_530 = vector.broadcast %squeeze3A_526 : f32 to vector<16xf32>
    %mul3A_531 = arith.mulf %mul3A_530, %get3A_529 : vector<16xf32>
    %add3A_532 = arith.addf %add3A_524, %mul3A_531 : vector<16xf32>
    %slice3A_533 = vector.extract_strided_slice %get3A_436 {offsets = [12], sizes = [1], strides = [1]} : vector<16xf32> to vector<1xf32>
    %squeeze3A_534 = vector.extract %slice3A_533[0] : f32 from vector<1xf32>
    %get3A_535 = arith.constant 960 : index
    %get3A_536 = tpu.vector_load %arg5[%get3A_535] {strides = array<i32>} : memref<4096xf32, #tpu.memory_space<vmem>>, vector<16xf32>,
    %get3A_537 = vector.shape_cast %get3A_536 : vector<16xf32> to vector<16xf32>
    %mul3A_538 = vector.broadcast %squeeze3A_534 : f32 to vector<16xf32>
    %mul3A_539 = arith.mulf %mul3A_538, %get3A_537 : vector<16xf32>
    %add3A_540 = arith.addf %add3A_532, %mul3A_539 : vector<16xf32>
    %slice3A_541 = vector.extract_strided_slice %get3A_436 {offsets = [13], sizes = [1], strides = [1]} : vector<16xf32> to vector<1xf32>
    %squeeze3A_542 = vector.extract %slice3A_541[0] : f32 from vector<1xf32>
    %get3A_543 = arith.constant 976 : index
    %get3A_544 = tpu.vector_load %arg5[%get3A_543] {strides = array<i32>} : memref<4096xf32, #tpu.memory_space<vmem>>, vector<16xf32>,
    %get3A_545 = vector.shape_cast %get3A_544 : vector<16xf32> to vector<16xf32>
    %mul3A_546 = vector.broadcast %squeeze3A_542 : f32 to vector<16xf32>
    %mul3A_547 = arith.mulf %mul3A_546, %get3A_545 : vector<16xf32>
    %add3A_548 = arith.addf %add3A_540, %mul3A_547 : vector<16xf32>
    %slice3A_549 = vector.extract_strided_slice %get3A_436 {offsets = [14], sizes = [1], strides = [1]} : vector<16xf32> to vector<1xf32>
    %squeeze3A_550 = vector.extract %slice3A_549[0] : f32 from vector<1xf32>
    %get3A_551 = arith.constant 992 : index
    %get3A_552 = tpu.vector_load %arg5[%get3A_551] {strides = array<i32>} : memref<4096xf32, #tpu.memory_space<vmem>>, vector<16xf32>,
    %get3A_553 = vector.shape_cast %get3A_552 : vector<16xf32> to vector<16xf32>
    %mul3A_554 = vector.broadcast %squeeze3A_550 : f32 to vector<16xf32>
    %mul3A_555 = arith.mulf %mul3A_554, %get3A_553 : vector<16xf32>
    %add3A_556 = arith.addf %add3A_548, %mul3A_555 : vector<16xf32>
    %slice3A_557 = vector.extract_strided_slice %get3A_436 {offsets = [15], sizes = [1], strides = [1]} : vector<16xf32> to vector<1xf32>
    %squeeze3A_558 = vector.extract %slice3A_557[0] : f32 from vector<1xf32>
    %get3A_559 = arith.constant 1008 : index
    %get3A_560 = tpu.vector_load %arg5[%get3A_559] {strides = array<i32>} : memref<4096xf32, #tpu.memory_space<vmem>>, vector<16xf32>,
    %get3A_561 = vector.shape_cast %get3A_560 : vector<16xf32> to vector<16xf32>
    %mul3A_562 = vector.broadcast %squeeze3A_558 : f32 to vector<16xf32>
    %mul3A_563 = arith.mulf %mul3A_562, %get3A_561 : vector<16xf32>
    %add3A_564 = arith.addf %add3A_556, %mul3A_563 : vector<16xf32>
    %get3A_565 = arith.index_cast %select_n3A : i32 to index
    %get3A_566 = arith.constant 64 : index
    %get3A_567 = tpu.vector_load %arg6[%get3A_565, %get3A_566] {strides = array<i32>} : memref<8x256xf32, #tpu.memory_space<vmem>>, vector<1x16xf32>,
    %get3A_568 = vector.shape_cast %get3A_567 : vector<1x16xf32> to vector<16xf32>
    %slice3A_569 = vector.extract_strided_slice %get3A_568 {offsets = [0], sizes = [1], strides = [1]} : vector<16xf32> to vector<1xf32>
    %squeeze3A_570 = vector.extract %slice3A_569[0] : f32 from vector<1xf32>
    %get3A_571 = arith.constant 1024 : index
    %get3A_572 = tpu.vector_load %arg5[%get3A_571] {strides = array<i32>} : memref<4096xf32, #tpu.memory_space<vmem>>, vector<16xf32>,
    %get3A_573 = vector.shape_cast %get3A_572 : vector<16xf32> to vector<16xf32>
    %mul3A_574 = vector.broadcast %squeeze3A_570 : f32 to vector<16xf32>
    %mul3A_575 = arith.mulf %mul3A_574, %get3A_573 : vector<16xf32>
    %add3A_576 = arith.addf %add3A_564, %mul3A_575 : vector<16xf32>
    %slice3A_577 = vector.extract_strided_slice %get3A_568 {offsets = [1], sizes = [1], strides = [1]} : vector<16xf32> to vector<1xf32>
    %squeeze3A_578 = vector.extract %slice3A_577[0] : f32 from vector<1xf32>
    %get3A_579 = arith.constant 1040 : index
    %get3A_580 = tpu.vector_load %arg5[%get3A_579] {strides = array<i32>} : memref<4096xf32, #tpu.memory_space<vmem>>, vector<16xf32>,
    %get3A_581 = vector.shape_cast %get3A_580 : vector<16xf32> to vector<16xf32>
    %mul3A_582 = vector.broadcast %squeeze3A_578 : f32 to vector<16xf32>
    %mul3A_583 = arith.mulf %mul3A_582, %get3A_581 : vector<16xf32>
    %add3A_584 = arith.addf %add3A_576, %mul3A_583 : vector<16xf32>
    %slice3A_585 = vector.extract_strided_slice %get3A_568 {offsets = [2], sizes = [1], strides = [1]} : vector<16xf32> to vector<1xf32>
    %squeeze3A_586 = vector.extract %slice3A_585[0] : f32 from vector<1xf32>
    %get3A_587 = arith.constant 1056 : index
    %get3A_588 = tpu.vector_load %arg5[%get3A_587] {strides = array<i32>} : memref<4096xf32, #tpu.memory_space<vmem>>, vector<16xf32>,
    %get3A_589 = vector.shape_cast %get3A_588 : vector<16xf32> to vector<16xf32>
    %mul3A_590 = vector.broadcast %squeeze3A_586 : f32 to vector<16xf32>
    %mul3A_591 = arith.mulf %mul3A_590, %get3A_589 : vector<16xf32>
    %add3A_592 = arith.addf %add3A_584, %mul3A_591 : vector<16xf32>
    %slice3A_593 = vector.extract_strided_slice %get3A_568 {offsets = [3], sizes = [1], strides = [1]} : vector<16xf32> to vector<1xf32>
    %squeeze3A_594 = vector.extract %slice3A_593[0] : f32 from vector<1xf32>
    %get3A_595 = arith.constant 1072 : index
    %get3A_596 = tpu.vector_load %arg5[%get3A_595] {strides = array<i32>} : memref<4096xf32, #tpu.memory_space<vmem>>, vector<16xf32>,
    %get3A_597 = vector.shape_cast %get3A_596 : vector<16xf32> to vector<16xf32>
    %mul3A_598 = vector.broadcast %squeeze3A_594 : f32 to vector<16xf32>
    %mul3A_599 = arith.mulf %mul3A_598, %get3A_597 : vector<16xf32>
    %add3A_600 = arith.addf %add3A_592, %mul3A_599 : vector<16xf32>
    %slice3A_601 = vector.extract_strided_slice %get3A_568 {offsets = [4], sizes = [1], strides = [1]} : vector<16xf32> to vector<1xf32>
    %squeeze3A_602 = vector.extract %slice3A_601[0] : f32 from vector<1xf32>
    %get3A_603 = arith.constant 1088 : index
    %get3A_604 = tpu.vector_load %arg5[%get3A_603] {strides = array<i32>} : memref<4096xf32, #tpu.memory_space<vmem>>, vector<16xf32>,
    %get3A_605 = vector.shape_cast %get3A_604 : vector<16xf32> to vector<16xf32>
    %mul3A_606 = vector.broadcast %squeeze3A_602 : f32 to vector<16xf32>
    %mul3A_607 = arith.mulf %mul3A_606, %get3A_605 : vector<16xf32>
    %add3A_608 = arith.addf %add3A_600, %mul3A_607 : vector<16xf32>
    %slice3A_609 = vector.extract_strided_slice %get3A_568 {offsets = [5], sizes = [1], strides = [1]} : vector<16xf32> to vector<1xf32>
    %squeeze3A_610 = vector.extract %slice3A_609[0] : f32 from vector<1xf32>
    %get3A_611 = arith.constant 1104 : index
    %get3A_612 = tpu.vector_load %arg5[%get3A_611] {strides = array<i32>} : memref<4096xf32, #tpu.memory_space<vmem>>, vector<16xf32>,
    %get3A_613 = vector.shape_cast %get3A_612 : vector<16xf32> to vector<16xf32>
    %mul3A_614 = vector.broadcast %squeeze3A_610 : f32 to vector<16xf32>
    %mul3A_615 = arith.mulf %mul3A_614, %get3A_613 : vector<16xf32>
    %add3A_616 = arith.addf %add3A_608, %mul3A_615 : vector<16xf32>
    %slice3A_617 = vector.extract_strided_slice %get3A_568 {offsets = [6], sizes = [1], strides = [1]} : vector<16xf32> to vector<1xf32>
    %squeeze3A_618 = vector.extract %slice3A_617[0] : f32 from vector<1xf32>
    %get3A_619 = arith.constant 1120 : index
    %get3A_620 = tpu.vector_load %arg5[%get3A_619] {strides = array<i32>} : memref<4096xf32, #tpu.memory_space<vmem>>, vector<16xf32>,
    %get3A_621 = vector.shape_cast %get3A_620 : vector<16xf32> to vector<16xf32>
    %mul3A_622 = vector.broadcast %squeeze3A_618 : f32 to vector<16xf32>
    %mul3A_623 = arith.mulf %mul3A_622, %get3A_621 : vector<16xf32>
    %add3A_624 = arith.addf %add3A_616, %mul3A_623 : vector<16xf32>
    %slice3A_625 = vector.extract_strided_slice %get3A_568 {offsets = [7], sizes = [1], strides = [1]} : vector<16xf32> to vector<1xf32>
    %squeeze3A_626 = vector.extract %slice3A_625[0] : f32 from vector<1xf32>
    %get3A_627 = arith.constant 1136 : index
    %get3A_628 = tpu.vector_load %arg5[%get3A_627] {strides = array<i32>} : memref<4096xf32, #tpu.memory_space<vmem>>, vector<16xf32>,
    %get3A_629 = vector.shape_cast %get3A_628 : vector<16xf32> to vector<16xf32>
    %mul3A_630 = vector.broadcast %squeeze3A_626 : f32 to vector<16xf32>
    %mul3A_631 = arith.mulf %mul3A_630, %get3A_629 : vector<16xf32>
    %add3A_632 = arith.addf %add3A_624, %mul3A_631 : vector<16xf32>
    %slice3A_633 = vector.extract_strided_slice %get3A_568 {offsets = [8], sizes = [1], strides = [1]} : vector<16xf32> to vector<1xf32>
    %squeeze3A_634 = vector.extract %slice3A_633[0] : f32 from vector<1xf32>
    %get3A_635 = arith.constant 1152 : index
    %get3A_636 = tpu.vector_load %arg5[%get3A_635] {strides = array<i32>} : memref<4096xf32, #tpu.memory_space<vmem>>, vector<16xf32>,
    %get3A_637 = vector.shape_cast %get3A_636 : vector<16xf32> to vector<16xf32>
    %mul3A_638 = vector.broadcast %squeeze3A_634 : f32 to vector<16xf32>
    %mul3A_639 = arith.mulf %mul3A_638, %get3A_637 : vector<16xf32>
    %add3A_640 = arith.addf %add3A_632, %mul3A_639 : vector<16xf32>
    %slice3A_641 = vector.extract_strided_slice %get3A_568 {offsets = [9], sizes = [1], strides = [1]} : vector<16xf32> to vector<1xf32>
    %squeeze3A_642 = vector.extract %slice3A_641[0] : f32 from vector<1xf32>
    %get3A_643 = arith.constant 1168 : index
    %get3A_644 = tpu.vector_load %arg5[%get3A_643] {strides = array<i32>} : memref<4096xf32, #tpu.memory_space<vmem>>, vector<16xf32>,
    %get3A_645 = vector.shape_cast %get3A_644 : vector<16xf32> to vector<16xf32>
    %mul3A_646 = vector.broadcast %squeeze3A_642 : f32 to vector<16xf32>
    %mul3A_647 = arith.mulf %mul3A_646, %get3A_645 : vector<16xf32>
    %add3A_648 = arith.addf %add3A_640, %mul3A_647 : vector<16xf32>
    %slice3A_649 = vector.extract_strided_slice %get3A_568 {offsets = [10], sizes = [1], strides = [1]} : vector<16xf32> to vector<1xf32>
    %squeeze3A_650 = vector.extract %slice3A_649[0] : f32 from vector<1xf32>
    %get3A_651 = arith.constant 1184 : index
    %get3A_652 = tpu.vector_load %arg5[%get3A_651] {strides = array<i32>} : memref<4096xf32, #tpu.memory_space<vmem>>, vector<16xf32>,
    %get3A_653 = vector.shape_cast %get3A_652 : vector<16xf32> to vector<16xf32>
    %mul3A_654 = vector.broadcast %squeeze3A_650 : f32 to vector<16xf32>
    %mul3A_655 = arith.mulf %mul3A_654, %get3A_653 : vector<16xf32>
    %add3A_656 = arith.addf %add3A_648, %mul3A_655 : vector<16xf32>
    %slice3A_657 = vector.extract_strided_slice %get3A_568 {offsets = [11], sizes = [1], strides = [1]} : vector<16xf32> to vector<1xf32>
    %squeeze3A_658 = vector.extract %slice3A_657[0] : f32 from vector<1xf32>
    %get3A_659 = arith.constant 1200 : index
    %get3A_660 = tpu.vector_load %arg5[%get3A_659] {strides = array<i32>} : memref<4096xf32, #tpu.memory_space<vmem>>, vector<16xf32>,
    %get3A_661 = vector.shape_cast %get3A_660 : vector<16xf32> to vector<16xf32>
    %mul3A_662 = vector.broadcast %squeeze3A_658 : f32 to vector<16xf32>
    %mul3A_663 = arith.mulf %mul3A_662, %get3A_661 : vector<16xf32>
    %add3A_664 = arith.addf %add3A_656, %mul3A_663 : vector<16xf32>
    %slice3A_665 = vector.extract_strided_slice %get3A_568 {offsets = [12], sizes = [1], strides = [1]} : vector<16xf32> to vector<1xf32>
    %squeeze3A_666 = vector.extract %slice3A_665[0] : f32 from vector<1xf32>
    %get3A_667 = arith.constant 1216 : index
    %get3A_668 = tpu.vector_load %arg5[%get3A_667] {strides = array<i32>} : memref<4096xf32, #tpu.memory_space<vmem>>, vector<16xf32>,
    %get3A_669 = vector.shape_cast %get3A_668 : vector<16xf32> to vector<16xf32>
    %mul3A_670 = vector.broadcast %squeeze3A_666 : f32 to vector<16xf32>
    %mul3A_671 = arith.mulf %mul3A_670, %get3A_669 : vector<16xf32>
    %add3A_672 = arith.addf %add3A_664, %mul3A_671 : vector<16xf32>
    %slice3A_673 = vector.extract_strided_slice %get3A_568 {offsets = [13], sizes = [1], strides = [1]} : vector<16xf32> to vector<1xf32>
    %squeeze3A_674 = vector.extract %slice3A_673[0] : f32 from vector<1xf32>
    %get3A_675 = arith.constant 1232 : index
    %get3A_676 = tpu.vector_load %arg5[%get3A_675] {strides = array<i32>} : memref<4096xf32, #tpu.memory_space<vmem>>, vector<16xf32>,
    %get3A_677 = vector.shape_cast %get3A_676 : vector<16xf32> to vector<16xf32>
    %mul3A_678 = vector.broadcast %squeeze3A_674 : f32 to vector<16xf32>
    %mul3A_679 = arith.mulf %mul3A_678, %get3A_677 : vector<16xf32>
    %add3A_680 = arith.addf %add3A_672, %mul3A_679 : vector<16xf32>
    %slice3A_681 = vector.extract_strided_slice %get3A_568 {offsets = [14], sizes = [1], strides = [1]} : vector<16xf32> to vector<1xf32>
    %squeeze3A_682 = vector.extract %slice3A_681[0] : f32 from vector<1xf32>
    %get3A_683 = arith.constant 1248 : index
    %get3A_684 = tpu.vector_load %arg5[%get3A_683] {strides = array<i32>} : memref<4096xf32, #tpu.memory_space<vmem>>, vector<16xf32>,
    %get3A_685 = vector.shape_cast %get3A_684 : vector<16xf32> to vector<16xf32>
    %mul3A_686 = vector.broadcast %squeeze3A_682 : f32 to vector<16xf32>
    %mul3A_687 = arith.mulf %mul3A_686, %get3A_685 : vector<16xf32>
    %add3A_688 = arith.addf %add3A_680, %mul3A_687 : vector<16xf32>
    %slice3A_689 = vector.extract_strided_slice %get3A_568 {offsets = [15], sizes = [1], strides = [1]} : vector<16xf32> to vector<1xf32>
    %squeeze3A_690 = vector.extract %slice3A_689[0] : f32 from vector<1xf32>
    %get3A_691 = arith.constant 1264 : index
    %get3A_692 = tpu.vector_load %arg5[%get3A_691] {strides = array<i32>} : memref<4096xf32, #tpu.memory_space<vmem>>, vector<16xf32>,
    %get3A_693 = vector.shape_cast %get3A_692 : vector<16xf32> to vector<16xf32>
    %mul3A_694 = vector.broadcast %squeeze3A_690 : f32 to vector<16xf32>
    %mul3A_695 = arith.mulf %mul3A_694, %get3A_693 : vector<16xf32>
    %add3A_696 = arith.addf %add3A_688, %mul3A_695 : vector<16xf32>
    %get3A_697 = arith.index_cast %select_n3A : i32 to index
    %get3A_698 = arith.constant 80 : index
    %get3A_699 = tpu.vector_load %arg6[%get3A_697, %get3A_698] {strides = array<i32>} : memref<8x256xf32, #tpu.memory_space<vmem>>, vector<1x16xf32>,
    %get3A_700 = vector.shape_cast %get3A_699 : vector<1x16xf32> to vector<16xf32>
    %slice3A_701 = vector.extract_strided_slice %get3A_700 {offsets = [0], sizes = [1], strides = [1]} : vector<16xf32> to vector<1xf32>
    %squeeze3A_702 = vector.extract %slice3A_701[0] : f32 from vector<1xf32>
    %get3A_703 = arith.constant 1280 : index
    %get3A_704 = tpu.vector_load %arg5[%get3A_703] {strides = array<i32>} : memref<4096xf32, #tpu.memory_space<vmem>>, vector<16xf32>,
    %get3A_705 = vector.shape_cast %get3A_704 : vector<16xf32> to vector<16xf32>
    %mul3A_706 = vector.broadcast %squeeze3A_702 : f32 to vector<16xf32>
    %mul3A_707 = arith.mulf %mul3A_706, %get3A_705 : vector<16xf32>
    %add3A_708 = arith.addf %add3A_696, %mul3A_707 : vector<16xf32>
    %slice3A_709 = vector.extract_strided_slice %get3A_700 {offsets = [1], sizes = [1], strides = [1]} : vector<16xf32> to vector<1xf32>
    %squeeze3A_710 = vector.extract %slice3A_709[0] : f32 from vector<1xf32>
    %get3A_711 = arith.constant 1296 : index
    %get3A_712 = tpu.vector_load %arg5[%get3A_711] {strides = array<i32>} : memref<4096xf32, #tpu.memory_space<vmem>>, vector<16xf32>,
    %get3A_713 = vector.shape_cast %get3A_712 : vector<16xf32> to vector<16xf32>
    %mul3A_714 = vector.broadcast %squeeze3A_710 : f32 to vector<16xf32>
    %mul3A_715 = arith.mulf %mul3A_714, %get3A_713 : vector<16xf32>
    %add3A_716 = arith.addf %add3A_708, %mul3A_715 : vector<16xf32>
    %slice3A_717 = vector.extract_strided_slice %get3A_700 {offsets = [2], sizes = [1], strides = [1]} : vector<16xf32> to vector<1xf32>
    %squeeze3A_718 = vector.extract %slice3A_717[0] : f32 from vector<1xf32>
    %get3A_719 = arith.constant 1312 : index
    %get3A_720 = tpu.vector_load %arg5[%get3A_719] {strides = array<i32>} : memref<4096xf32, #tpu.memory_space<vmem>>, vector<16xf32>,
    %get3A_721 = vector.shape_cast %get3A_720 : vector<16xf32> to vector<16xf32>
    %mul3A_722 = vector.broadcast %squeeze3A_718 : f32 to vector<16xf32>
    %mul3A_723 = arith.mulf %mul3A_722, %get3A_721 : vector<16xf32>
    %add3A_724 = arith.addf %add3A_716, %mul3A_723 : vector<16xf32>
    %slice3A_725 = vector.extract_strided_slice %get3A_700 {offsets = [3], sizes = [1], strides = [1]} : vector<16xf32> to vector<1xf32>
    %squeeze3A_726 = vector.extract %slice3A_725[0] : f32 from vector<1xf32>
    %get3A_727 = arith.constant 1328 : index
    %get3A_728 = tpu.vector_load %arg5[%get3A_727] {strides = array<i32>} : memref<4096xf32, #tpu.memory_space<vmem>>, vector<16xf32>,
    %get3A_729 = vector.shape_cast %get3A_728 : vector<16xf32> to vector<16xf32>
    %mul3A_730 = vector.broadcast %squeeze3A_726 : f32 to vector<16xf32>
    %mul3A_731 = arith.mulf %mul3A_730, %get3A_729 : vector<16xf32>
    %add3A_732 = arith.addf %add3A_724, %mul3A_731 : vector<16xf32>
    %slice3A_733 = vector.extract_strided_slice %get3A_700 {offsets = [4], sizes = [1], strides = [1]} : vector<16xf32> to vector<1xf32>
    %squeeze3A_734 = vector.extract %slice3A_733[0] : f32 from vector<1xf32>
    %get3A_735 = arith.constant 1344 : index
    %get3A_736 = tpu.vector_load %arg5[%get3A_735] {strides = array<i32>} : memref<4096xf32, #tpu.memory_space<vmem>>, vector<16xf32>,
    %get3A_737 = vector.shape_cast %get3A_736 : vector<16xf32> to vector<16xf32>
    %mul3A_738 = vector.broadcast %squeeze3A_734 : f32 to vector<16xf32>
    %mul3A_739 = arith.mulf %mul3A_738, %get3A_737 : vector<16xf32>
    %add3A_740 = arith.addf %add3A_732, %mul3A_739 : vector<16xf32>
    %slice3A_741 = vector.extract_strided_slice %get3A_700 {offsets = [5], sizes = [1], strides = [1]} : vector<16xf32> to vector<1xf32>
    %squeeze3A_742 = vector.extract %slice3A_741[0] : f32 from vector<1xf32>
    %get3A_743 = arith.constant 1360 : index
    %get3A_744 = tpu.vector_load %arg5[%get3A_743] {strides = array<i32>} : memref<4096xf32, #tpu.memory_space<vmem>>, vector<16xf32>,
    %get3A_745 = vector.shape_cast %get3A_744 : vector<16xf32> to vector<16xf32>
    %mul3A_746 = vector.broadcast %squeeze3A_742 : f32 to vector<16xf32>
    %mul3A_747 = arith.mulf %mul3A_746, %get3A_745 : vector<16xf32>
    %add3A_748 = arith.addf %add3A_740, %mul3A_747 : vector<16xf32>
    %slice3A_749 = vector.extract_strided_slice %get3A_700 {offsets = [6], sizes = [1], strides = [1]} : vector<16xf32> to vector<1xf32>
    %squeeze3A_750 = vector.extract %slice3A_749[0] : f32 from vector<1xf32>
    %get3A_751 = arith.constant 1376 : index
    %get3A_752 = tpu.vector_load %arg5[%get3A_751] {strides = array<i32>} : memref<4096xf32, #tpu.memory_space<vmem>>, vector<16xf32>,
    %get3A_753 = vector.shape_cast %get3A_752 : vector<16xf32> to vector<16xf32>
    %mul3A_754 = vector.broadcast %squeeze3A_750 : f32 to vector<16xf32>
    %mul3A_755 = arith.mulf %mul3A_754, %get3A_753 : vector<16xf32>
    %add3A_756 = arith.addf %add3A_748, %mul3A_755 : vector<16xf32>
    %slice3A_757 = vector.extract_strided_slice %get3A_700 {offsets = [7], sizes = [1], strides = [1]} : vector<16xf32> to vector<1xf32>
    %squeeze3A_758 = vector.extract %slice3A_757[0] : f32 from vector<1xf32>
    %get3A_759 = arith.constant 1392 : index
    %get3A_760 = tpu.vector_load %arg5[%get3A_759] {strides = array<i32>} : memref<4096xf32, #tpu.memory_space<vmem>>, vector<16xf32>,
    %get3A_761 = vector.shape_cast %get3A_760 : vector<16xf32> to vector<16xf32>
    %mul3A_762 = vector.broadcast %squeeze3A_758 : f32 to vector<16xf32>
    %mul3A_763 = arith.mulf %mul3A_762, %get3A_761 : vector<16xf32>
    %add3A_764 = arith.addf %add3A_756, %mul3A_763 : vector<16xf32>
    %slice3A_765 = vector.extract_strided_slice %get3A_700 {offsets = [8], sizes = [1], strides = [1]} : vector<16xf32> to vector<1xf32>
    %squeeze3A_766 = vector.extract %slice3A_765[0] : f32 from vector<1xf32>
    %get3A_767 = arith.constant 1408 : index
    %get3A_768 = tpu.vector_load %arg5[%get3A_767] {strides = array<i32>} : memref<4096xf32, #tpu.memory_space<vmem>>, vector<16xf32>,
    %get3A_769 = vector.shape_cast %get3A_768 : vector<16xf32> to vector<16xf32>
    %mul3A_770 = vector.broadcast %squeeze3A_766 : f32 to vector<16xf32>
    %mul3A_771 = arith.mulf %mul3A_770, %get3A_769 : vector<16xf32>
    %add3A_772 = arith.addf %add3A_764, %mul3A_771 : vector<16xf32>
    %slice3A_773 = vector.extract_strided_slice %get3A_700 {offsets = [9], sizes = [1], strides = [1]} : vector<16xf32> to vector<1xf32>
    %squeeze3A_774 = vector.extract %slice3A_773[0] : f32 from vector<1xf32>
    %get3A_775 = arith.constant 1424 : index
    %get3A_776 = tpu.vector_load %arg5[%get3A_775] {strides = array<i32>} : memref<4096xf32, #tpu.memory_space<vmem>>, vector<16xf32>,
    %get3A_777 = vector.shape_cast %get3A_776 : vector<16xf32> to vector<16xf32>
    %mul3A_778 = vector.broadcast %squeeze3A_774 : f32 to vector<16xf32>
    %mul3A_779 = arith.mulf %mul3A_778, %get3A_777 : vector<16xf32>
    %add3A_780 = arith.addf %add3A_772, %mul3A_779 : vector<16xf32>
    %slice3A_781 = vector.extract_strided_slice %get3A_700 {offsets = [10], sizes = [1], strides = [1]} : vector<16xf32> to vector<1xf32>
    %squeeze3A_782 = vector.extract %slice3A_781[0] : f32 from vector<1xf32>
    %get3A_783 = arith.constant 1440 : index
    %get3A_784 = tpu.vector_load %arg5[%get3A_783] {strides = array<i32>} : memref<4096xf32, #tpu.memory_space<vmem>>, vector<16xf32>,
    %get3A_785 = vector.shape_cast %get3A_784 : vector<16xf32> to vector<16xf32>
    %mul3A_786 = vector.broadcast %squeeze3A_782 : f32 to vector<16xf32>
    %mul3A_787 = arith.mulf %mul3A_786, %get3A_785 : vector<16xf32>
    %add3A_788 = arith.addf %add3A_780, %mul3A_787 : vector<16xf32>
    %slice3A_789 = vector.extract_strided_slice %get3A_700 {offsets = [11], sizes = [1], strides = [1]} : vector<16xf32> to vector<1xf32>
    %squeeze3A_790 = vector.extract %slice3A_789[0] : f32 from vector<1xf32>
    %get3A_791 = arith.constant 1456 : index
    %get3A_792 = tpu.vector_load %arg5[%get3A_791] {strides = array<i32>} : memref<4096xf32, #tpu.memory_space<vmem>>, vector<16xf32>,
    %get3A_793 = vector.shape_cast %get3A_792 : vector<16xf32> to vector<16xf32>
    %mul3A_794 = vector.broadcast %squeeze3A_790 : f32 to vector<16xf32>
    %mul3A_795 = arith.mulf %mul3A_794, %get3A_793 : vector<16xf32>
    %add3A_796 = arith.addf %add3A_788, %mul3A_795 : vector<16xf32>
    %slice3A_797 = vector.extract_strided_slice %get3A_700 {offsets = [12], sizes = [1], strides = [1]} : vector<16xf32> to vector<1xf32>
    %squeeze3A_798 = vector.extract %slice3A_797[0] : f32 from vector<1xf32>
    %get3A_799 = arith.constant 1472 : index
    %get3A_800 = tpu.vector_load %arg5[%get3A_799] {strides = array<i32>} : memref<4096xf32, #tpu.memory_space<vmem>>, vector<16xf32>,
    %get3A_801 = vector.shape_cast %get3A_800 : vector<16xf32> to vector<16xf32>
    %mul3A_802 = vector.broadcast %squeeze3A_798 : f32 to vector<16xf32>
    %mul3A_803 = arith.mulf %mul3A_802, %get3A_801 : vector<16xf32>
    %add3A_804 = arith.addf %add3A_796, %mul3A_803 : vector<16xf32>
    %slice3A_805 = vector.extract_strided_slice %get3A_700 {offsets = [13], sizes = [1], strides = [1]} : vector<16xf32> to vector<1xf32>
    %squeeze3A_806 = vector.extract %slice3A_805[0] : f32 from vector<1xf32>
    %get3A_807 = arith.constant 1488 : index
    %get3A_808 = tpu.vector_load %arg5[%get3A_807] {strides = array<i32>} : memref<4096xf32, #tpu.memory_space<vmem>>, vector<16xf32>,
    %get3A_809 = vector.shape_cast %get3A_808 : vector<16xf32> to vector<16xf32>
    %mul3A_810 = vector.broadcast %squeeze3A_806 : f32 to vector<16xf32>
    %mul3A_811 = arith.mulf %mul3A_810, %get3A_809 : vector<16xf32>
    %add3A_812 = arith.addf %add3A_804, %mul3A_811 : vector<16xf32>
    %slice3A_813 = vector.extract_strided_slice %get3A_700 {offsets = [14], sizes = [1], strides = [1]} : vector<16xf32> to vector<1xf32>
    %squeeze3A_814 = vector.extract %slice3A_813[0] : f32 from vector<1xf32>
    %get3A_815 = arith.constant 1504 : index
    %get3A_816 = tpu.vector_load %arg5[%get3A_815] {strides = array<i32>} : memref<4096xf32, #tpu.memory_space<vmem>>, vector<16xf32>,
    %get3A_817 = vector.shape_cast %get3A_816 : vector<16xf32> to vector<16xf32>
    %mul3A_818 = vector.broadcast %squeeze3A_814 : f32 to vector<16xf32>
    %mul3A_819 = arith.mulf %mul3A_818, %get3A_817 : vector<16xf32>
    %add3A_820 = arith.addf %add3A_812, %mul3A_819 : vector<16xf32>
    %slice3A_821 = vector.extract_strided_slice %get3A_700 {offsets = [15], sizes = [1], strides = [1]} : vector<16xf32> to vector<1xf32>
    %squeeze3A_822 = vector.extract %slice3A_821[0] : f32 from vector<1xf32>
    %get3A_823 = arith.constant 1520 : index
    %get3A_824 = tpu.vector_load %arg5[%get3A_823] {strides = array<i32>} : memref<4096xf32, #tpu.memory_space<vmem>>, vector<16xf32>,
    %get3A_825 = vector.shape_cast %get3A_824 : vector<16xf32> to vector<16xf32>
    %mul3A_826 = vector.broadcast %squeeze3A_822 : f32 to vector<16xf32>
    %mul3A_827 = arith.mulf %mul3A_826, %get3A_825 : vector<16xf32>
    %add3A_828 = arith.addf %add3A_820, %mul3A_827 : vector<16xf32>
    %get3A_829 = arith.index_cast %select_n3A : i32 to index
    %get3A_830 = arith.constant 96 : index
    %get3A_831 = tpu.vector_load %arg6[%get3A_829, %get3A_830] {strides = array<i32>} : memref<8x256xf32, #tpu.memory_space<vmem>>, vector<1x16xf32>,
    %get3A_832 = vector.shape_cast %get3A_831 : vector<1x16xf32> to vector<16xf32>
    %slice3A_833 = vector.extract_strided_slice %get3A_832 {offsets = [0], sizes = [1], strides = [1]} : vector<16xf32> to vector<1xf32>
    %squeeze3A_834 = vector.extract %slice3A_833[0] : f32 from vector<1xf32>
    %get3A_835 = arith.constant 1536 : index
    %get3A_836 = tpu.vector_load %arg5[%get3A_835] {strides = array<i32>} : memref<4096xf32, #tpu.memory_space<vmem>>, vector<16xf32>,
    %get3A_837 = vector.shape_cast %get3A_836 : vector<16xf32> to vector<16xf32>
    %mul3A_838 = vector.broadcast %squeeze3A_834 : f32 to vector<16xf32>
    %mul3A_839 = arith.mulf %mul3A_838, %get3A_837 : vector<16xf32>
    %add3A_840 = arith.addf %add3A_828, %mul3A_839 : vector<16xf32>
    %slice3A_841 = vector.extract_strided_slice %get3A_832 {offsets = [1], sizes = [1], strides = [1]} : vector<16xf32> to vector<1xf32>
    %squeeze3A_842 = vector.extract %slice3A_841[0] : f32 from vector<1xf32>
    %get3A_843 = arith.constant 1552 : index
    %get3A_844 = tpu.vector_load %arg5[%get3A_843] {strides = array<i32>} : memref<4096xf32, #tpu.memory_space<vmem>>, vector<16xf32>,
    %get3A_845 = vector.shape_cast %get3A_844 : vector<16xf32> to vector<16xf32>
    %mul3A_846 = vector.broadcast %squeeze3A_842 : f32 to vector<16xf32>
    %mul3A_847 = arith.mulf %mul3A_846, %get3A_845 : vector<16xf32>
    %add3A_848 = arith.addf %add3A_840, %mul3A_847 : vector<16xf32>
    %slice3A_849 = vector.extract_strided_slice %get3A_832 {offsets = [2], sizes = [1], strides = [1]} : vector<16xf32> to vector<1xf32>
    %squeeze3A_850 = vector.extract %slice3A_849[0] : f32 from vector<1xf32>
    %get3A_851 = arith.constant 1568 : index
    %get3A_852 = tpu.vector_load %arg5[%get3A_851] {strides = array<i32>} : memref<4096xf32, #tpu.memory_space<vmem>>, vector<16xf32>,
    %get3A_853 = vector.shape_cast %get3A_852 : vector<16xf32> to vector<16xf32>
    %mul3A_854 = vector.broadcast %squeeze3A_850 : f32 to vector<16xf32>
    %mul3A_855 = arith.mulf %mul3A_854, %get3A_853 : vector<16xf32>
    %add3A_856 = arith.addf %add3A_848, %mul3A_855 : vector<16xf32>
    %slice3A_857 = vector.extract_strided_slice %get3A_832 {offsets = [3], sizes = [1], strides = [1]} : vector<16xf32> to vector<1xf32>
    %squeeze3A_858 = vector.extract %slice3A_857[0] : f32 from vector<1xf32>
    %get3A_859 = arith.constant 1584 : index
    %get3A_860 = tpu.vector_load %arg5[%get3A_859] {strides = array<i32>} : memref<4096xf32, #tpu.memory_space<vmem>>, vector<16xf32>,
    %get3A_861 = vector.shape_cast %get3A_860 : vector<16xf32> to vector<16xf32>
    %mul3A_862 = vector.broadcast %squeeze3A_858 : f32 to vector<16xf32>
    %mul3A_863 = arith.mulf %mul3A_862, %get3A_861 : vector<16xf32>
    %add3A_864 = arith.addf %add3A_856, %mul3A_863 : vector<16xf32>
    %slice3A_865 = vector.extract_strided_slice %get3A_832 {offsets = [4], sizes = [1], strides = [1]} : vector<16xf32> to vector<1xf32>
    %squeeze3A_866 = vector.extract %slice3A_865[0] : f32 from vector<1xf32>
    %get3A_867 = arith.constant 1600 : index
    %get3A_868 = tpu.vector_load %arg5[%get3A_867] {strides = array<i32>} : memref<4096xf32, #tpu.memory_space<vmem>>, vector<16xf32>,
    %get3A_869 = vector.shape_cast %get3A_868 : vector<16xf32> to vector<16xf32>
    %mul3A_870 = vector.broadcast %squeeze3A_866 : f32 to vector<16xf32>
    %mul3A_871 = arith.mulf %mul3A_870, %get3A_869 : vector<16xf32>
    %add3A_872 = arith.addf %add3A_864, %mul3A_871 : vector<16xf32>
    %slice3A_873 = vector.extract_strided_slice %get3A_832 {offsets = [5], sizes = [1], strides = [1]} : vector<16xf32> to vector<1xf32>
    %squeeze3A_874 = vector.extract %slice3A_873[0] : f32 from vector<1xf32>
    %get3A_875 = arith.constant 1616 : index
    %get3A_876 = tpu.vector_load %arg5[%get3A_875] {strides = array<i32>} : memref<4096xf32, #tpu.memory_space<vmem>>, vector<16xf32>,
    %get3A_877 = vector.shape_cast %get3A_876 : vector<16xf32> to vector<16xf32>
    %mul3A_878 = vector.broadcast %squeeze3A_874 : f32 to vector<16xf32>
    %mul3A_879 = arith.mulf %mul3A_878, %get3A_877 : vector<16xf32>
    %add3A_880 = arith.addf %add3A_872, %mul3A_879 : vector<16xf32>
    %slice3A_881 = vector.extract_strided_slice %get3A_832 {offsets = [6], sizes = [1], strides = [1]} : vector<16xf32> to vector<1xf32>
    %squeeze3A_882 = vector.extract %slice3A_881[0] : f32 from vector<1xf32>
    %get3A_883 = arith.constant 1632 : index
    %get3A_884 = tpu.vector_load %arg5[%get3A_883] {strides = array<i32>} : memref<4096xf32, #tpu.memory_space<vmem>>, vector<16xf32>,
    %get3A_885 = vector.shape_cast %get3A_884 : vector<16xf32> to vector<16xf32>
    %mul3A_886 = vector.broadcast %squeeze3A_882 : f32 to vector<16xf32>
    %mul3A_887 = arith.mulf %mul3A_886, %get3A_885 : vector<16xf32>
    %add3A_888 = arith.addf %add3A_880, %mul3A_887 : vector<16xf32>
    %slice3A_889 = vector.extract_strided_slice %get3A_832 {offsets = [7], sizes = [1], strides = [1]} : vector<16xf32> to vector<1xf32>
    %squeeze3A_890 = vector.extract %slice3A_889[0] : f32 from vector<1xf32>
    %get3A_891 = arith.constant 1648 : index
    %get3A_892 = tpu.vector_load %arg5[%get3A_891] {strides = array<i32>} : memref<4096xf32, #tpu.memory_space<vmem>>, vector<16xf32>,
    %get3A_893 = vector.shape_cast %get3A_892 : vector<16xf32> to vector<16xf32>
    %mul3A_894 = vector.broadcast %squeeze3A_890 : f32 to vector<16xf32>
    %mul3A_895 = arith.mulf %mul3A_894, %get3A_893 : vector<16xf32>
    %add3A_896 = arith.addf %add3A_888, %mul3A_895 : vector<16xf32>
    %slice3A_897 = vector.extract_strided_slice %get3A_832 {offsets = [8], sizes = [1], strides = [1]} : vector<16xf32> to vector<1xf32>
    %squeeze3A_898 = vector.extract %slice3A_897[0] : f32 from vector<1xf32>
    %get3A_899 = arith.constant 1664 : index
    %get3A_900 = tpu.vector_load %arg5[%get3A_899] {strides = array<i32>} : memref<4096xf32, #tpu.memory_space<vmem>>, vector<16xf32>,
    %get3A_901 = vector.shape_cast %get3A_900 : vector<16xf32> to vector<16xf32>
    %mul3A_902 = vector.broadcast %squeeze3A_898 : f32 to vector<16xf32>
    %mul3A_903 = arith.mulf %mul3A_902, %get3A_901 : vector<16xf32>
    %add3A_904 = arith.addf %add3A_896, %mul3A_903 : vector<16xf32>
    %slice3A_905 = vector.extract_strided_slice %get3A_832 {offsets = [9], sizes = [1], strides = [1]} : vector<16xf32> to vector<1xf32>
    %squeeze3A_906 = vector.extract %slice3A_905[0] : f32 from vector<1xf32>
    %get3A_907 = arith.constant 1680 : index
    %get3A_908 = tpu.vector_load %arg5[%get3A_907] {strides = array<i32>} : memref<4096xf32, #tpu.memory_space<vmem>>, vector<16xf32>,
    %get3A_909 = vector.shape_cast %get3A_908 : vector<16xf32> to vector<16xf32>
    %mul3A_910 = vector.broadcast %squeeze3A_906 : f32 to vector<16xf32>
    %mul3A_911 = arith.mulf %mul3A_910, %get3A_909 : vector<16xf32>
    %add3A_912 = arith.addf %add3A_904, %mul3A_911 : vector<16xf32>
    %slice3A_913 = vector.extract_strided_slice %get3A_832 {offsets = [10], sizes = [1], strides = [1]} : vector<16xf32> to vector<1xf32>
    %squeeze3A_914 = vector.extract %slice3A_913[0] : f32 from vector<1xf32>
    %get3A_915 = arith.constant 1696 : index
    %get3A_916 = tpu.vector_load %arg5[%get3A_915] {strides = array<i32>} : memref<4096xf32, #tpu.memory_space<vmem>>, vector<16xf32>,
    %get3A_917 = vector.shape_cast %get3A_916 : vector<16xf32> to vector<16xf32>
    %mul3A_918 = vector.broadcast %squeeze3A_914 : f32 to vector<16xf32>
    %mul3A_919 = arith.mulf %mul3A_918, %get3A_917 : vector<16xf32>
    %add3A_920 = arith.addf %add3A_912, %mul3A_919 : vector<16xf32>
    %slice3A_921 = vector.extract_strided_slice %get3A_832 {offsets = [11], sizes = [1], strides = [1]} : vector<16xf32> to vector<1xf32>
    %squeeze3A_922 = vector.extract %slice3A_921[0] : f32 from vector<1xf32>
    %get3A_923 = arith.constant 1712 : index
    %get3A_924 = tpu.vector_load %arg5[%get3A_923] {strides = array<i32>} : memref<4096xf32, #tpu.memory_space<vmem>>, vector<16xf32>,
    %get3A_925 = vector.shape_cast %get3A_924 : vector<16xf32> to vector<16xf32>
    %mul3A_926 = vector.broadcast %squeeze3A_922 : f32 to vector<16xf32>
    %mul3A_927 = arith.mulf %mul3A_926, %get3A_925 : vector<16xf32>
    %add3A_928 = arith.addf %add3A_920, %mul3A_927 : vector<16xf32>
    %slice3A_929 = vector.extract_strided_slice %get3A_832 {offsets = [12], sizes = [1], strides = [1]} : vector<16xf32> to vector<1xf32>
    %squeeze3A_930 = vector.extract %slice3A_929[0] : f32 from vector<1xf32>
    %get3A_931 = arith.constant 1728 : index
    %get3A_932 = tpu.vector_load %arg5[%get3A_931] {strides = array<i32>} : memref<4096xf32, #tpu.memory_space<vmem>>, vector<16xf32>,
    %get3A_933 = vector.shape_cast %get3A_932 : vector<16xf32> to vector<16xf32>
    %mul3A_934 = vector.broadcast %squeeze3A_930 : f32 to vector<16xf32>
    %mul3A_935 = arith.mulf %mul3A_934, %get3A_933 : vector<16xf32>
    %add3A_936 = arith.addf %add3A_928, %mul3A_935 : vector<16xf32>
    %slice3A_937 = vector.extract_strided_slice %get3A_832 {offsets = [13], sizes = [1], strides = [1]} : vector<16xf32> to vector<1xf32>
    %squeeze3A_938 = vector.extract %slice3A_937[0] : f32 from vector<1xf32>
    %get3A_939 = arith.constant 1744 : index
    %get3A_940 = tpu.vector_load %arg5[%get3A_939] {strides = array<i32>} : memref<4096xf32, #tpu.memory_space<vmem>>, vector<16xf32>,
    %get3A_941 = vector.shape_cast %get3A_940 : vector<16xf32> to vector<16xf32>
    %mul3A_942 = vector.broadcast %squeeze3A_938 : f32 to vector<16xf32>
    %mul3A_943 = arith.mulf %mul3A_942, %get3A_941 : vector<16xf32>
    %add3A_944 = arith.addf %add3A_936, %mul3A_943 : vector<16xf32>
    %slice3A_945 = vector.extract_strided_slice %get3A_832 {offsets = [14], sizes = [1], strides = [1]} : vector<16xf32> to vector<1xf32>
    %squeeze3A_946 = vector.extract %slice3A_945[0] : f32 from vector<1xf32>
    %get3A_947 = arith.constant 1760 : index
    %get3A_948 = tpu.vector_load %arg5[%get3A_947] {strides = array<i32>} : memref<4096xf32, #tpu.memory_space<vmem>>, vector<16xf32>,
    %get3A_949 = vector.shape_cast %get3A_948 : vector<16xf32> to vector<16xf32>
    %mul3A_950 = vector.broadcast %squeeze3A_946 : f32 to vector<16xf32>
    %mul3A_951 = arith.mulf %mul3A_950, %get3A_949 : vector<16xf32>
    %add3A_952 = arith.addf %add3A_944, %mul3A_951 : vector<16xf32>
    %slice3A_953 = vector.extract_strided_slice %get3A_832 {offsets = [15], sizes = [1], strides = [1]} : vector<16xf32> to vector<1xf32>
    %squeeze3A_954 = vector.extract %slice3A_953[0] : f32 from vector<1xf32>
    %get3A_955 = arith.constant 1776 : index
    %get3A_956 = tpu.vector_load %arg5[%get3A_955] {strides = array<i32>} : memref<4096xf32, #tpu.memory_space<vmem>>, vector<16xf32>,
    %get3A_957 = vector.shape_cast %get3A_956 : vector<16xf32> to vector<16xf32>
    %mul3A_958 = vector.broadcast %squeeze3A_954 : f32 to vector<16xf32>
    %mul3A_959 = arith.mulf %mul3A_958, %get3A_957 : vector<16xf32>
    %add3A_960 = arith.addf %add3A_952, %mul3A_959 : vector<16xf32>
    %get3A_961 = arith.index_cast %select_n3A : i32 to index
    %get3A_962 = arith.constant 112 : index
    %get3A_963 = tpu.vector_load %arg6[%get3A_961, %get3A_962] {strides = array<i32>} : memref<8x256xf32, #tpu.memory_space<vmem>>, vector<1x16xf32>,
    %get3A_964 = vector.shape_cast %get3A_963 : vector<1x16xf32> to vector<16xf32>
    %slice3A_965 = vector.extract_strided_slice %get3A_964 {offsets = [0], sizes = [1], strides = [1]} : vector<16xf32> to vector<1xf32>
    %squeeze3A_966 = vector.extract %slice3A_965[0] : f32 from vector<1xf32>
    %get3A_967 = arith.constant 1792 : index
    %get3A_968 = tpu.vector_load %arg5[%get3A_967] {strides = array<i32>} : memref<4096xf32, #tpu.memory_space<vmem>>, vector<16xf32>,
    %get3A_969 = vector.shape_cast %get3A_968 : vector<16xf32> to vector<16xf32>
    %mul3A_970 = vector.broadcast %squeeze3A_966 : f32 to vector<16xf32>
    %mul3A_971 = arith.mulf %mul3A_970, %get3A_969 : vector<16xf32>
    %add3A_972 = arith.addf %add3A_960, %mul3A_971 : vector<16xf32>
    %slice3A_973 = vector.extract_strided_slice %get3A_964 {offsets = [1], sizes = [1], strides = [1]} : vector<16xf32> to vector<1xf32>
    %squeeze3A_974 = vector.extract %slice3A_973[0] : f32 from vector<1xf32>
    %get3A_975 = arith.constant 1808 : index
    %get3A_976 = tpu.vector_load %arg5[%get3A_975] {strides = array<i32>} : memref<4096xf32, #tpu.memory_space<vmem>>, vector<16xf32>,
    %get3A_977 = vector.shape_cast %get3A_976 : vector<16xf32> to vector<16xf32>
    %mul3A_978 = vector.broadcast %squeeze3A_974 : f32 to vector<16xf32>
    %mul3A_979 = arith.mulf %mul3A_978, %get3A_977 : vector<16xf32>
    %add3A_980 = arith.addf %add3A_972, %mul3A_979 : vector<16xf32>
    %slice3A_981 = vector.extract_strided_slice %get3A_964 {offsets = [2], sizes = [1], strides = [1]} : vector<16xf32> to vector<1xf32>
    %squeeze3A_982 = vector.extract %slice3A_981[0] : f32 from vector<1xf32>
    %get3A_983 = arith.constant 1824 : index
    %get3A_984 = tpu.vector_load %arg5[%get3A_983] {strides = array<i32>} : memref<4096xf32, #tpu.memory_space<vmem>>, vector<16xf32>,
    %get3A_985 = vector.shape_cast %get3A_984 : vector<16xf32> to vector<16xf32>
    %mul3A_986 = vector.broadcast %squeeze3A_982 : f32 to vector<16xf32>
    %mul3A_987 = arith.mulf %mul3A_986, %get3A_985 : vector<16xf32>
    %add3A_988 = arith.addf %add3A_980, %mul3A_987 : vector<16xf32>
    %slice3A_989 = vector.extract_strided_slice %get3A_964 {offsets = [3], sizes = [1], strides = [1]} : vector<16xf32> to vector<1xf32>
    %squeeze3A_990 = vector.extract %slice3A_989[0] : f32 from vector<1xf32>
    %get3A_991 = arith.constant 1840 : index
    %get3A_992 = tpu.vector_load %arg5[%get3A_991] {strides = array<i32>} : memref<4096xf32, #tpu.memory_space<vmem>>, vector<16xf32>,
    %get3A_993 = vector.shape_cast %get3A_992 : vector<16xf32> to vector<16xf32>
    %mul3A_994 = vector.broadcast %squeeze3A_990 : f32 to vector<16xf32>
    %mul3A_995 = arith.mulf %mul3A_994, %get3A_993 : vector<16xf32>
    %add3A_996 = arith.addf %add3A_988, %mul3A_995 : vector<16xf32>
    %slice3A_997 = vector.extract_strided_slice %get3A_964 {offsets = [4], sizes = [1], strides = [1]} : vector<16xf32> to vector<1xf32>
    %squeeze3A_998 = vector.extract %slice3A_997[0] : f32 from vector<1xf32>
    %get3A_999 = arith.constant 1856 : index
    %get3A_1000 = tpu.vector_load %arg5[%get3A_999] {strides = array<i32>} : memref<4096xf32, #tpu.memory_space<vmem>>, vector<16xf32>,
    %get3A_1001 = vector.shape_cast %get3A_1000 : vector<16xf32> to vector<16xf32>
    %mul3A_1002 = vector.broadcast %squeeze3A_998 : f32 to vector<16xf32>
    %mul3A_1003 = arith.mulf %mul3A_1002, %get3A_1001 : vector<16xf32>
    %add3A_1004 = arith.addf %add3A_996, %mul3A_1003 : vector<16xf32>
    %slice3A_1005 = vector.extract_strided_slice %get3A_964 {offsets = [5], sizes = [1], strides = [1]} : vector<16xf32> to vector<1xf32>
    %squeeze3A_1006 = vector.extract %slice3A_1005[0] : f32 from vector<1xf32>
    %get3A_1007 = arith.constant 1872 : index
    %get3A_1008 = tpu.vector_load %arg5[%get3A_1007] {strides = array<i32>} : memref<4096xf32, #tpu.memory_space<vmem>>, vector<16xf32>,
    %get3A_1009 = vector.shape_cast %get3A_1008 : vector<16xf32> to vector<16xf32>
    %mul3A_1010 = vector.broadcast %squeeze3A_1006 : f32 to vector<16xf32>
    %mul3A_1011 = arith.mulf %mul3A_1010, %get3A_1009 : vector<16xf32>
    %add3A_1012 = arith.addf %add3A_1004, %mul3A_1011 : vector<16xf32>
    %slice3A_1013 = vector.extract_strided_slice %get3A_964 {offsets = [6], sizes = [1], strides = [1]} : vector<16xf32> to vector<1xf32>
    %squeeze3A_1014 = vector.extract %slice3A_1013[0] : f32 from vector<1xf32>
    %get3A_1015 = arith.constant 1888 : index
    %get3A_1016 = tpu.vector_load %arg5[%get3A_1015] {strides = array<i32>} : memref<4096xf32, #tpu.memory_space<vmem>>, vector<16xf32>,
    %get3A_1017 = vector.shape_cast %get3A_1016 : vector<16xf32> to vector<16xf32>
    %mul3A_1018 = vector.broadcast %squeeze3A_1014 : f32 to vector<16xf32>
    %mul3A_1019 = arith.mulf %mul3A_1018, %get3A_1017 : vector<16xf32>
    %add3A_1020 = arith.addf %add3A_1012, %mul3A_1019 : vector<16xf32>
    %slice3A_1021 = vector.extract_strided_slice %get3A_964 {offsets = [7], sizes = [1], strides = [1]} : vector<16xf32> to vector<1xf32>
    %squeeze3A_1022 = vector.extract %slice3A_1021[0] : f32 from vector<1xf32>
    %get3A_1023 = arith.constant 1904 : index
    %get3A_1024 = tpu.vector_load %arg5[%get3A_1023] {strides = array<i32>} : memref<4096xf32, #tpu.memory_space<vmem>>, vector<16xf32>,
    %get3A_1025 = vector.shape_cast %get3A_1024 : vector<16xf32> to vector<16xf32>
    %mul3A_1026 = vector.broadcast %squeeze3A_1022 : f32 to vector<16xf32>
    %mul3A_1027 = arith.mulf %mul3A_1026, %get3A_1025 : vector<16xf32>
    %add3A_1028 = arith.addf %add3A_1020, %mul3A_1027 : vector<16xf32>
    %slice3A_1029 = vector.extract_strided_slice %get3A_964 {offsets = [8], sizes = [1], strides = [1]} : vector<16xf32> to vector<1xf32>
    %squeeze3A_1030 = vector.extract %slice3A_1029[0] : f32 from vector<1xf32>
    %get3A_1031 = arith.constant 1920 : index
    %get3A_1032 = tpu.vector_load %arg5[%get3A_1031] {strides = array<i32>} : memref<4096xf32, #tpu.memory_space<vmem>>, vector<16xf32>,
    %get3A_1033 = vector.shape_cast %get3A_1032 : vector<16xf32> to vector<16xf32>
    %mul3A_1034 = vector.broadcast %squeeze3A_1030 : f32 to vector<16xf32>
    %mul3A_1035 = arith.mulf %mul3A_1034, %get3A_1033 : vector<16xf32>
    %add3A_1036 = arith.addf %add3A_1028, %mul3A_1035 : vector<16xf32>
    %slice3A_1037 = vector.extract_strided_slice %get3A_964 {offsets = [9], sizes = [1], strides = [1]} : vector<16xf32> to vector<1xf32>
    %squeeze3A_1038 = vector.extract %slice3A_1037[0] : f32 from vector<1xf32>
    %get3A_1039 = arith.constant 1936 : index
    %get3A_1040 = tpu.vector_load %arg5[%get3A_1039] {strides = array<i32>} : memref<4096xf32, #tpu.memory_space<vmem>>, vector<16xf32>,
    %get3A_1041 = vector.shape_cast %get3A_1040 : vector<16xf32> to vector<16xf32>
    %mul3A_1042 = vector.broadcast %squeeze3A_1038 : f32 to vector<16xf32>
    %mul3A_1043 = arith.mulf %mul3A_1042, %get3A_1041 : vector<16xf32>
    %add3A_1044 = arith.addf %add3A_1036, %mul3A_1043 : vector<16xf32>
    %slice3A_1045 = vector.extract_strided_slice %get3A_964 {offsets = [10], sizes = [1], strides = [1]} : vector<16xf32> to vector<1xf32>
    %squeeze3A_1046 = vector.extract %slice3A_1045[0] : f32 from vector<1xf32>
    %get3A_1047 = arith.constant 1952 : index
    %get3A_1048 = tpu.vector_load %arg5[%get3A_1047] {strides = array<i32>} : memref<4096xf32, #tpu.memory_space<vmem>>, vector<16xf32>,
    %get3A_1049 = vector.shape_cast %get3A_1048 : vector<16xf32> to vector<16xf32>
    %mul3A_1050 = vector.broadcast %squeeze3A_1046 : f32 to vector<16xf32>
    %mul3A_1051 = arith.mulf %mul3A_1050, %get3A_1049 : vector<16xf32>
    %add3A_1052 = arith.addf %add3A_1044, %mul3A_1051 : vector<16xf32>
    %slice3A_1053 = vector.extract_strided_slice %get3A_964 {offsets = [11], sizes = [1], strides = [1]} : vector<16xf32> to vector<1xf32>
    %squeeze3A_1054 = vector.extract %slice3A_1053[0] : f32 from vector<1xf32>
    %get3A_1055 = arith.constant 1968 : index
    %get3A_1056 = tpu.vector_load %arg5[%get3A_1055] {strides = array<i32>} : memref<4096xf32, #tpu.memory_space<vmem>>, vector<16xf32>,
    %get3A_1057 = vector.shape_cast %get3A_1056 : vector<16xf32> to vector<16xf32>
    %mul3A_1058 = vector.broadcast %squeeze3A_1054 : f32 to vector<16xf32>
    %mul3A_1059 = arith.mulf %mul3A_1058, %get3A_1057 : vector<16xf32>
    %add3A_1060 = arith.addf %add3A_1052, %mul3A_1059 : vector<16xf32>
    %slice3A_1061 = vector.extract_strided_slice %get3A_964 {offsets = [12], sizes = [1], strides = [1]} : vector<16xf32> to vector<1xf32>
    %squeeze3A_1062 = vector.extract %slice3A_1061[0] : f32 from vector<1xf32>
    %get3A_1063 = arith.constant 1984 : index
    %get3A_1064 = tpu.vector_load %arg5[%get3A_1063] {strides = array<i32>} : memref<4096xf32, #tpu.memory_space<vmem>>, vector<16xf32>,
    %get3A_1065 = vector.shape_cast %get3A_1064 : vector<16xf32> to vector<16xf32>
    %mul3A_1066 = vector.broadcast %squeeze3A_1062 : f32 to vector<16xf32>
    %mul3A_1067 = arith.mulf %mul3A_1066, %get3A_1065 : vector<16xf32>
    %add3A_1068 = arith.addf %add3A_1060, %mul3A_1067 : vector<16xf32>
    %slice3A_1069 = vector.extract_strided_slice %get3A_964 {offsets = [13], sizes = [1], strides = [1]} : vector<16xf32> to vector<1xf32>
    %squeeze3A_1070 = vector.extract %slice3A_1069[0] : f32 from vector<1xf32>
    %get3A_1071 = arith.constant 2000 : index
    %get3A_1072 = tpu.vector_load %arg5[%get3A_1071] {strides = array<i32>} : memref<4096xf32, #tpu.memory_space<vmem>>, vector<16xf32>,
    %get3A_1073 = vector.shape_cast %get3A_1072 : vector<16xf32> to vector<16xf32>
    %mul3A_1074 = vector.broadcast %squeeze3A_1070 : f32 to vector<16xf32>
    %mul3A_1075 = arith.mulf %mul3A_1074, %get3A_1073 : vector<16xf32>
    %add3A_1076 = arith.addf %add3A_1068, %mul3A_1075 : vector<16xf32>
    %slice3A_1077 = vector.extract_strided_slice %get3A_964 {offsets = [14], sizes = [1], strides = [1]} : vector<16xf32> to vector<1xf32>
    %squeeze3A_1078 = vector.extract %slice3A_1077[0] : f32 from vector<1xf32>
    %get3A_1079 = arith.constant 2016 : index
    %get3A_1080 = tpu.vector_load %arg5[%get3A_1079] {strides = array<i32>} : memref<4096xf32, #tpu.memory_space<vmem>>, vector<16xf32>,
    %get3A_1081 = vector.shape_cast %get3A_1080 : vector<16xf32> to vector<16xf32>
    %mul3A_1082 = vector.broadcast %squeeze3A_1078 : f32 to vector<16xf32>
    %mul3A_1083 = arith.mulf %mul3A_1082, %get3A_1081 : vector<16xf32>
    %add3A_1084 = arith.addf %add3A_1076, %mul3A_1083 : vector<16xf32>
    %slice3A_1085 = vector.extract_strided_slice %get3A_964 {offsets = [15], sizes = [1], strides = [1]} : vector<16xf32> to vector<1xf32>
    %squeeze3A_1086 = vector.extract %slice3A_1085[0] : f32 from vector<1xf32>
    %get3A_1087 = arith.constant 2032 : index
    %get3A_1088 = tpu.vector_load %arg5[%get3A_1087] {strides = array<i32>} : memref<4096xf32, #tpu.memory_space<vmem>>, vector<16xf32>,
    %get3A_1089 = vector.shape_cast %get3A_1088 : vector<16xf32> to vector<16xf32>
    %mul3A_1090 = vector.broadcast %squeeze3A_1086 : f32 to vector<16xf32>
    %mul3A_1091 = arith.mulf %mul3A_1090, %get3A_1089 : vector<16xf32>
    %add3A_1092 = arith.addf %add3A_1084, %mul3A_1091 : vector<16xf32>
    %get3A_1093 = arith.index_cast %select_n3A : i32 to index
    %get3A_1094 = arith.constant 128 : index
    %get3A_1095 = tpu.vector_load %arg6[%get3A_1093, %get3A_1094] {strides = array<i32>} : memref<8x256xf32, #tpu.memory_space<vmem>>, vector<1x16xf32>,
    %get3A_1096 = vector.shape_cast %get3A_1095 : vector<1x16xf32> to vector<16xf32>
    %slice3A_1097 = vector.extract_strided_slice %get3A_1096 {offsets = [0], sizes = [1], strides = [1]} : vector<16xf32> to vector<1xf32>
    %squeeze3A_1098 = vector.extract %slice3A_1097[0] : f32 from vector<1xf32>
    %get3A_1099 = arith.constant 2048 : index
    %get3A_1100 = tpu.vector_load %arg5[%get3A_1099] {strides = array<i32>} : memref<4096xf32, #tpu.memory_space<vmem>>, vector<16xf32>,
    %get3A_1101 = vector.shape_cast %get3A_1100 : vector<16xf32> to vector<16xf32>
    %mul3A_1102 = vector.broadcast %squeeze3A_1098 : f32 to vector<16xf32>
    %mul3A_1103 = arith.mulf %mul3A_1102, %get3A_1101 : vector<16xf32>
    %add3A_1104 = arith.addf %add3A_1092, %mul3A_1103 : vector<16xf32>
    %slice3A_1105 = vector.extract_strided_slice %get3A_1096 {offsets = [1], sizes = [1], strides = [1]} : vector<16xf32> to vector<1xf32>
    %squeeze3A_1106 = vector.extract %slice3A_1105[0] : f32 from vector<1xf32>
    %get3A_1107 = arith.constant 2064 : index
    %get3A_1108 = tpu.vector_load %arg5[%get3A_1107] {strides = array<i32>} : memref<4096xf32, #tpu.memory_space<vmem>>, vector<16xf32>,
    %get3A_1109 = vector.shape_cast %get3A_1108 : vector<16xf32> to vector<16xf32>
    %mul3A_1110 = vector.broadcast %squeeze3A_1106 : f32 to vector<16xf32>
    %mul3A_1111 = arith.mulf %mul3A_1110, %get3A_1109 : vector<16xf32>
    %add3A_1112 = arith.addf %add3A_1104, %mul3A_1111 : vector<16xf32>
    %slice3A_1113 = vector.extract_strided_slice %get3A_1096 {offsets = [2], sizes = [1], strides = [1]} : vector<16xf32> to vector<1xf32>
    %squeeze3A_1114 = vector.extract %slice3A_1113[0] : f32 from vector<1xf32>
    %get3A_1115 = arith.constant 2080 : index
    %get3A_1116 = tpu.vector_load %arg5[%get3A_1115] {strides = array<i32>} : memref<4096xf32, #tpu.memory_space<vmem>>, vector<16xf32>,
    %get3A_1117 = vector.shape_cast %get3A_1116 : vector<16xf32> to vector<16xf32>
    %mul3A_1118 = vector.broadcast %squeeze3A_1114 : f32 to vector<16xf32>
    %mul3A_1119 = arith.mulf %mul3A_1118, %get3A_1117 : vector<16xf32>
    %add3A_1120 = arith.addf %add3A_1112, %mul3A_1119 : vector<16xf32>
    %slice3A_1121 = vector.extract_strided_slice %get3A_1096 {offsets = [3], sizes = [1], strides = [1]} : vector<16xf32> to vector<1xf32>
    %squeeze3A_1122 = vector.extract %slice3A_1121[0] : f32 from vector<1xf32>
    %get3A_1123 = arith.constant 2096 : index
    %get3A_1124 = tpu.vector_load %arg5[%get3A_1123] {strides = array<i32>} : memref<4096xf32, #tpu.memory_space<vmem>>, vector<16xf32>,
    %get3A_1125 = vector.shape_cast %get3A_1124 : vector<16xf32> to vector<16xf32>
    %mul3A_1126 = vector.broadcast %squeeze3A_1122 : f32 to vector<16xf32>
    %mul3A_1127 = arith.mulf %mul3A_1126, %get3A_1125 : vector<16xf32>
    %add3A_1128 = arith.addf %add3A_1120, %mul3A_1127 : vector<16xf32>
    %slice3A_1129 = vector.extract_strided_slice %get3A_1096 {offsets = [4], sizes = [1], strides = [1]} : vector<16xf32> to vector<1xf32>
    %squeeze3A_1130 = vector.extract %slice3A_1129[0] : f32 from vector<1xf32>
    %get3A_1131 = arith.constant 2112 : index
    %get3A_1132 = tpu.vector_load %arg5[%get3A_1131] {strides = array<i32>} : memref<4096xf32, #tpu.memory_space<vmem>>, vector<16xf32>,
    %get3A_1133 = vector.shape_cast %get3A_1132 : vector<16xf32> to vector<16xf32>
    %mul3A_1134 = vector.broadcast %squeeze3A_1130 : f32 to vector<16xf32>
    %mul3A_1135 = arith.mulf %mul3A_1134, %get3A_1133 : vector<16xf32>
    %add3A_1136 = arith.addf %add3A_1128, %mul3A_1135 : vector<16xf32>
    %slice3A_1137 = vector.extract_strided_slice %get3A_1096 {offsets = [5], sizes = [1], strides = [1]} : vector<16xf32> to vector<1xf32>
    %squeeze3A_1138 = vector.extract %slice3A_1137[0] : f32 from vector<1xf32>
    %get3A_1139 = arith.constant 2128 : index
    %get3A_1140 = tpu.vector_load %arg5[%get3A_1139] {strides = array<i32>} : memref<4096xf32, #tpu.memory_space<vmem>>, vector<16xf32>,
    %get3A_1141 = vector.shape_cast %get3A_1140 : vector<16xf32> to vector<16xf32>
    %mul3A_1142 = vector.broadcast %squeeze3A_1138 : f32 to vector<16xf32>
    %mul3A_1143 = arith.mulf %mul3A_1142, %get3A_1141 : vector<16xf32>
    %add3A_1144 = arith.addf %add3A_1136, %mul3A_1143 : vector<16xf32>
    %slice3A_1145 = vector.extract_strided_slice %get3A_1096 {offsets = [6], sizes = [1], strides = [1]} : vector<16xf32> to vector<1xf32>
    %squeeze3A_1146 = vector.extract %slice3A_1145[0] : f32 from vector<1xf32>
    %get3A_1147 = arith.constant 2144 : index
    %get3A_1148 = tpu.vector_load %arg5[%get3A_1147] {strides = array<i32>} : memref<4096xf32, #tpu.memory_space<vmem>>, vector<16xf32>,
    %get3A_1149 = vector.shape_cast %get3A_1148 : vector<16xf32> to vector<16xf32>
    %mul3A_1150 = vector.broadcast %squeeze3A_1146 : f32 to vector<16xf32>
    %mul3A_1151 = arith.mulf %mul3A_1150, %get3A_1149 : vector<16xf32>
    %add3A_1152 = arith.addf %add3A_1144, %mul3A_1151 : vector<16xf32>
    %slice3A_1153 = vector.extract_strided_slice %get3A_1096 {offsets = [7], sizes = [1], strides = [1]} : vector<16xf32> to vector<1xf32>
    %squeeze3A_1154 = vector.extract %slice3A_1153[0] : f32 from vector<1xf32>
    %get3A_1155 = arith.constant 2160 : index
    %get3A_1156 = tpu.vector_load %arg5[%get3A_1155] {strides = array<i32>} : memref<4096xf32, #tpu.memory_space<vmem>>, vector<16xf32>,
    %get3A_1157 = vector.shape_cast %get3A_1156 : vector<16xf32> to vector<16xf32>
    %mul3A_1158 = vector.broadcast %squeeze3A_1154 : f32 to vector<16xf32>
    %mul3A_1159 = arith.mulf %mul3A_1158, %get3A_1157 : vector<16xf32>
    %add3A_1160 = arith.addf %add3A_1152, %mul3A_1159 : vector<16xf32>
    %slice3A_1161 = vector.extract_strided_slice %get3A_1096 {offsets = [8], sizes = [1], strides = [1]} : vector<16xf32> to vector<1xf32>
    %squeeze3A_1162 = vector.extract %slice3A_1161[0] : f32 from vector<1xf32>
    %get3A_1163 = arith.constant 2176 : index
    %get3A_1164 = tpu.vector_load %arg5[%get3A_1163] {strides = array<i32>} : memref<4096xf32, #tpu.memory_space<vmem>>, vector<16xf32>,
    %get3A_1165 = vector.shape_cast %get3A_1164 : vector<16xf32> to vector<16xf32>
    %mul3A_1166 = vector.broadcast %squeeze3A_1162 : f32 to vector<16xf32>
    %mul3A_1167 = arith.mulf %mul3A_1166, %get3A_1165 : vector<16xf32>
    %add3A_1168 = arith.addf %add3A_1160, %mul3A_1167 : vector<16xf32>
    %slice3A_1169 = vector.extract_strided_slice %get3A_1096 {offsets = [9], sizes = [1], strides = [1]} : vector<16xf32> to vector<1xf32>
    %squeeze3A_1170 = vector.extract %slice3A_1169[0] : f32 from vector<1xf32>
    %get3A_1171 = arith.constant 2192 : index
    %get3A_1172 = tpu.vector_load %arg5[%get3A_1171] {strides = array<i32>} : memref<4096xf32, #tpu.memory_space<vmem>>, vector<16xf32>,
    %get3A_1173 = vector.shape_cast %get3A_1172 : vector<16xf32> to vector<16xf32>
    %mul3A_1174 = vector.broadcast %squeeze3A_1170 : f32 to vector<16xf32>
    %mul3A_1175 = arith.mulf %mul3A_1174, %get3A_1173 : vector<16xf32>
    %add3A_1176 = arith.addf %add3A_1168, %mul3A_1175 : vector<16xf32>
    %slice3A_1177 = vector.extract_strided_slice %get3A_1096 {offsets = [10], sizes = [1], strides = [1]} : vector<16xf32> to vector<1xf32>
    %squeeze3A_1178 = vector.extract %slice3A_1177[0] : f32 from vector<1xf32>
    %get3A_1179 = arith.constant 2208 : index
    %get3A_1180 = tpu.vector_load %arg5[%get3A_1179] {strides = array<i32>} : memref<4096xf32, #tpu.memory_space<vmem>>, vector<16xf32>,
    %get3A_1181 = vector.shape_cast %get3A_1180 : vector<16xf32> to vector<16xf32>
    %mul3A_1182 = vector.broadcast %squeeze3A_1178 : f32 to vector<16xf32>
    %mul3A_1183 = arith.mulf %mul3A_1182, %get3A_1181 : vector<16xf32>
    %add3A_1184 = arith.addf %add3A_1176, %mul3A_1183 : vector<16xf32>
    %slice3A_1185 = vector.extract_strided_slice %get3A_1096 {offsets = [11], sizes = [1], strides = [1]} : vector<16xf32> to vector<1xf32>
    %squeeze3A_1186 = vector.extract %slice3A_1185[0] : f32 from vector<1xf32>
    %get3A_1187 = arith.constant 2224 : index
    %get3A_1188 = tpu.vector_load %arg5[%get3A_1187] {strides = array<i32>} : memref<4096xf32, #tpu.memory_space<vmem>>, vector<16xf32>,
    %get3A_1189 = vector.shape_cast %get3A_1188 : vector<16xf32> to vector<16xf32>
    %mul3A_1190 = vector.broadcast %squeeze3A_1186 : f32 to vector<16xf32>
    %mul3A_1191 = arith.mulf %mul3A_1190, %get3A_1189 : vector<16xf32>
    %add3A_1192 = arith.addf %add3A_1184, %mul3A_1191 : vector<16xf32>
    %slice3A_1193 = vector.extract_strided_slice %get3A_1096 {offsets = [12], sizes = [1], strides = [1]} : vector<16xf32> to vector<1xf32>
    %squeeze3A_1194 = vector.extract %slice3A_1193[0] : f32 from vector<1xf32>
    %get3A_1195 = arith.constant 2240 : index
    %get3A_1196 = tpu.vector_load %arg5[%get3A_1195] {strides = array<i32>} : memref<4096xf32, #tpu.memory_space<vmem>>, vector<16xf32>,
    %get3A_1197 = vector.shape_cast %get3A_1196 : vector<16xf32> to vector<16xf32>
    %mul3A_1198 = vector.broadcast %squeeze3A_1194 : f32 to vector<16xf32>
    %mul3A_1199 = arith.mulf %mul3A_1198, %get3A_1197 : vector<16xf32>
    %add3A_1200 = arith.addf %add3A_1192, %mul3A_1199 : vector<16xf32>
    %slice3A_1201 = vector.extract_strided_slice %get3A_1096 {offsets = [13], sizes = [1], strides = [1]} : vector<16xf32> to vector<1xf32>
    %squeeze3A_1202 = vector.extract %slice3A_1201[0] : f32 from vector<1xf32>
    %get3A_1203 = arith.constant 2256 : index
    %get3A_1204 = tpu.vector_load %arg5[%get3A_1203] {strides = array<i32>} : memref<4096xf32, #tpu.memory_space<vmem>>, vector<16xf32>,
    %get3A_1205 = vector.shape_cast %get3A_1204 : vector<16xf32> to vector<16xf32>
    %mul3A_1206 = vector.broadcast %squeeze3A_1202 : f32 to vector<16xf32>
    %mul3A_1207 = arith.mulf %mul3A_1206, %get3A_1205 : vector<16xf32>
    %add3A_1208 = arith.addf %add3A_1200, %mul3A_1207 : vector<16xf32>
    %slice3A_1209 = vector.extract_strided_slice %get3A_1096 {offsets = [14], sizes = [1], strides = [1]} : vector<16xf32> to vector<1xf32>
    %squeeze3A_1210 = vector.extract %slice3A_1209[0] : f32 from vector<1xf32>
    %get3A_1211 = arith.constant 2272 : index
    %get3A_1212 = tpu.vector_load %arg5[%get3A_1211] {strides = array<i32>} : memref<4096xf32, #tpu.memory_space<vmem>>, vector<16xf32>,
    %get3A_1213 = vector.shape_cast %get3A_1212 : vector<16xf32> to vector<16xf32>
    %mul3A_1214 = vector.broadcast %squeeze3A_1210 : f32 to vector<16xf32>
    %mul3A_1215 = arith.mulf %mul3A_1214, %get3A_1213 : vector<16xf32>
    %add3A_1216 = arith.addf %add3A_1208, %mul3A_1215 : vector<16xf32>
    %slice3A_1217 = vector.extract_strided_slice %get3A_1096 {offsets = [15], sizes = [1], strides = [1]} : vector<16xf32> to vector<1xf32>
    %squeeze3A_1218 = vector.extract %slice3A_1217[0] : f32 from vector<1xf32>
    %get3A_1219 = arith.constant 2288 : index
    %get3A_1220 = tpu.vector_load %arg5[%get3A_1219] {strides = array<i32>} : memref<4096xf32, #tpu.memory_space<vmem>>, vector<16xf32>,
    %get3A_1221 = vector.shape_cast %get3A_1220 : vector<16xf32> to vector<16xf32>
    %mul3A_1222 = vector.broadcast %squeeze3A_1218 : f32 to vector<16xf32>
    %mul3A_1223 = arith.mulf %mul3A_1222, %get3A_1221 : vector<16xf32>
    %add3A_1224 = arith.addf %add3A_1216, %mul3A_1223 : vector<16xf32>
    %get3A_1225 = arith.index_cast %select_n3A : i32 to index
    %get3A_1226 = arith.constant 144 : index
    %get3A_1227 = tpu.vector_load %arg6[%get3A_1225, %get3A_1226] {strides = array<i32>} : memref<8x256xf32, #tpu.memory_space<vmem>>, vector<1x16xf32>,
    %get3A_1228 = vector.shape_cast %get3A_1227 : vector<1x16xf32> to vector<16xf32>
    %slice3A_1229 = vector.extract_strided_slice %get3A_1228 {offsets = [0], sizes = [1], strides = [1]} : vector<16xf32> to vector<1xf32>
    %squeeze3A_1230 = vector.extract %slice3A_1229[0] : f32 from vector<1xf32>
    %get3A_1231 = arith.constant 2304 : index
    %get3A_1232 = tpu.vector_load %arg5[%get3A_1231] {strides = array<i32>} : memref<4096xf32, #tpu.memory_space<vmem>>, vector<16xf32>,
    %get3A_1233 = vector.shape_cast %get3A_1232 : vector<16xf32> to vector<16xf32>
    %mul3A_1234 = vector.broadcast %squeeze3A_1230 : f32 to vector<16xf32>
    %mul3A_1235 = arith.mulf %mul3A_1234, %get3A_1233 : vector<16xf32>
    %add3A_1236 = arith.addf %add3A_1224, %mul3A_1235 : vector<16xf32>
    %slice3A_1237 = vector.extract_strided_slice %get3A_1228 {offsets = [1], sizes = [1], strides = [1]} : vector<16xf32> to vector<1xf32>
    %squeeze3A_1238 = vector.extract %slice3A_1237[0] : f32 from vector<1xf32>
    %get3A_1239 = arith.constant 2320 : index
    %get3A_1240 = tpu.vector_load %arg5[%get3A_1239] {strides = array<i32>} : memref<4096xf32, #tpu.memory_space<vmem>>, vector<16xf32>,
    %get3A_1241 = vector.shape_cast %get3A_1240 : vector<16xf32> to vector<16xf32>
    %mul3A_1242 = vector.broadcast %squeeze3A_1238 : f32 to vector<16xf32>
    %mul3A_1243 = arith.mulf %mul3A_1242, %get3A_1241 : vector<16xf32>
    %add3A_1244 = arith.addf %add3A_1236, %mul3A_1243 : vector<16xf32>
    %slice3A_1245 = vector.extract_strided_slice %get3A_1228 {offsets = [2], sizes = [1], strides = [1]} : vector<16xf32> to vector<1xf32>
    %squeeze3A_1246 = vector.extract %slice3A_1245[0] : f32 from vector<1xf32>
    %get3A_1247 = arith.constant 2336 : index
    %get3A_1248 = tpu.vector_load %arg5[%get3A_1247] {strides = array<i32>} : memref<4096xf32, #tpu.memory_space<vmem>>, vector<16xf32>,
    %get3A_1249 = vector.shape_cast %get3A_1248 : vector<16xf32> to vector<16xf32>
    %mul3A_1250 = vector.broadcast %squeeze3A_1246 : f32 to vector<16xf32>
    %mul3A_1251 = arith.mulf %mul3A_1250, %get3A_1249 : vector<16xf32>
    %add3A_1252 = arith.addf %add3A_1244, %mul3A_1251 : vector<16xf32>
    %slice3A_1253 = vector.extract_strided_slice %get3A_1228 {offsets = [3], sizes = [1], strides = [1]} : vector<16xf32> to vector<1xf32>
    %squeeze3A_1254 = vector.extract %slice3A_1253[0] : f32 from vector<1xf32>
    %get3A_1255 = arith.constant 2352 : index
    %get3A_1256 = tpu.vector_load %arg5[%get3A_1255] {strides = array<i32>} : memref<4096xf32, #tpu.memory_space<vmem>>, vector<16xf32>,
    %get3A_1257 = vector.shape_cast %get3A_1256 : vector<16xf32> to vector<16xf32>
    %mul3A_1258 = vector.broadcast %squeeze3A_1254 : f32 to vector<16xf32>
    %mul3A_1259 = arith.mulf %mul3A_1258, %get3A_1257 : vector<16xf32>
    %add3A_1260 = arith.addf %add3A_1252, %mul3A_1259 : vector<16xf32>
    %slice3A_1261 = vector.extract_strided_slice %get3A_1228 {offsets = [4], sizes = [1], strides = [1]} : vector<16xf32> to vector<1xf32>
    %squeeze3A_1262 = vector.extract %slice3A_1261[0] : f32 from vector<1xf32>
    %get3A_1263 = arith.constant 2368 : index
    %get3A_1264 = tpu.vector_load %arg5[%get3A_1263] {strides = array<i32>} : memref<4096xf32, #tpu.memory_space<vmem>>, vector<16xf32>,
    %get3A_1265 = vector.shape_cast %get3A_1264 : vector<16xf32> to vector<16xf32>
    %mul3A_1266 = vector.broadcast %squeeze3A_1262 : f32 to vector<16xf32>
    %mul3A_1267 = arith.mulf %mul3A_1266, %get3A_1265 : vector<16xf32>
    %add3A_1268 = arith.addf %add3A_1260, %mul3A_1267 : vector<16xf32>
    %slice3A_1269 = vector.extract_strided_slice %get3A_1228 {offsets = [5], sizes = [1], strides = [1]} : vector<16xf32> to vector<1xf32>
    %squeeze3A_1270 = vector.extract %slice3A_1269[0] : f32 from vector<1xf32>
    %get3A_1271 = arith.constant 2384 : index
    %get3A_1272 = tpu.vector_load %arg5[%get3A_1271] {strides = array<i32>} : memref<4096xf32, #tpu.memory_space<vmem>>, vector<16xf32>,
    %get3A_1273 = vector.shape_cast %get3A_1272 : vector<16xf32> to vector<16xf32>
    %mul3A_1274 = vector.broadcast %squeeze3A_1270 : f32 to vector<16xf32>
    %mul3A_1275 = arith.mulf %mul3A_1274, %get3A_1273 : vector<16xf32>
    %add3A_1276 = arith.addf %add3A_1268, %mul3A_1275 : vector<16xf32>
    %slice3A_1277 = vector.extract_strided_slice %get3A_1228 {offsets = [6], sizes = [1], strides = [1]} : vector<16xf32> to vector<1xf32>
    %squeeze3A_1278 = vector.extract %slice3A_1277[0] : f32 from vector<1xf32>
    %get3A_1279 = arith.constant 2400 : index
    %get3A_1280 = tpu.vector_load %arg5[%get3A_1279] {strides = array<i32>} : memref<4096xf32, #tpu.memory_space<vmem>>, vector<16xf32>,
    %get3A_1281 = vector.shape_cast %get3A_1280 : vector<16xf32> to vector<16xf32>
    %mul3A_1282 = vector.broadcast %squeeze3A_1278 : f32 to vector<16xf32>
    %mul3A_1283 = arith.mulf %mul3A_1282, %get3A_1281 : vector<16xf32>
    %add3A_1284 = arith.addf %add3A_1276, %mul3A_1283 : vector<16xf32>
    %slice3A_1285 = vector.extract_strided_slice %get3A_1228 {offsets = [7], sizes = [1], strides = [1]} : vector<16xf32> to vector<1xf32>
    %squeeze3A_1286 = vector.extract %slice3A_1285[0] : f32 from vector<1xf32>
    %get3A_1287 = arith.constant 2416 : index
    %get3A_1288 = tpu.vector_load %arg5[%get3A_1287] {strides = array<i32>} : memref<4096xf32, #tpu.memory_space<vmem>>, vector<16xf32>,
    %get3A_1289 = vector.shape_cast %get3A_1288 : vector<16xf32> to vector<16xf32>
    %mul3A_1290 = vector.broadcast %squeeze3A_1286 : f32 to vector<16xf32>
    %mul3A_1291 = arith.mulf %mul3A_1290, %get3A_1289 : vector<16xf32>
    %add3A_1292 = arith.addf %add3A_1284, %mul3A_1291 : vector<16xf32>
    %slice3A_1293 = vector.extract_strided_slice %get3A_1228 {offsets = [8], sizes = [1], strides = [1]} : vector<16xf32> to vector<1xf32>
    %squeeze3A_1294 = vector.extract %slice3A_1293[0] : f32 from vector<1xf32>
    %get3A_1295 = arith.constant 2432 : index
    %get3A_1296 = tpu.vector_load %arg5[%get3A_1295] {strides = array<i32>} : memref<4096xf32, #tpu.memory_space<vmem>>, vector<16xf32>,
    %get3A_1297 = vector.shape_cast %get3A_1296 : vector<16xf32> to vector<16xf32>
    %mul3A_1298 = vector.broadcast %squeeze3A_1294 : f32 to vector<16xf32>
    %mul3A_1299 = arith.mulf %mul3A_1298, %get3A_1297 : vector<16xf32>
    %add3A_1300 = arith.addf %add3A_1292, %mul3A_1299 : vector<16xf32>
    %slice3A_1301 = vector.extract_strided_slice %get3A_1228 {offsets = [9], sizes = [1], strides = [1]} : vector<16xf32> to vector<1xf32>
    %squeeze3A_1302 = vector.extract %slice3A_1301[0] : f32 from vector<1xf32>
    %get3A_1303 = arith.constant 2448 : index
    %get3A_1304 = tpu.vector_load %arg5[%get3A_1303] {strides = array<i32>} : memref<4096xf32, #tpu.memory_space<vmem>>, vector<16xf32>,
    %get3A_1305 = vector.shape_cast %get3A_1304 : vector<16xf32> to vector<16xf32>
    %mul3A_1306 = vector.broadcast %squeeze3A_1302 : f32 to vector<16xf32>
    %mul3A_1307 = arith.mulf %mul3A_1306, %get3A_1305 : vector<16xf32>
    %add3A_1308 = arith.addf %add3A_1300, %mul3A_1307 : vector<16xf32>
    %slice3A_1309 = vector.extract_strided_slice %get3A_1228 {offsets = [10], sizes = [1], strides = [1]} : vector<16xf32> to vector<1xf32>
    %squeeze3A_1310 = vector.extract %slice3A_1309[0] : f32 from vector<1xf32>
    %get3A_1311 = arith.constant 2464 : index
    %get3A_1312 = tpu.vector_load %arg5[%get3A_1311] {strides = array<i32>} : memref<4096xf32, #tpu.memory_space<vmem>>, vector<16xf32>,
    %get3A_1313 = vector.shape_cast %get3A_1312 : vector<16xf32> to vector<16xf32>
    %mul3A_1314 = vector.broadcast %squeeze3A_1310 : f32 to vector<16xf32>
    %mul3A_1315 = arith.mulf %mul3A_1314, %get3A_1313 : vector<16xf32>
    %add3A_1316 = arith.addf %add3A_1308, %mul3A_1315 : vector<16xf32>
    %slice3A_1317 = vector.extract_strided_slice %get3A_1228 {offsets = [11], sizes = [1], strides = [1]} : vector<16xf32> to vector<1xf32>
    %squeeze3A_1318 = vector.extract %slice3A_1317[0] : f32 from vector<1xf32>
    %get3A_1319 = arith.constant 2480 : index
    %get3A_1320 = tpu.vector_load %arg5[%get3A_1319] {strides = array<i32>} : memref<4096xf32, #tpu.memory_space<vmem>>, vector<16xf32>,
    %get3A_1321 = vector.shape_cast %get3A_1320 : vector<16xf32> to vector<16xf32>
    %mul3A_1322 = vector.broadcast %squeeze3A_1318 : f32 to vector<16xf32>
    %mul3A_1323 = arith.mulf %mul3A_1322, %get3A_1321 : vector<16xf32>
    %add3A_1324 = arith.addf %add3A_1316, %mul3A_1323 : vector<16xf32>
    %slice3A_1325 = vector.extract_strided_slice %get3A_1228 {offsets = [12], sizes = [1], strides = [1]} : vector<16xf32> to vector<1xf32>
    %squeeze3A_1326 = vector.extract %slice3A_1325[0] : f32 from vector<1xf32>
    %get3A_1327 = arith.constant 2496 : index
    %get3A_1328 = tpu.vector_load %arg5[%get3A_1327] {strides = array<i32>} : memref<4096xf32, #tpu.memory_space<vmem>>, vector<16xf32>,
    %get3A_1329 = vector.shape_cast %get3A_1328 : vector<16xf32> to vector<16xf32>
    %mul3A_1330 = vector.broadcast %squeeze3A_1326 : f32 to vector<16xf32>
    %mul3A_1331 = arith.mulf %mul3A_1330, %get3A_1329 : vector<16xf32>
    %add3A_1332 = arith.addf %add3A_1324, %mul3A_1331 : vector<16xf32>
    %slice3A_1333 = vector.extract_strided_slice %get3A_1228 {offsets = [13], sizes = [1], strides = [1]} : vector<16xf32> to vector<1xf32>
    %squeeze3A_1334 = vector.extract %slice3A_1333[0] : f32 from vector<1xf32>
    %get3A_1335 = arith.constant 2512 : index
    %get3A_1336 = tpu.vector_load %arg5[%get3A_1335] {strides = array<i32>} : memref<4096xf32, #tpu.memory_space<vmem>>, vector<16xf32>,
    %get3A_1337 = vector.shape_cast %get3A_1336 : vector<16xf32> to vector<16xf32>
    %mul3A_1338 = vector.broadcast %squeeze3A_1334 : f32 to vector<16xf32>
    %mul3A_1339 = arith.mulf %mul3A_1338, %get3A_1337 : vector<16xf32>
    %add3A_1340 = arith.addf %add3A_1332, %mul3A_1339 : vector<16xf32>
    %slice3A_1341 = vector.extract_strided_slice %get3A_1228 {offsets = [14], sizes = [1], strides = [1]} : vector<16xf32> to vector<1xf32>
    %squeeze3A_1342 = vector.extract %slice3A_1341[0] : f32 from vector<1xf32>
    %get3A_1343 = arith.constant 2528 : index
    %get3A_1344 = tpu.vector_load %arg5[%get3A_1343] {strides = array<i32>} : memref<4096xf32, #tpu.memory_space<vmem>>, vector<16xf32>,
    %get3A_1345 = vector.shape_cast %get3A_1344 : vector<16xf32> to vector<16xf32>
    %mul3A_1346 = vector.broadcast %squeeze3A_1342 : f32 to vector<16xf32>
    %mul3A_1347 = arith.mulf %mul3A_1346, %get3A_1345 : vector<16xf32>
    %add3A_1348 = arith.addf %add3A_1340, %mul3A_1347 : vector<16xf32>
    %slice3A_1349 = vector.extract_strided_slice %get3A_1228 {offsets = [15], sizes = [1], strides = [1]} : vector<16xf32> to vector<1xf32>
    %squeeze3A_1350 = vector.extract %slice3A_1349[0] : f32 from vector<1xf32>
    %get3A_1351 = arith.constant 2544 : index
    %get3A_1352 = tpu.vector_load %arg5[%get3A_1351] {strides = array<i32>} : memref<4096xf32, #tpu.memory_space<vmem>>, vector<16xf32>,
    %get3A_1353 = vector.shape_cast %get3A_1352 : vector<16xf32> to vector<16xf32>
    %mul3A_1354 = vector.broadcast %squeeze3A_1350 : f32 to vector<16xf32>
    %mul3A_1355 = arith.mulf %mul3A_1354, %get3A_1353 : vector<16xf32>
    %add3A_1356 = arith.addf %add3A_1348, %mul3A_1355 : vector<16xf32>
    %get3A_1357 = arith.index_cast %select_n3A : i32 to index
    %get3A_1358 = arith.constant 160 : index
    %get3A_1359 = tpu.vector_load %arg6[%get3A_1357, %get3A_1358] {strides = array<i32>} : memref<8x256xf32, #tpu.memory_space<vmem>>, vector<1x16xf32>,
    %get3A_1360 = vector.shape_cast %get3A_1359 : vector<1x16xf32> to vector<16xf32>
    %slice3A_1361 = vector.extract_strided_slice %get3A_1360 {offsets = [0], sizes = [1], strides = [1]} : vector<16xf32> to vector<1xf32>
    %squeeze3A_1362 = vector.extract %slice3A_1361[0] : f32 from vector<1xf32>
    %get3A_1363 = arith.constant 2560 : index
    %get3A_1364 = tpu.vector_load %arg5[%get3A_1363] {strides = array<i32>} : memref<4096xf32, #tpu.memory_space<vmem>>, vector<16xf32>,
    %get3A_1365 = vector.shape_cast %get3A_1364 : vector<16xf32> to vector<16xf32>
    %mul3A_1366 = vector.broadcast %squeeze3A_1362 : f32 to vector<16xf32>
    %mul3A_1367 = arith.mulf %mul3A_1366, %get3A_1365 : vector<16xf32>
    %add3A_1368 = arith.addf %add3A_1356, %mul3A_1367 : vector<16xf32>
    %slice3A_1369 = vector.extract_strided_slice %get3A_1360 {offsets = [1], sizes = [1], strides = [1]} : vector<16xf32> to vector<1xf32>
    %squeeze3A_1370 = vector.extract %slice3A_1369[0] : f32 from vector<1xf32>
    %get3A_1371 = arith.constant 2576 : index
    %get3A_1372 = tpu.vector_load %arg5[%get3A_1371] {strides = array<i32>} : memref<4096xf32, #tpu.memory_space<vmem>>, vector<16xf32>,
    %get3A_1373 = vector.shape_cast %get3A_1372 : vector<16xf32> to vector<16xf32>
    %mul3A_1374 = vector.broadcast %squeeze3A_1370 : f32 to vector<16xf32>
    %mul3A_1375 = arith.mulf %mul3A_1374, %get3A_1373 : vector<16xf32>
    %add3A_1376 = arith.addf %add3A_1368, %mul3A_1375 : vector<16xf32>
    %slice3A_1377 = vector.extract_strided_slice %get3A_1360 {offsets = [2], sizes = [1], strides = [1]} : vector<16xf32> to vector<1xf32>
    %squeeze3A_1378 = vector.extract %slice3A_1377[0] : f32 from vector<1xf32>
    %get3A_1379 = arith.constant 2592 : index
    %get3A_1380 = tpu.vector_load %arg5[%get3A_1379] {strides = array<i32>} : memref<4096xf32, #tpu.memory_space<vmem>>, vector<16xf32>,
    %get3A_1381 = vector.shape_cast %get3A_1380 : vector<16xf32> to vector<16xf32>
    %mul3A_1382 = vector.broadcast %squeeze3A_1378 : f32 to vector<16xf32>
    %mul3A_1383 = arith.mulf %mul3A_1382, %get3A_1381 : vector<16xf32>
    %add3A_1384 = arith.addf %add3A_1376, %mul3A_1383 : vector<16xf32>
    %slice3A_1385 = vector.extract_strided_slice %get3A_1360 {offsets = [3], sizes = [1], strides = [1]} : vector<16xf32> to vector<1xf32>
    %squeeze3A_1386 = vector.extract %slice3A_1385[0] : f32 from vector<1xf32>
    %get3A_1387 = arith.constant 2608 : index
    %get3A_1388 = tpu.vector_load %arg5[%get3A_1387] {strides = array<i32>} : memref<4096xf32, #tpu.memory_space<vmem>>, vector<16xf32>,
    %get3A_1389 = vector.shape_cast %get3A_1388 : vector<16xf32> to vector<16xf32>
    %mul3A_1390 = vector.broadcast %squeeze3A_1386 : f32 to vector<16xf32>
    %mul3A_1391 = arith.mulf %mul3A_1390, %get3A_1389 : vector<16xf32>
    %add3A_1392 = arith.addf %add3A_1384, %mul3A_1391 : vector<16xf32>
    %slice3A_1393 = vector.extract_strided_slice %get3A_1360 {offsets = [4], sizes = [1], strides = [1]} : vector<16xf32> to vector<1xf32>
    %squeeze3A_1394 = vector.extract %slice3A_1393[0] : f32 from vector<1xf32>
    %get3A_1395 = arith.constant 2624 : index
    %get3A_1396 = tpu.vector_load %arg5[%get3A_1395] {strides = array<i32>} : memref<4096xf32, #tpu.memory_space<vmem>>, vector<16xf32>,
    %get3A_1397 = vector.shape_cast %get3A_1396 : vector<16xf32> to vector<16xf32>
    %mul3A_1398 = vector.broadcast %squeeze3A_1394 : f32 to vector<16xf32>
    %mul3A_1399 = arith.mulf %mul3A_1398, %get3A_1397 : vector<16xf32>
    %add3A_1400 = arith.addf %add3A_1392, %mul3A_1399 : vector<16xf32>
    %slice3A_1401 = vector.extract_strided_slice %get3A_1360 {offsets = [5], sizes = [1], strides = [1]} : vector<16xf32> to vector<1xf32>
    %squeeze3A_1402 = vector.extract %slice3A_1401[0] : f32 from vector<1xf32>
    %get3A_1403 = arith.constant 2640 : index
    %get3A_1404 = tpu.vector_load %arg5[%get3A_1403] {strides = array<i32>} : memref<4096xf32, #tpu.memory_space<vmem>>, vector<16xf32>,
    %get3A_1405 = vector.shape_cast %get3A_1404 : vector<16xf32> to vector<16xf32>
    %mul3A_1406 = vector.broadcast %squeeze3A_1402 : f32 to vector<16xf32>
    %mul3A_1407 = arith.mulf %mul3A_1406, %get3A_1405 : vector<16xf32>
    %add3A_1408 = arith.addf %add3A_1400, %mul3A_1407 : vector<16xf32>
    %slice3A_1409 = vector.extract_strided_slice %get3A_1360 {offsets = [6], sizes = [1], strides = [1]} : vector<16xf32> to vector<1xf32>
    %squeeze3A_1410 = vector.extract %slice3A_1409[0] : f32 from vector<1xf32>
    %get3A_1411 = arith.constant 2656 : index
    %get3A_1412 = tpu.vector_load %arg5[%get3A_1411] {strides = array<i32>} : memref<4096xf32, #tpu.memory_space<vmem>>, vector<16xf32>,
    %get3A_1413 = vector.shape_cast %get3A_1412 : vector<16xf32> to vector<16xf32>
    %mul3A_1414 = vector.broadcast %squeeze3A_1410 : f32 to vector<16xf32>
    %mul3A_1415 = arith.mulf %mul3A_1414, %get3A_1413 : vector<16xf32>
    %add3A_1416 = arith.addf %add3A_1408, %mul3A_1415 : vector<16xf32>
    %slice3A_1417 = vector.extract_strided_slice %get3A_1360 {offsets = [7], sizes = [1], strides = [1]} : vector<16xf32> to vector<1xf32>
    %squeeze3A_1418 = vector.extract %slice3A_1417[0] : f32 from vector<1xf32>
    %get3A_1419 = arith.constant 2672 : index
    %get3A_1420 = tpu.vector_load %arg5[%get3A_1419] {strides = array<i32>} : memref<4096xf32, #tpu.memory_space<vmem>>, vector<16xf32>,
    %get3A_1421 = vector.shape_cast %get3A_1420 : vector<16xf32> to vector<16xf32>
    %mul3A_1422 = vector.broadcast %squeeze3A_1418 : f32 to vector<16xf32>
    %mul3A_1423 = arith.mulf %mul3A_1422, %get3A_1421 : vector<16xf32>
    %add3A_1424 = arith.addf %add3A_1416, %mul3A_1423 : vector<16xf32>
    %slice3A_1425 = vector.extract_strided_slice %get3A_1360 {offsets = [8], sizes = [1], strides = [1]} : vector<16xf32> to vector<1xf32>
    %squeeze3A_1426 = vector.extract %slice3A_1425[0] : f32 from vector<1xf32>
    %get3A_1427 = arith.constant 2688 : index
    %get3A_1428 = tpu.vector_load %arg5[%get3A_1427] {strides = array<i32>} : memref<4096xf32, #tpu.memory_space<vmem>>, vector<16xf32>,
    %get3A_1429 = vector.shape_cast %get3A_1428 : vector<16xf32> to vector<16xf32>
    %mul3A_1430 = vector.broadcast %squeeze3A_1426 : f32 to vector<16xf32>
    %mul3A_1431 = arith.mulf %mul3A_1430, %get3A_1429 : vector<16xf32>
    %add3A_1432 = arith.addf %add3A_1424, %mul3A_1431 : vector<16xf32>
    %slice3A_1433 = vector.extract_strided_slice %get3A_1360 {offsets = [9], sizes = [1], strides = [1]} : vector<16xf32> to vector<1xf32>
    %squeeze3A_1434 = vector.extract %slice3A_1433[0] : f32 from vector<1xf32>
    %get3A_1435 = arith.constant 2704 : index
    %get3A_1436 = tpu.vector_load %arg5[%get3A_1435] {strides = array<i32>} : memref<4096xf32, #tpu.memory_space<vmem>>, vector<16xf32>,
    %get3A_1437 = vector.shape_cast %get3A_1436 : vector<16xf32> to vector<16xf32>
    %mul3A_1438 = vector.broadcast %squeeze3A_1434 : f32 to vector<16xf32>
    %mul3A_1439 = arith.mulf %mul3A_1438, %get3A_1437 : vector<16xf32>
    %add3A_1440 = arith.addf %add3A_1432, %mul3A_1439 : vector<16xf32>
    %slice3A_1441 = vector.extract_strided_slice %get3A_1360 {offsets = [10], sizes = [1], strides = [1]} : vector<16xf32> to vector<1xf32>
    %squeeze3A_1442 = vector.extract %slice3A_1441[0] : f32 from vector<1xf32>
    %get3A_1443 = arith.constant 2720 : index
    %get3A_1444 = tpu.vector_load %arg5[%get3A_1443] {strides = array<i32>} : memref<4096xf32, #tpu.memory_space<vmem>>, vector<16xf32>,
    %get3A_1445 = vector.shape_cast %get3A_1444 : vector<16xf32> to vector<16xf32>
    %mul3A_1446 = vector.broadcast %squeeze3A_1442 : f32 to vector<16xf32>
    %mul3A_1447 = arith.mulf %mul3A_1446, %get3A_1445 : vector<16xf32>
    %add3A_1448 = arith.addf %add3A_1440, %mul3A_1447 : vector<16xf32>
    %slice3A_1449 = vector.extract_strided_slice %get3A_1360 {offsets = [11], sizes = [1], strides = [1]} : vector<16xf32> to vector<1xf32>
    %squeeze3A_1450 = vector.extract %slice3A_1449[0] : f32 from vector<1xf32>
    %get3A_1451 = arith.constant 2736 : index
    %get3A_1452 = tpu.vector_load %arg5[%get3A_1451] {strides = array<i32>} : memref<4096xf32, #tpu.memory_space<vmem>>, vector<16xf32>,
    %get3A_1453 = vector.shape_cast %get3A_1452 : vector<16xf32> to vector<16xf32>
    %mul3A_1454 = vector.broadcast %squeeze3A_1450 : f32 to vector<16xf32>
    %mul3A_1455 = arith.mulf %mul3A_1454, %get3A_1453 : vector<16xf32>
    %add3A_1456 = arith.addf %add3A_1448, %mul3A_1455 : vector<16xf32>
    %slice3A_1457 = vector.extract_strided_slice %get3A_1360 {offsets = [12], sizes = [1], strides = [1]} : vector<16xf32> to vector<1xf32>
    %squeeze3A_1458 = vector.extract %slice3A_1457[0] : f32 from vector<1xf32>
    %get3A_1459 = arith.constant 2752 : index
    %get3A_1460 = tpu.vector_load %arg5[%get3A_1459] {strides = array<i32>} : memref<4096xf32, #tpu.memory_space<vmem>>, vector<16xf32>,
    %get3A_1461 = vector.shape_cast %get3A_1460 : vector<16xf32> to vector<16xf32>
    %mul3A_1462 = vector.broadcast %squeeze3A_1458 : f32 to vector<16xf32>
    %mul3A_1463 = arith.mulf %mul3A_1462, %get3A_1461 : vector<16xf32>
    %add3A_1464 = arith.addf %add3A_1456, %mul3A_1463 : vector<16xf32>
    %slice3A_1465 = vector.extract_strided_slice %get3A_1360 {offsets = [13], sizes = [1], strides = [1]} : vector<16xf32> to vector<1xf32>
    %squeeze3A_1466 = vector.extract %slice3A_1465[0] : f32 from vector<1xf32>
    %get3A_1467 = arith.constant 2768 : index
    %get3A_1468 = tpu.vector_load %arg5[%get3A_1467] {strides = array<i32>} : memref<4096xf32, #tpu.memory_space<vmem>>, vector<16xf32>,
    %get3A_1469 = vector.shape_cast %get3A_1468 : vector<16xf32> to vector<16xf32>
    %mul3A_1470 = vector.broadcast %squeeze3A_1466 : f32 to vector<16xf32>
    %mul3A_1471 = arith.mulf %mul3A_1470, %get3A_1469 : vector<16xf32>
    %add3A_1472 = arith.addf %add3A_1464, %mul3A_1471 : vector<16xf32>
    %slice3A_1473 = vector.extract_strided_slice %get3A_1360 {offsets = [14], sizes = [1], strides = [1]} : vector<16xf32> to vector<1xf32>
    %squeeze3A_1474 = vector.extract %slice3A_1473[0] : f32 from vector<1xf32>
    %get3A_1475 = arith.constant 2784 : index
    %get3A_1476 = tpu.vector_load %arg5[%get3A_1475] {strides = array<i32>} : memref<4096xf32, #tpu.memory_space<vmem>>, vector<16xf32>,
    %get3A_1477 = vector.shape_cast %get3A_1476 : vector<16xf32> to vector<16xf32>
    %mul3A_1478 = vector.broadcast %squeeze3A_1474 : f32 to vector<16xf32>
    %mul3A_1479 = arith.mulf %mul3A_1478, %get3A_1477 : vector<16xf32>
    %add3A_1480 = arith.addf %add3A_1472, %mul3A_1479 : vector<16xf32>
    %slice3A_1481 = vector.extract_strided_slice %get3A_1360 {offsets = [15], sizes = [1], strides = [1]} : vector<16xf32> to vector<1xf32>
    %squeeze3A_1482 = vector.extract %slice3A_1481[0] : f32 from vector<1xf32>
    %get3A_1483 = arith.constant 2800 : index
    %get3A_1484 = tpu.vector_load %arg5[%get3A_1483] {strides = array<i32>} : memref<4096xf32, #tpu.memory_space<vmem>>, vector<16xf32>,
    %get3A_1485 = vector.shape_cast %get3A_1484 : vector<16xf32> to vector<16xf32>
    %mul3A_1486 = vector.broadcast %squeeze3A_1482 : f32 to vector<16xf32>
    %mul3A_1487 = arith.mulf %mul3A_1486, %get3A_1485 : vector<16xf32>
    %add3A_1488 = arith.addf %add3A_1480, %mul3A_1487 : vector<16xf32>
    %get3A_1489 = arith.index_cast %select_n3A : i32 to index
    %get3A_1490 = arith.constant 176 : index
    %get3A_1491 = tpu.vector_load %arg6[%get3A_1489, %get3A_1490] {strides = array<i32>} : memref<8x256xf32, #tpu.memory_space<vmem>>, vector<1x16xf32>,
    %get3A_1492 = vector.shape_cast %get3A_1491 : vector<1x16xf32> to vector<16xf32>
    %slice3A_1493 = vector.extract_strided_slice %get3A_1492 {offsets = [0], sizes = [1], strides = [1]} : vector<16xf32> to vector<1xf32>
    %squeeze3A_1494 = vector.extract %slice3A_1493[0] : f32 from vector<1xf32>
    %get3A_1495 = arith.constant 2816 : index
    %get3A_1496 = tpu.vector_load %arg5[%get3A_1495] {strides = array<i32>} : memref<4096xf32, #tpu.memory_space<vmem>>, vector<16xf32>,
    %get3A_1497 = vector.shape_cast %get3A_1496 : vector<16xf32> to vector<16xf32>
    %mul3A_1498 = vector.broadcast %squeeze3A_1494 : f32 to vector<16xf32>
    %mul3A_1499 = arith.mulf %mul3A_1498, %get3A_1497 : vector<16xf32>
    %add3A_1500 = arith.addf %add3A_1488, %mul3A_1499 : vector<16xf32>
    %slice3A_1501 = vector.extract_strided_slice %get3A_1492 {offsets = [1], sizes = [1], strides = [1]} : vector<16xf32> to vector<1xf32>
    %squeeze3A_1502 = vector.extract %slice3A_1501[0] : f32 from vector<1xf32>
    %get3A_1503 = arith.constant 2832 : index
    %get3A_1504 = tpu.vector_load %arg5[%get3A_1503] {strides = array<i32>} : memref<4096xf32, #tpu.memory_space<vmem>>, vector<16xf32>,
    %get3A_1505 = vector.shape_cast %get3A_1504 : vector<16xf32> to vector<16xf32>
    %mul3A_1506 = vector.broadcast %squeeze3A_1502 : f32 to vector<16xf32>
    %mul3A_1507 = arith.mulf %mul3A_1506, %get3A_1505 : vector<16xf32>
    %add3A_1508 = arith.addf %add3A_1500, %mul3A_1507 : vector<16xf32>
    %slice3A_1509 = vector.extract_strided_slice %get3A_1492 {offsets = [2], sizes = [1], strides = [1]} : vector<16xf32> to vector<1xf32>
    %squeeze3A_1510 = vector.extract %slice3A_1509[0] : f32 from vector<1xf32>
    %get3A_1511 = arith.constant 2848 : index
    %get3A_1512 = tpu.vector_load %arg5[%get3A_1511] {strides = array<i32>} : memref<4096xf32, #tpu.memory_space<vmem>>, vector<16xf32>,
    %get3A_1513 = vector.shape_cast %get3A_1512 : vector<16xf32> to vector<16xf32>
    %mul3A_1514 = vector.broadcast %squeeze3A_1510 : f32 to vector<16xf32>
    %mul3A_1515 = arith.mulf %mul3A_1514, %get3A_1513 : vector<16xf32>
    %add3A_1516 = arith.addf %add3A_1508, %mul3A_1515 : vector<16xf32>
    %slice3A_1517 = vector.extract_strided_slice %get3A_1492 {offsets = [3], sizes = [1], strides = [1]} : vector<16xf32> to vector<1xf32>
    %squeeze3A_1518 = vector.extract %slice3A_1517[0] : f32 from vector<1xf32>
    %get3A_1519 = arith.constant 2864 : index
    %get3A_1520 = tpu.vector_load %arg5[%get3A_1519] {strides = array<i32>} : memref<4096xf32, #tpu.memory_space<vmem>>, vector<16xf32>,
    %get3A_1521 = vector.shape_cast %get3A_1520 : vector<16xf32> to vector<16xf32>
    %mul3A_1522 = vector.broadcast %squeeze3A_1518 : f32 to vector<16xf32>
    %mul3A_1523 = arith.mulf %mul3A_1522, %get3A_1521 : vector<16xf32>
    %add3A_1524 = arith.addf %add3A_1516, %mul3A_1523 : vector<16xf32>
    %slice3A_1525 = vector.extract_strided_slice %get3A_1492 {offsets = [4], sizes = [1], strides = [1]} : vector<16xf32> to vector<1xf32>
    %squeeze3A_1526 = vector.extract %slice3A_1525[0] : f32 from vector<1xf32>
    %get3A_1527 = arith.constant 2880 : index
    %get3A_1528 = tpu.vector_load %arg5[%get3A_1527] {strides = array<i32>} : memref<4096xf32, #tpu.memory_space<vmem>>, vector<16xf32>,
    %get3A_1529 = vector.shape_cast %get3A_1528 : vector<16xf32> to vector<16xf32>
    %mul3A_1530 = vector.broadcast %squeeze3A_1526 : f32 to vector<16xf32>
    %mul3A_1531 = arith.mulf %mul3A_1530, %get3A_1529 : vector<16xf32>
    %add3A_1532 = arith.addf %add3A_1524, %mul3A_1531 : vector<16xf32>
    %slice3A_1533 = vector.extract_strided_slice %get3A_1492 {offsets = [5], sizes = [1], strides = [1]} : vector<16xf32> to vector<1xf32>
    %squeeze3A_1534 = vector.extract %slice3A_1533[0] : f32 from vector<1xf32>
    %get3A_1535 = arith.constant 2896 : index
    %get3A_1536 = tpu.vector_load %arg5[%get3A_1535] {strides = array<i32>} : memref<4096xf32, #tpu.memory_space<vmem>>, vector<16xf32>,
    %get3A_1537 = vector.shape_cast %get3A_1536 : vector<16xf32> to vector<16xf32>
    %mul3A_1538 = vector.broadcast %squeeze3A_1534 : f32 to vector<16xf32>
    %mul3A_1539 = arith.mulf %mul3A_1538, %get3A_1537 : vector<16xf32>
    %add3A_1540 = arith.addf %add3A_1532, %mul3A_1539 : vector<16xf32>
    %slice3A_1541 = vector.extract_strided_slice %get3A_1492 {offsets = [6], sizes = [1], strides = [1]} : vector<16xf32> to vector<1xf32>
    %squeeze3A_1542 = vector.extract %slice3A_1541[0] : f32 from vector<1xf32>
    %get3A_1543 = arith.constant 2912 : index
    %get3A_1544 = tpu.vector_load %arg5[%get3A_1543] {strides = array<i32>} : memref<4096xf32, #tpu.memory_space<vmem>>, vector<16xf32>,
    %get3A_1545 = vector.shape_cast %get3A_1544 : vector<16xf32> to vector<16xf32>
    %mul3A_1546 = vector.broadcast %squeeze3A_1542 : f32 to vector<16xf32>
    %mul3A_1547 = arith.mulf %mul3A_1546, %get3A_1545 : vector<16xf32>
    %add3A_1548 = arith.addf %add3A_1540, %mul3A_1547 : vector<16xf32>
    %slice3A_1549 = vector.extract_strided_slice %get3A_1492 {offsets = [7], sizes = [1], strides = [1]} : vector<16xf32> to vector<1xf32>
    %squeeze3A_1550 = vector.extract %slice3A_1549[0] : f32 from vector<1xf32>
    %get3A_1551 = arith.constant 2928 : index
    %get3A_1552 = tpu.vector_load %arg5[%get3A_1551] {strides = array<i32>} : memref<4096xf32, #tpu.memory_space<vmem>>, vector<16xf32>,
    %get3A_1553 = vector.shape_cast %get3A_1552 : vector<16xf32> to vector<16xf32>
    %mul3A_1554 = vector.broadcast %squeeze3A_1550 : f32 to vector<16xf32>
    %mul3A_1555 = arith.mulf %mul3A_1554, %get3A_1553 : vector<16xf32>
    %add3A_1556 = arith.addf %add3A_1548, %mul3A_1555 : vector<16xf32>
    %slice3A_1557 = vector.extract_strided_slice %get3A_1492 {offsets = [8], sizes = [1], strides = [1]} : vector<16xf32> to vector<1xf32>
    %squeeze3A_1558 = vector.extract %slice3A_1557[0] : f32 from vector<1xf32>
    %get3A_1559 = arith.constant 2944 : index
    %get3A_1560 = tpu.vector_load %arg5[%get3A_1559] {strides = array<i32>} : memref<4096xf32, #tpu.memory_space<vmem>>, vector<16xf32>,
    %get3A_1561 = vector.shape_cast %get3A_1560 : vector<16xf32> to vector<16xf32>
    %mul3A_1562 = vector.broadcast %squeeze3A_1558 : f32 to vector<16xf32>
    %mul3A_1563 = arith.mulf %mul3A_1562, %get3A_1561 : vector<16xf32>
    %add3A_1564 = arith.addf %add3A_1556, %mul3A_1563 : vector<16xf32>
    %slice3A_1565 = vector.extract_strided_slice %get3A_1492 {offsets = [9], sizes = [1], strides = [1]} : vector<16xf32> to vector<1xf32>
    %squeeze3A_1566 = vector.extract %slice3A_1565[0] : f32 from vector<1xf32>
    %get3A_1567 = arith.constant 2960 : index
    %get3A_1568 = tpu.vector_load %arg5[%get3A_1567] {strides = array<i32>} : memref<4096xf32, #tpu.memory_space<vmem>>, vector<16xf32>,
    %get3A_1569 = vector.shape_cast %get3A_1568 : vector<16xf32> to vector<16xf32>
    %mul3A_1570 = vector.broadcast %squeeze3A_1566 : f32 to vector<16xf32>
    %mul3A_1571 = arith.mulf %mul3A_1570, %get3A_1569 : vector<16xf32>
    %add3A_1572 = arith.addf %add3A_1564, %mul3A_1571 : vector<16xf32>
    %slice3A_1573 = vector.extract_strided_slice %get3A_1492 {offsets = [10], sizes = [1], strides = [1]} : vector<16xf32> to vector<1xf32>
    %squeeze3A_1574 = vector.extract %slice3A_1573[0] : f32 from vector<1xf32>
    %get3A_1575 = arith.constant 2976 : index
    %get3A_1576 = tpu.vector_load %arg5[%get3A_1575] {strides = array<i32>} : memref<4096xf32, #tpu.memory_space<vmem>>, vector<16xf32>,
    %get3A_1577 = vector.shape_cast %get3A_1576 : vector<16xf32> to vector<16xf32>
    %mul3A_1578 = vector.broadcast %squeeze3A_1574 : f32 to vector<16xf32>
    %mul3A_1579 = arith.mulf %mul3A_1578, %get3A_1577 : vector<16xf32>
    %add3A_1580 = arith.addf %add3A_1572, %mul3A_1579 : vector<16xf32>
    %slice3A_1581 = vector.extract_strided_slice %get3A_1492 {offsets = [11], sizes = [1], strides = [1]} : vector<16xf32> to vector<1xf32>
    %squeeze3A_1582 = vector.extract %slice3A_1581[0] : f32 from vector<1xf32>
    %get3A_1583 = arith.constant 2992 : index
    %get3A_1584 = tpu.vector_load %arg5[%get3A_1583] {strides = array<i32>} : memref<4096xf32, #tpu.memory_space<vmem>>, vector<16xf32>,
    %get3A_1585 = vector.shape_cast %get3A_1584 : vector<16xf32> to vector<16xf32>
    %mul3A_1586 = vector.broadcast %squeeze3A_1582 : f32 to vector<16xf32>
    %mul3A_1587 = arith.mulf %mul3A_1586, %get3A_1585 : vector<16xf32>
    %add3A_1588 = arith.addf %add3A_1580, %mul3A_1587 : vector<16xf32>
    %slice3A_1589 = vector.extract_strided_slice %get3A_1492 {offsets = [12], sizes = [1], strides = [1]} : vector<16xf32> to vector<1xf32>
    %squeeze3A_1590 = vector.extract %slice3A_1589[0] : f32 from vector<1xf32>
    %get3A_1591 = arith.constant 3008 : index
    %get3A_1592 = tpu.vector_load %arg5[%get3A_1591] {strides = array<i32>} : memref<4096xf32, #tpu.memory_space<vmem>>, vector<16xf32>,
    %get3A_1593 = vector.shape_cast %get3A_1592 : vector<16xf32> to vector<16xf32>
    %mul3A_1594 = vector.broadcast %squeeze3A_1590 : f32 to vector<16xf32>
    %mul3A_1595 = arith.mulf %mul3A_1594, %get3A_1593 : vector<16xf32>
    %add3A_1596 = arith.addf %add3A_1588, %mul3A_1595 : vector<16xf32>
    %slice3A_1597 = vector.extract_strided_slice %get3A_1492 {offsets = [13], sizes = [1], strides = [1]} : vector<16xf32> to vector<1xf32>
    %squeeze3A_1598 = vector.extract %slice3A_1597[0] : f32 from vector<1xf32>
    %get3A_1599 = arith.constant 3024 : index
    %get3A_1600 = tpu.vector_load %arg5[%get3A_1599] {strides = array<i32>} : memref<4096xf32, #tpu.memory_space<vmem>>, vector<16xf32>,
    %get3A_1601 = vector.shape_cast %get3A_1600 : vector<16xf32> to vector<16xf32>
    %mul3A_1602 = vector.broadcast %squeeze3A_1598 : f32 to vector<16xf32>
    %mul3A_1603 = arith.mulf %mul3A_1602, %get3A_1601 : vector<16xf32>
    %add3A_1604 = arith.addf %add3A_1596, %mul3A_1603 : vector<16xf32>
    %slice3A_1605 = vector.extract_strided_slice %get3A_1492 {offsets = [14], sizes = [1], strides = [1]} : vector<16xf32> to vector<1xf32>
    %squeeze3A_1606 = vector.extract %slice3A_1605[0] : f32 from vector<1xf32>
    %get3A_1607 = arith.constant 3040 : index
    %get3A_1608 = tpu.vector_load %arg5[%get3A_1607] {strides = array<i32>} : memref<4096xf32, #tpu.memory_space<vmem>>, vector<16xf32>,
    %get3A_1609 = vector.shape_cast %get3A_1608 : vector<16xf32> to vector<16xf32>
    %mul3A_1610 = vector.broadcast %squeeze3A_1606 : f32 to vector<16xf32>
    %mul3A_1611 = arith.mulf %mul3A_1610, %get3A_1609 : vector<16xf32>
    %add3A_1612 = arith.addf %add3A_1604, %mul3A_1611 : vector<16xf32>
    %slice3A_1613 = vector.extract_strided_slice %get3A_1492 {offsets = [15], sizes = [1], strides = [1]} : vector<16xf32> to vector<1xf32>
    %squeeze3A_1614 = vector.extract %slice3A_1613[0] : f32 from vector<1xf32>
    %get3A_1615 = arith.constant 3056 : index
    %get3A_1616 = tpu.vector_load %arg5[%get3A_1615] {strides = array<i32>} : memref<4096xf32, #tpu.memory_space<vmem>>, vector<16xf32>,
    %get3A_1617 = vector.shape_cast %get3A_1616 : vector<16xf32> to vector<16xf32>
    %mul3A_1618 = vector.broadcast %squeeze3A_1614 : f32 to vector<16xf32>
    %mul3A_1619 = arith.mulf %mul3A_1618, %get3A_1617 : vector<16xf32>
    %add3A_1620 = arith.addf %add3A_1612, %mul3A_1619 : vector<16xf32>
    %get3A_1621 = arith.index_cast %select_n3A : i32 to index
    %get3A_1622 = arith.constant 192 : index
    %get3A_1623 = tpu.vector_load %arg6[%get3A_1621, %get3A_1622] {strides = array<i32>} : memref<8x256xf32, #tpu.memory_space<vmem>>, vector<1x16xf32>,
    %get3A_1624 = vector.shape_cast %get3A_1623 : vector<1x16xf32> to vector<16xf32>
    %slice3A_1625 = vector.extract_strided_slice %get3A_1624 {offsets = [0], sizes = [1], strides = [1]} : vector<16xf32> to vector<1xf32>
    %squeeze3A_1626 = vector.extract %slice3A_1625[0] : f32 from vector<1xf32>
    %get3A_1627 = arith.constant 3072 : index
    %get3A_1628 = tpu.vector_load %arg5[%get3A_1627] {strides = array<i32>} : memref<4096xf32, #tpu.memory_space<vmem>>, vector<16xf32>,
    %get3A_1629 = vector.shape_cast %get3A_1628 : vector<16xf32> to vector<16xf32>
    %mul3A_1630 = vector.broadcast %squeeze3A_1626 : f32 to vector<16xf32>
    %mul3A_1631 = arith.mulf %mul3A_1630, %get3A_1629 : vector<16xf32>
    %add3A_1632 = arith.addf %add3A_1620, %mul3A_1631 : vector<16xf32>
    %slice3A_1633 = vector.extract_strided_slice %get3A_1624 {offsets = [1], sizes = [1], strides = [1]} : vector<16xf32> to vector<1xf32>
    %squeeze3A_1634 = vector.extract %slice3A_1633[0] : f32 from vector<1xf32>
    %get3A_1635 = arith.constant 3088 : index
    %get3A_1636 = tpu.vector_load %arg5[%get3A_1635] {strides = array<i32>} : memref<4096xf32, #tpu.memory_space<vmem>>, vector<16xf32>,
    %get3A_1637 = vector.shape_cast %get3A_1636 : vector<16xf32> to vector<16xf32>
    %mul3A_1638 = vector.broadcast %squeeze3A_1634 : f32 to vector<16xf32>
    %mul3A_1639 = arith.mulf %mul3A_1638, %get3A_1637 : vector<16xf32>
    %add3A_1640 = arith.addf %add3A_1632, %mul3A_1639 : vector<16xf32>
    %slice3A_1641 = vector.extract_strided_slice %get3A_1624 {offsets = [2], sizes = [1], strides = [1]} : vector<16xf32> to vector<1xf32>
    %squeeze3A_1642 = vector.extract %slice3A_1641[0] : f32 from vector<1xf32>
    %get3A_1643 = arith.constant 3104 : index
    %get3A_1644 = tpu.vector_load %arg5[%get3A_1643] {strides = array<i32>} : memref<4096xf32, #tpu.memory_space<vmem>>, vector<16xf32>,
    %get3A_1645 = vector.shape_cast %get3A_1644 : vector<16xf32> to vector<16xf32>
    %mul3A_1646 = vector.broadcast %squeeze3A_1642 : f32 to vector<16xf32>
    %mul3A_1647 = arith.mulf %mul3A_1646, %get3A_1645 : vector<16xf32>
    %add3A_1648 = arith.addf %add3A_1640, %mul3A_1647 : vector<16xf32>
    %slice3A_1649 = vector.extract_strided_slice %get3A_1624 {offsets = [3], sizes = [1], strides = [1]} : vector<16xf32> to vector<1xf32>
    %squeeze3A_1650 = vector.extract %slice3A_1649[0] : f32 from vector<1xf32>
    %get3A_1651 = arith.constant 3120 : index
    %get3A_1652 = tpu.vector_load %arg5[%get3A_1651] {strides = array<i32>} : memref<4096xf32, #tpu.memory_space<vmem>>, vector<16xf32>,
    %get3A_1653 = vector.shape_cast %get3A_1652 : vector<16xf32> to vector<16xf32>
    %mul3A_1654 = vector.broadcast %squeeze3A_1650 : f32 to vector<16xf32>
    %mul3A_1655 = arith.mulf %mul3A_1654, %get3A_1653 : vector<16xf32>
    %add3A_1656 = arith.addf %add3A_1648, %mul3A_1655 : vector<16xf32>
    %slice3A_1657 = vector.extract_strided_slice %get3A_1624 {offsets = [4], sizes = [1], strides = [1]} : vector<16xf32> to vector<1xf32>
    %squeeze3A_1658 = vector.extract %slice3A_1657[0] : f32 from vector<1xf32>
    %get3A_1659 = arith.constant 3136 : index
    %get3A_1660 = tpu.vector_load %arg5[%get3A_1659] {strides = array<i32>} : memref<4096xf32, #tpu.memory_space<vmem>>, vector<16xf32>,
    %get3A_1661 = vector.shape_cast %get3A_1660 : vector<16xf32> to vector<16xf32>
    %mul3A_1662 = vector.broadcast %squeeze3A_1658 : f32 to vector<16xf32>
    %mul3A_1663 = arith.mulf %mul3A_1662, %get3A_1661 : vector<16xf32>
    %add3A_1664 = arith.addf %add3A_1656, %mul3A_1663 : vector<16xf32>
    %slice3A_1665 = vector.extract_strided_slice %get3A_1624 {offsets = [5], sizes = [1], strides = [1]} : vector<16xf32> to vector<1xf32>
    %squeeze3A_1666 = vector.extract %slice3A_1665[0] : f32 from vector<1xf32>
    %get3A_1667 = arith.constant 3152 : index
    %get3A_1668 = tpu.vector_load %arg5[%get3A_1667] {strides = array<i32>} : memref<4096xf32, #tpu.memory_space<vmem>>, vector<16xf32>,
    %get3A_1669 = vector.shape_cast %get3A_1668 : vector<16xf32> to vector<16xf32>
    %mul3A_1670 = vector.broadcast %squeeze3A_1666 : f32 to vector<16xf32>
    %mul3A_1671 = arith.mulf %mul3A_1670, %get3A_1669 : vector<16xf32>
    %add3A_1672 = arith.addf %add3A_1664, %mul3A_1671 : vector<16xf32>
    %slice3A_1673 = vector.extract_strided_slice %get3A_1624 {offsets = [6], sizes = [1], strides = [1]} : vector<16xf32> to vector<1xf32>
    %squeeze3A_1674 = vector.extract %slice3A_1673[0] : f32 from vector<1xf32>
    %get3A_1675 = arith.constant 3168 : index
    %get3A_1676 = tpu.vector_load %arg5[%get3A_1675] {strides = array<i32>} : memref<4096xf32, #tpu.memory_space<vmem>>, vector<16xf32>,
    %get3A_1677 = vector.shape_cast %get3A_1676 : vector<16xf32> to vector<16xf32>
    %mul3A_1678 = vector.broadcast %squeeze3A_1674 : f32 to vector<16xf32>
    %mul3A_1679 = arith.mulf %mul3A_1678, %get3A_1677 : vector<16xf32>
    %add3A_1680 = arith.addf %add3A_1672, %mul3A_1679 : vector<16xf32>
    %slice3A_1681 = vector.extract_strided_slice %get3A_1624 {offsets = [7], sizes = [1], strides = [1]} : vector<16xf32> to vector<1xf32>
    %squeeze3A_1682 = vector.extract %slice3A_1681[0] : f32 from vector<1xf32>
    %get3A_1683 = arith.constant 3184 : index
    %get3A_1684 = tpu.vector_load %arg5[%get3A_1683] {strides = array<i32>} : memref<4096xf32, #tpu.memory_space<vmem>>, vector<16xf32>,
    %get3A_1685 = vector.shape_cast %get3A_1684 : vector<16xf32> to vector<16xf32>
    %mul3A_1686 = vector.broadcast %squeeze3A_1682 : f32 to vector<16xf32>
    %mul3A_1687 = arith.mulf %mul3A_1686, %get3A_1685 : vector<16xf32>
    %add3A_1688 = arith.addf %add3A_1680, %mul3A_1687 : vector<16xf32>
    %slice3A_1689 = vector.extract_strided_slice %get3A_1624 {offsets = [8], sizes = [1], strides = [1]} : vector<16xf32> to vector<1xf32>
    %squeeze3A_1690 = vector.extract %slice3A_1689[0] : f32 from vector<1xf32>
    %get3A_1691 = arith.constant 3200 : index
    %get3A_1692 = tpu.vector_load %arg5[%get3A_1691] {strides = array<i32>} : memref<4096xf32, #tpu.memory_space<vmem>>, vector<16xf32>,
    %get3A_1693 = vector.shape_cast %get3A_1692 : vector<16xf32> to vector<16xf32>
    %mul3A_1694 = vector.broadcast %squeeze3A_1690 : f32 to vector<16xf32>
    %mul3A_1695 = arith.mulf %mul3A_1694, %get3A_1693 : vector<16xf32>
    %add3A_1696 = arith.addf %add3A_1688, %mul3A_1695 : vector<16xf32>
    %slice3A_1697 = vector.extract_strided_slice %get3A_1624 {offsets = [9], sizes = [1], strides = [1]} : vector<16xf32> to vector<1xf32>
    %squeeze3A_1698 = vector.extract %slice3A_1697[0] : f32 from vector<1xf32>
    %get3A_1699 = arith.constant 3216 : index
    %get3A_1700 = tpu.vector_load %arg5[%get3A_1699] {strides = array<i32>} : memref<4096xf32, #tpu.memory_space<vmem>>, vector<16xf32>,
    %get3A_1701 = vector.shape_cast %get3A_1700 : vector<16xf32> to vector<16xf32>
    %mul3A_1702 = vector.broadcast %squeeze3A_1698 : f32 to vector<16xf32>
    %mul3A_1703 = arith.mulf %mul3A_1702, %get3A_1701 : vector<16xf32>
    %add3A_1704 = arith.addf %add3A_1696, %mul3A_1703 : vector<16xf32>
    %slice3A_1705 = vector.extract_strided_slice %get3A_1624 {offsets = [10], sizes = [1], strides = [1]} : vector<16xf32> to vector<1xf32>
    %squeeze3A_1706 = vector.extract %slice3A_1705[0] : f32 from vector<1xf32>
    %get3A_1707 = arith.constant 3232 : index
    %get3A_1708 = tpu.vector_load %arg5[%get3A_1707] {strides = array<i32>} : memref<4096xf32, #tpu.memory_space<vmem>>, vector<16xf32>,
    %get3A_1709 = vector.shape_cast %get3A_1708 : vector<16xf32> to vector<16xf32>
    %mul3A_1710 = vector.broadcast %squeeze3A_1706 : f32 to vector<16xf32>
    %mul3A_1711 = arith.mulf %mul3A_1710, %get3A_1709 : vector<16xf32>
    %add3A_1712 = arith.addf %add3A_1704, %mul3A_1711 : vector<16xf32>
    %slice3A_1713 = vector.extract_strided_slice %get3A_1624 {offsets = [11], sizes = [1], strides = [1]} : vector<16xf32> to vector<1xf32>
    %squeeze3A_1714 = vector.extract %slice3A_1713[0] : f32 from vector<1xf32>
    %get3A_1715 = arith.constant 3248 : index
    %get3A_1716 = tpu.vector_load %arg5[%get3A_1715] {strides = array<i32>} : memref<4096xf32, #tpu.memory_space<vmem>>, vector<16xf32>,
    %get3A_1717 = vector.shape_cast %get3A_1716 : vector<16xf32> to vector<16xf32>
    %mul3A_1718 = vector.broadcast %squeeze3A_1714 : f32 to vector<16xf32>
    %mul3A_1719 = arith.mulf %mul3A_1718, %get3A_1717 : vector<16xf32>
    %add3A_1720 = arith.addf %add3A_1712, %mul3A_1719 : vector<16xf32>
    %slice3A_1721 = vector.extract_strided_slice %get3A_1624 {offsets = [12], sizes = [1], strides = [1]} : vector<16xf32> to vector<1xf32>
    %squeeze3A_1722 = vector.extract %slice3A_1721[0] : f32 from vector<1xf32>
    %get3A_1723 = arith.constant 3264 : index
    %get3A_1724 = tpu.vector_load %arg5[%get3A_1723] {strides = array<i32>} : memref<4096xf32, #tpu.memory_space<vmem>>, vector<16xf32>,
    %get3A_1725 = vector.shape_cast %get3A_1724 : vector<16xf32> to vector<16xf32>
    %mul3A_1726 = vector.broadcast %squeeze3A_1722 : f32 to vector<16xf32>
    %mul3A_1727 = arith.mulf %mul3A_1726, %get3A_1725 : vector<16xf32>
    %add3A_1728 = arith.addf %add3A_1720, %mul3A_1727 : vector<16xf32>
    %slice3A_1729 = vector.extract_strided_slice %get3A_1624 {offsets = [13], sizes = [1], strides = [1]} : vector<16xf32> to vector<1xf32>
    %squeeze3A_1730 = vector.extract %slice3A_1729[0] : f32 from vector<1xf32>
    %get3A_1731 = arith.constant 3280 : index
    %get3A_1732 = tpu.vector_load %arg5[%get3A_1731] {strides = array<i32>} : memref<4096xf32, #tpu.memory_space<vmem>>, vector<16xf32>,
    %get3A_1733 = vector.shape_cast %get3A_1732 : vector<16xf32> to vector<16xf32>
    %mul3A_1734 = vector.broadcast %squeeze3A_1730 : f32 to vector<16xf32>
    %mul3A_1735 = arith.mulf %mul3A_1734, %get3A_1733 : vector<16xf32>
    %add3A_1736 = arith.addf %add3A_1728, %mul3A_1735 : vector<16xf32>
    %slice3A_1737 = vector.extract_strided_slice %get3A_1624 {offsets = [14], sizes = [1], strides = [1]} : vector<16xf32> to vector<1xf32>
    %squeeze3A_1738 = vector.extract %slice3A_1737[0] : f32 from vector<1xf32>
    %get3A_1739 = arith.constant 3296 : index
    %get3A_1740 = tpu.vector_load %arg5[%get3A_1739] {strides = array<i32>} : memref<4096xf32, #tpu.memory_space<vmem>>, vector<16xf32>,
    %get3A_1741 = vector.shape_cast %get3A_1740 : vector<16xf32> to vector<16xf32>
    %mul3A_1742 = vector.broadcast %squeeze3A_1738 : f32 to vector<16xf32>
    %mul3A_1743 = arith.mulf %mul3A_1742, %get3A_1741 : vector<16xf32>
    %add3A_1744 = arith.addf %add3A_1736, %mul3A_1743 : vector<16xf32>
    %slice3A_1745 = vector.extract_strided_slice %get3A_1624 {offsets = [15], sizes = [1], strides = [1]} : vector<16xf32> to vector<1xf32>
    %squeeze3A_1746 = vector.extract %slice3A_1745[0] : f32 from vector<1xf32>
    %get3A_1747 = arith.constant 3312 : index
    %get3A_1748 = tpu.vector_load %arg5[%get3A_1747] {strides = array<i32>} : memref<4096xf32, #tpu.memory_space<vmem>>, vector<16xf32>,
    %get3A_1749 = vector.shape_cast %get3A_1748 : vector<16xf32> to vector<16xf32>
    %mul3A_1750 = vector.broadcast %squeeze3A_1746 : f32 to vector<16xf32>
    %mul3A_1751 = arith.mulf %mul3A_1750, %get3A_1749 : vector<16xf32>
    %add3A_1752 = arith.addf %add3A_1744, %mul3A_1751 : vector<16xf32>
    %get3A_1753 = arith.index_cast %select_n3A : i32 to index
    %get3A_1754 = arith.constant 208 : index
    %get3A_1755 = tpu.vector_load %arg6[%get3A_1753, %get3A_1754] {strides = array<i32>} : memref<8x256xf32, #tpu.memory_space<vmem>>, vector<1x16xf32>,
    %get3A_1756 = vector.shape_cast %get3A_1755 : vector<1x16xf32> to vector<16xf32>
    %slice3A_1757 = vector.extract_strided_slice %get3A_1756 {offsets = [0], sizes = [1], strides = [1]} : vector<16xf32> to vector<1xf32>
    %squeeze3A_1758 = vector.extract %slice3A_1757[0] : f32 from vector<1xf32>
    %get3A_1759 = arith.constant 3328 : index
    %get3A_1760 = tpu.vector_load %arg5[%get3A_1759] {strides = array<i32>} : memref<4096xf32, #tpu.memory_space<vmem>>, vector<16xf32>,
    %get3A_1761 = vector.shape_cast %get3A_1760 : vector<16xf32> to vector<16xf32>
    %mul3A_1762 = vector.broadcast %squeeze3A_1758 : f32 to vector<16xf32>
    %mul3A_1763 = arith.mulf %mul3A_1762, %get3A_1761 : vector<16xf32>
    %add3A_1764 = arith.addf %add3A_1752, %mul3A_1763 : vector<16xf32>
    %slice3A_1765 = vector.extract_strided_slice %get3A_1756 {offsets = [1], sizes = [1], strides = [1]} : vector<16xf32> to vector<1xf32>
    %squeeze3A_1766 = vector.extract %slice3A_1765[0] : f32 from vector<1xf32>
    %get3A_1767 = arith.constant 3344 : index
    %get3A_1768 = tpu.vector_load %arg5[%get3A_1767] {strides = array<i32>} : memref<4096xf32, #tpu.memory_space<vmem>>, vector<16xf32>,
    %get3A_1769 = vector.shape_cast %get3A_1768 : vector<16xf32> to vector<16xf32>
    %mul3A_1770 = vector.broadcast %squeeze3A_1766 : f32 to vector<16xf32>
    %mul3A_1771 = arith.mulf %mul3A_1770, %get3A_1769 : vector<16xf32>
    %add3A_1772 = arith.addf %add3A_1764, %mul3A_1771 : vector<16xf32>
    %slice3A_1773 = vector.extract_strided_slice %get3A_1756 {offsets = [2], sizes = [1], strides = [1]} : vector<16xf32> to vector<1xf32>
    %squeeze3A_1774 = vector.extract %slice3A_1773[0] : f32 from vector<1xf32>
    %get3A_1775 = arith.constant 3360 : index
    %get3A_1776 = tpu.vector_load %arg5[%get3A_1775] {strides = array<i32>} : memref<4096xf32, #tpu.memory_space<vmem>>, vector<16xf32>,
    %get3A_1777 = vector.shape_cast %get3A_1776 : vector<16xf32> to vector<16xf32>
    %mul3A_1778 = vector.broadcast %squeeze3A_1774 : f32 to vector<16xf32>
    %mul3A_1779 = arith.mulf %mul3A_1778, %get3A_1777 : vector<16xf32>
    %add3A_1780 = arith.addf %add3A_1772, %mul3A_1779 : vector<16xf32>
    %slice3A_1781 = vector.extract_strided_slice %get3A_1756 {offsets = [3], sizes = [1], strides = [1]} : vector<16xf32> to vector<1xf32>
    %squeeze3A_1782 = vector.extract %slice3A_1781[0] : f32 from vector<1xf32>
    %get3A_1783 = arith.constant 3376 : index
    %get3A_1784 = tpu.vector_load %arg5[%get3A_1783] {strides = array<i32>} : memref<4096xf32, #tpu.memory_space<vmem>>, vector<16xf32>,
    %get3A_1785 = vector.shape_cast %get3A_1784 : vector<16xf32> to vector<16xf32>
    %mul3A_1786 = vector.broadcast %squeeze3A_1782 : f32 to vector<16xf32>
    %mul3A_1787 = arith.mulf %mul3A_1786, %get3A_1785 : vector<16xf32>
    %add3A_1788 = arith.addf %add3A_1780, %mul3A_1787 : vector<16xf32>
    %slice3A_1789 = vector.extract_strided_slice %get3A_1756 {offsets = [4], sizes = [1], strides = [1]} : vector<16xf32> to vector<1xf32>
    %squeeze3A_1790 = vector.extract %slice3A_1789[0] : f32 from vector<1xf32>
    %get3A_1791 = arith.constant 3392 : index
    %get3A_1792 = tpu.vector_load %arg5[%get3A_1791] {strides = array<i32>} : memref<4096xf32, #tpu.memory_space<vmem>>, vector<16xf32>,
    %get3A_1793 = vector.shape_cast %get3A_1792 : vector<16xf32> to vector<16xf32>
    %mul3A_1794 = vector.broadcast %squeeze3A_1790 : f32 to vector<16xf32>
    %mul3A_1795 = arith.mulf %mul3A_1794, %get3A_1793 : vector<16xf32>
    %add3A_1796 = arith.addf %add3A_1788, %mul3A_1795 : vector<16xf32>
    %slice3A_1797 = vector.extract_strided_slice %get3A_1756 {offsets = [5], sizes = [1], strides = [1]} : vector<16xf32> to vector<1xf32>
    %squeeze3A_1798 = vector.extract %slice3A_1797[0] : f32 from vector<1xf32>
    %get3A_1799 = arith.constant 3408 : index
    %get3A_1800 = tpu.vector_load %arg5[%get3A_1799] {strides = array<i32>} : memref<4096xf32, #tpu.memory_space<vmem>>, vector<16xf32>,
    %get3A_1801 = vector.shape_cast %get3A_1800 : vector<16xf32> to vector<16xf32>
    %mul3A_1802 = vector.broadcast %squeeze3A_1798 : f32 to vector<16xf32>
    %mul3A_1803 = arith.mulf %mul3A_1802, %get3A_1801 : vector<16xf32>
    %add3A_1804 = arith.addf %add3A_1796, %mul3A_1803 : vector<16xf32>
    %slice3A_1805 = vector.extract_strided_slice %get3A_1756 {offsets = [6], sizes = [1], strides = [1]} : vector<16xf32> to vector<1xf32>
    %squeeze3A_1806 = vector.extract %slice3A_1805[0] : f32 from vector<1xf32>
    %get3A_1807 = arith.constant 3424 : index
    %get3A_1808 = tpu.vector_load %arg5[%get3A_1807] {strides = array<i32>} : memref<4096xf32, #tpu.memory_space<vmem>>, vector<16xf32>,
    %get3A_1809 = vector.shape_cast %get3A_1808 : vector<16xf32> to vector<16xf32>
    %mul3A_1810 = vector.broadcast %squeeze3A_1806 : f32 to vector<16xf32>
    %mul3A_1811 = arith.mulf %mul3A_1810, %get3A_1809 : vector<16xf32>
    %add3A_1812 = arith.addf %add3A_1804, %mul3A_1811 : vector<16xf32>
    %slice3A_1813 = vector.extract_strided_slice %get3A_1756 {offsets = [7], sizes = [1], strides = [1]} : vector<16xf32> to vector<1xf32>
    %squeeze3A_1814 = vector.extract %slice3A_1813[0] : f32 from vector<1xf32>
    %get3A_1815 = arith.constant 3440 : index
    %get3A_1816 = tpu.vector_load %arg5[%get3A_1815] {strides = array<i32>} : memref<4096xf32, #tpu.memory_space<vmem>>, vector<16xf32>,
    %get3A_1817 = vector.shape_cast %get3A_1816 : vector<16xf32> to vector<16xf32>
    %mul3A_1818 = vector.broadcast %squeeze3A_1814 : f32 to vector<16xf32>
    %mul3A_1819 = arith.mulf %mul3A_1818, %get3A_1817 : vector<16xf32>
    %add3A_1820 = arith.addf %add3A_1812, %mul3A_1819 : vector<16xf32>
    %slice3A_1821 = vector.extract_strided_slice %get3A_1756 {offsets = [8], sizes = [1], strides = [1]} : vector<16xf32> to vector<1xf32>
    %squeeze3A_1822 = vector.extract %slice3A_1821[0] : f32 from vector<1xf32>
    %get3A_1823 = arith.constant 3456 : index
    %get3A_1824 = tpu.vector_load %arg5[%get3A_1823] {strides = array<i32>} : memref<4096xf32, #tpu.memory_space<vmem>>, vector<16xf32>,
    %get3A_1825 = vector.shape_cast %get3A_1824 : vector<16xf32> to vector<16xf32>
    %mul3A_1826 = vector.broadcast %squeeze3A_1822 : f32 to vector<16xf32>
    %mul3A_1827 = arith.mulf %mul3A_1826, %get3A_1825 : vector<16xf32>
    %add3A_1828 = arith.addf %add3A_1820, %mul3A_1827 : vector<16xf32>
    %slice3A_1829 = vector.extract_strided_slice %get3A_1756 {offsets = [9], sizes = [1], strides = [1]} : vector<16xf32> to vector<1xf32>
    %squeeze3A_1830 = vector.extract %slice3A_1829[0] : f32 from vector<1xf32>
    %get3A_1831 = arith.constant 3472 : index
    %get3A_1832 = tpu.vector_load %arg5[%get3A_1831] {strides = array<i32>} : memref<4096xf32, #tpu.memory_space<vmem>>, vector<16xf32>,
    %get3A_1833 = vector.shape_cast %get3A_1832 : vector<16xf32> to vector<16xf32>
    %mul3A_1834 = vector.broadcast %squeeze3A_1830 : f32 to vector<16xf32>
    %mul3A_1835 = arith.mulf %mul3A_1834, %get3A_1833 : vector<16xf32>
    %add3A_1836 = arith.addf %add3A_1828, %mul3A_1835 : vector<16xf32>
    %slice3A_1837 = vector.extract_strided_slice %get3A_1756 {offsets = [10], sizes = [1], strides = [1]} : vector<16xf32> to vector<1xf32>
    %squeeze3A_1838 = vector.extract %slice3A_1837[0] : f32 from vector<1xf32>
    %get3A_1839 = arith.constant 3488 : index
    %get3A_1840 = tpu.vector_load %arg5[%get3A_1839] {strides = array<i32>} : memref<4096xf32, #tpu.memory_space<vmem>>, vector<16xf32>,
    %get3A_1841 = vector.shape_cast %get3A_1840 : vector<16xf32> to vector<16xf32>
    %mul3A_1842 = vector.broadcast %squeeze3A_1838 : f32 to vector<16xf32>
    %mul3A_1843 = arith.mulf %mul3A_1842, %get3A_1841 : vector<16xf32>
    %add3A_1844 = arith.addf %add3A_1836, %mul3A_1843 : vector<16xf32>
    %slice3A_1845 = vector.extract_strided_slice %get3A_1756 {offsets = [11], sizes = [1], strides = [1]} : vector<16xf32> to vector<1xf32>
    %squeeze3A_1846 = vector.extract %slice3A_1845[0] : f32 from vector<1xf32>
    %get3A_1847 = arith.constant 3504 : index
    %get3A_1848 = tpu.vector_load %arg5[%get3A_1847] {strides = array<i32>} : memref<4096xf32, #tpu.memory_space<vmem>>, vector<16xf32>,
    %get3A_1849 = vector.shape_cast %get3A_1848 : vector<16xf32> to vector<16xf32>
    %mul3A_1850 = vector.broadcast %squeeze3A_1846 : f32 to vector<16xf32>
    %mul3A_1851 = arith.mulf %mul3A_1850, %get3A_1849 : vector<16xf32>
    %add3A_1852 = arith.addf %add3A_1844, %mul3A_1851 : vector<16xf32>
    %slice3A_1853 = vector.extract_strided_slice %get3A_1756 {offsets = [12], sizes = [1], strides = [1]} : vector<16xf32> to vector<1xf32>
    %squeeze3A_1854 = vector.extract %slice3A_1853[0] : f32 from vector<1xf32>
    %get3A_1855 = arith.constant 3520 : index
    %get3A_1856 = tpu.vector_load %arg5[%get3A_1855] {strides = array<i32>} : memref<4096xf32, #tpu.memory_space<vmem>>, vector<16xf32>,
    %get3A_1857 = vector.shape_cast %get3A_1856 : vector<16xf32> to vector<16xf32>
    %mul3A_1858 = vector.broadcast %squeeze3A_1854 : f32 to vector<16xf32>
    %mul3A_1859 = arith.mulf %mul3A_1858, %get3A_1857 : vector<16xf32>
    %add3A_1860 = arith.addf %add3A_1852, %mul3A_1859 : vector<16xf32>
    %slice3A_1861 = vector.extract_strided_slice %get3A_1756 {offsets = [13], sizes = [1], strides = [1]} : vector<16xf32> to vector<1xf32>
    %squeeze3A_1862 = vector.extract %slice3A_1861[0] : f32 from vector<1xf32>
    %get3A_1863 = arith.constant 3536 : index
    %get3A_1864 = tpu.vector_load %arg5[%get3A_1863] {strides = array<i32>} : memref<4096xf32, #tpu.memory_space<vmem>>, vector<16xf32>,
    %get3A_1865 = vector.shape_cast %get3A_1864 : vector<16xf32> to vector<16xf32>
    %mul3A_1866 = vector.broadcast %squeeze3A_1862 : f32 to vector<16xf32>
    %mul3A_1867 = arith.mulf %mul3A_1866, %get3A_1865 : vector<16xf32>
    %add3A_1868 = arith.addf %add3A_1860, %mul3A_1867 : vector<16xf32>
    %slice3A_1869 = vector.extract_strided_slice %get3A_1756 {offsets = [14], sizes = [1], strides = [1]} : vector<16xf32> to vector<1xf32>
    %squeeze3A_1870 = vector.extract %slice3A_1869[0] : f32 from vector<1xf32>
    %get3A_1871 = arith.constant 3552 : index
    %get3A_1872 = tpu.vector_load %arg5[%get3A_1871] {strides = array<i32>} : memref<4096xf32, #tpu.memory_space<vmem>>, vector<16xf32>,
    %get3A_1873 = vector.shape_cast %get3A_1872 : vector<16xf32> to vector<16xf32>
    %mul3A_1874 = vector.broadcast %squeeze3A_1870 : f32 to vector<16xf32>
    %mul3A_1875 = arith.mulf %mul3A_1874, %get3A_1873 : vector<16xf32>
    %add3A_1876 = arith.addf %add3A_1868, %mul3A_1875 : vector<16xf32>
    %slice3A_1877 = vector.extract_strided_slice %get3A_1756 {offsets = [15], sizes = [1], strides = [1]} : vector<16xf32> to vector<1xf32>
    %squeeze3A_1878 = vector.extract %slice3A_1877[0] : f32 from vector<1xf32>
    %get3A_1879 = arith.constant 3568 : index
    %get3A_1880 = tpu.vector_load %arg5[%get3A_1879] {strides = array<i32>} : memref<4096xf32, #tpu.memory_space<vmem>>, vector<16xf32>,
    %get3A_1881 = vector.shape_cast %get3A_1880 : vector<16xf32> to vector<16xf32>
    %mul3A_1882 = vector.broadcast %squeeze3A_1878 : f32 to vector<16xf32>
    %mul3A_1883 = arith.mulf %mul3A_1882, %get3A_1881 : vector<16xf32>
    %add3A_1884 = arith.addf %add3A_1876, %mul3A_1883 : vector<16xf32>
    %get3A_1885 = arith.index_cast %select_n3A : i32 to index
    %get3A_1886 = arith.constant 224 : index
    %get3A_1887 = tpu.vector_load %arg6[%get3A_1885, %get3A_1886] {strides = array<i32>} : memref<8x256xf32, #tpu.memory_space<vmem>>, vector<1x16xf32>,
    %get3A_1888 = vector.shape_cast %get3A_1887 : vector<1x16xf32> to vector<16xf32>
    %slice3A_1889 = vector.extract_strided_slice %get3A_1888 {offsets = [0], sizes = [1], strides = [1]} : vector<16xf32> to vector<1xf32>
    %squeeze3A_1890 = vector.extract %slice3A_1889[0] : f32 from vector<1xf32>
    %get3A_1891 = arith.constant 3584 : index
    %get3A_1892 = tpu.vector_load %arg5[%get3A_1891] {strides = array<i32>} : memref<4096xf32, #tpu.memory_space<vmem>>, vector<16xf32>,
    %get3A_1893 = vector.shape_cast %get3A_1892 : vector<16xf32> to vector<16xf32>
    %mul3A_1894 = vector.broadcast %squeeze3A_1890 : f32 to vector<16xf32>
    %mul3A_1895 = arith.mulf %mul3A_1894, %get3A_1893 : vector<16xf32>
    %add3A_1896 = arith.addf %add3A_1884, %mul3A_1895 : vector<16xf32>
    %slice3A_1897 = vector.extract_strided_slice %get3A_1888 {offsets = [1], sizes = [1], strides = [1]} : vector<16xf32> to vector<1xf32>
    %squeeze3A_1898 = vector.extract %slice3A_1897[0] : f32 from vector<1xf32>
    %get3A_1899 = arith.constant 3600 : index
    %get3A_1900 = tpu.vector_load %arg5[%get3A_1899] {strides = array<i32>} : memref<4096xf32, #tpu.memory_space<vmem>>, vector<16xf32>,
    %get3A_1901 = vector.shape_cast %get3A_1900 : vector<16xf32> to vector<16xf32>
    %mul3A_1902 = vector.broadcast %squeeze3A_1898 : f32 to vector<16xf32>
    %mul3A_1903 = arith.mulf %mul3A_1902, %get3A_1901 : vector<16xf32>
    %add3A_1904 = arith.addf %add3A_1896, %mul3A_1903 : vector<16xf32>
    %slice3A_1905 = vector.extract_strided_slice %get3A_1888 {offsets = [2], sizes = [1], strides = [1]} : vector<16xf32> to vector<1xf32>
    %squeeze3A_1906 = vector.extract %slice3A_1905[0] : f32 from vector<1xf32>
    %get3A_1907 = arith.constant 3616 : index
    %get3A_1908 = tpu.vector_load %arg5[%get3A_1907] {strides = array<i32>} : memref<4096xf32, #tpu.memory_space<vmem>>, vector<16xf32>,
    %get3A_1909 = vector.shape_cast %get3A_1908 : vector<16xf32> to vector<16xf32>
    %mul3A_1910 = vector.broadcast %squeeze3A_1906 : f32 to vector<16xf32>
    %mul3A_1911 = arith.mulf %mul3A_1910, %get3A_1909 : vector<16xf32>
    %add3A_1912 = arith.addf %add3A_1904, %mul3A_1911 : vector<16xf32>
    %slice3A_1913 = vector.extract_strided_slice %get3A_1888 {offsets = [3], sizes = [1], strides = [1]} : vector<16xf32> to vector<1xf32>
    %squeeze3A_1914 = vector.extract %slice3A_1913[0] : f32 from vector<1xf32>
    %get3A_1915 = arith.constant 3632 : index
    %get3A_1916 = tpu.vector_load %arg5[%get3A_1915] {strides = array<i32>} : memref<4096xf32, #tpu.memory_space<vmem>>, vector<16xf32>,
    %get3A_1917 = vector.shape_cast %get3A_1916 : vector<16xf32> to vector<16xf32>
    %mul3A_1918 = vector.broadcast %squeeze3A_1914 : f32 to vector<16xf32>
    %mul3A_1919 = arith.mulf %mul3A_1918, %get3A_1917 : vector<16xf32>
    %add3A_1920 = arith.addf %add3A_1912, %mul3A_1919 : vector<16xf32>
    %slice3A_1921 = vector.extract_strided_slice %get3A_1888 {offsets = [4], sizes = [1], strides = [1]} : vector<16xf32> to vector<1xf32>
    %squeeze3A_1922 = vector.extract %slice3A_1921[0] : f32 from vector<1xf32>
    %get3A_1923 = arith.constant 3648 : index
    %get3A_1924 = tpu.vector_load %arg5[%get3A_1923] {strides = array<i32>} : memref<4096xf32, #tpu.memory_space<vmem>>, vector<16xf32>,
    %get3A_1925 = vector.shape_cast %get3A_1924 : vector<16xf32> to vector<16xf32>
    %mul3A_1926 = vector.broadcast %squeeze3A_1922 : f32 to vector<16xf32>
    %mul3A_1927 = arith.mulf %mul3A_1926, %get3A_1925 : vector<16xf32>
    %add3A_1928 = arith.addf %add3A_1920, %mul3A_1927 : vector<16xf32>
    %slice3A_1929 = vector.extract_strided_slice %get3A_1888 {offsets = [5], sizes = [1], strides = [1]} : vector<16xf32> to vector<1xf32>
    %squeeze3A_1930 = vector.extract %slice3A_1929[0] : f32 from vector<1xf32>
    %get3A_1931 = arith.constant 3664 : index
    %get3A_1932 = tpu.vector_load %arg5[%get3A_1931] {strides = array<i32>} : memref<4096xf32, #tpu.memory_space<vmem>>, vector<16xf32>,
    %get3A_1933 = vector.shape_cast %get3A_1932 : vector<16xf32> to vector<16xf32>
    %mul3A_1934 = vector.broadcast %squeeze3A_1930 : f32 to vector<16xf32>
    %mul3A_1935 = arith.mulf %mul3A_1934, %get3A_1933 : vector<16xf32>
    %add3A_1936 = arith.addf %add3A_1928, %mul3A_1935 : vector<16xf32>
    %slice3A_1937 = vector.extract_strided_slice %get3A_1888 {offsets = [6], sizes = [1], strides = [1]} : vector<16xf32> to vector<1xf32>
    %squeeze3A_1938 = vector.extract %slice3A_1937[0] : f32 from vector<1xf32>
    %get3A_1939 = arith.constant 3680 : index
    %get3A_1940 = tpu.vector_load %arg5[%get3A_1939] {strides = array<i32>} : memref<4096xf32, #tpu.memory_space<vmem>>, vector<16xf32>,
    %get3A_1941 = vector.shape_cast %get3A_1940 : vector<16xf32> to vector<16xf32>
    %mul3A_1942 = vector.broadcast %squeeze3A_1938 : f32 to vector<16xf32>
    %mul3A_1943 = arith.mulf %mul3A_1942, %get3A_1941 : vector<16xf32>
    %add3A_1944 = arith.addf %add3A_1936, %mul3A_1943 : vector<16xf32>
    %slice3A_1945 = vector.extract_strided_slice %get3A_1888 {offsets = [7], sizes = [1], strides = [1]} : vector<16xf32> to vector<1xf32>
    %squeeze3A_1946 = vector.extract %slice3A_1945[0] : f32 from vector<1xf32>
    %get3A_1947 = arith.constant 3696 : index
    %get3A_1948 = tpu.vector_load %arg5[%get3A_1947] {strides = array<i32>} : memref<4096xf32, #tpu.memory_space<vmem>>, vector<16xf32>,
    %get3A_1949 = vector.shape_cast %get3A_1948 : vector<16xf32> to vector<16xf32>
    %mul3A_1950 = vector.broadcast %squeeze3A_1946 : f32 to vector<16xf32>
    %mul3A_1951 = arith.mulf %mul3A_1950, %get3A_1949 : vector<16xf32>
    %add3A_1952 = arith.addf %add3A_1944, %mul3A_1951 : vector<16xf32>
    %slice3A_1953 = vector.extract_strided_slice %get3A_1888 {offsets = [8], sizes = [1], strides = [1]} : vector<16xf32> to vector<1xf32>
    %squeeze3A_1954 = vector.extract %slice3A_1953[0] : f32 from vector<1xf32>
    %get3A_1955 = arith.constant 3712 : index
    %get3A_1956 = tpu.vector_load %arg5[%get3A_1955] {strides = array<i32>} : memref<4096xf32, #tpu.memory_space<vmem>>, vector<16xf32>,
    %get3A_1957 = vector.shape_cast %get3A_1956 : vector<16xf32> to vector<16xf32>
    %mul3A_1958 = vector.broadcast %squeeze3A_1954 : f32 to vector<16xf32>
    %mul3A_1959 = arith.mulf %mul3A_1958, %get3A_1957 : vector<16xf32>
    %add3A_1960 = arith.addf %add3A_1952, %mul3A_1959 : vector<16xf32>
    %slice3A_1961 = vector.extract_strided_slice %get3A_1888 {offsets = [9], sizes = [1], strides = [1]} : vector<16xf32> to vector<1xf32>
    %squeeze3A_1962 = vector.extract %slice3A_1961[0] : f32 from vector<1xf32>
    %get3A_1963 = arith.constant 3728 : index
    %get3A_1964 = tpu.vector_load %arg5[%get3A_1963] {strides = array<i32>} : memref<4096xf32, #tpu.memory_space<vmem>>, vector<16xf32>,
    %get3A_1965 = vector.shape_cast %get3A_1964 : vector<16xf32> to vector<16xf32>
    %mul3A_1966 = vector.broadcast %squeeze3A_1962 : f32 to vector<16xf32>
    %mul3A_1967 = arith.mulf %mul3A_1966, %get3A_1965 : vector<16xf32>
    %add3A_1968 = arith.addf %add3A_1960, %mul3A_1967 : vector<16xf32>
    %slice3A_1969 = vector.extract_strided_slice %get3A_1888 {offsets = [10], sizes = [1], strides = [1]} : vector<16xf32> to vector<1xf32>
    %squeeze3A_1970 = vector.extract %slice3A_1969[0] : f32 from vector<1xf32>
    %get3A_1971 = arith.constant 3744 : index
    %get3A_1972 = tpu.vector_load %arg5[%get3A_1971] {strides = array<i32>} : memref<4096xf32, #tpu.memory_space<vmem>>, vector<16xf32>,
    %get3A_1973 = vector.shape_cast %get3A_1972 : vector<16xf32> to vector<16xf32>
    %mul3A_1974 = vector.broadcast %squeeze3A_1970 : f32 to vector<16xf32>
    %mul3A_1975 = arith.mulf %mul3A_1974, %get3A_1973 : vector<16xf32>
    %add3A_1976 = arith.addf %add3A_1968, %mul3A_1975 : vector<16xf32>
    %slice3A_1977 = vector.extract_strided_slice %get3A_1888 {offsets = [11], sizes = [1], strides = [1]} : vector<16xf32> to vector<1xf32>
    %squeeze3A_1978 = vector.extract %slice3A_1977[0] : f32 from vector<1xf32>
    %get3A_1979 = arith.constant 3760 : index
    %get3A_1980 = tpu.vector_load %arg5[%get3A_1979] {strides = array<i32>} : memref<4096xf32, #tpu.memory_space<vmem>>, vector<16xf32>,
    %get3A_1981 = vector.shape_cast %get3A_1980 : vector<16xf32> to vector<16xf32>
    %mul3A_1982 = vector.broadcast %squeeze3A_1978 : f32 to vector<16xf32>
    %mul3A_1983 = arith.mulf %mul3A_1982, %get3A_1981 : vector<16xf32>
    %add3A_1984 = arith.addf %add3A_1976, %mul3A_1983 : vector<16xf32>
    %slice3A_1985 = vector.extract_strided_slice %get3A_1888 {offsets = [12], sizes = [1], strides = [1]} : vector<16xf32> to vector<1xf32>
    %squeeze3A_1986 = vector.extract %slice3A_1985[0] : f32 from vector<1xf32>
    %get3A_1987 = arith.constant 3776 : index
    %get3A_1988 = tpu.vector_load %arg5[%get3A_1987] {strides = array<i32>} : memref<4096xf32, #tpu.memory_space<vmem>>, vector<16xf32>,
    %get3A_1989 = vector.shape_cast %get3A_1988 : vector<16xf32> to vector<16xf32>
    %mul3A_1990 = vector.broadcast %squeeze3A_1986 : f32 to vector<16xf32>
    %mul3A_1991 = arith.mulf %mul3A_1990, %get3A_1989 : vector<16xf32>
    %add3A_1992 = arith.addf %add3A_1984, %mul3A_1991 : vector<16xf32>
    %slice3A_1993 = vector.extract_strided_slice %get3A_1888 {offsets = [13], sizes = [1], strides = [1]} : vector<16xf32> to vector<1xf32>
    %squeeze3A_1994 = vector.extract %slice3A_1993[0] : f32 from vector<1xf32>
    %get3A_1995 = arith.constant 3792 : index
    %get3A_1996 = tpu.vector_load %arg5[%get3A_1995] {strides = array<i32>} : memref<4096xf32, #tpu.memory_space<vmem>>, vector<16xf32>,
    %get3A_1997 = vector.shape_cast %get3A_1996 : vector<16xf32> to vector<16xf32>
    %mul3A_1998 = vector.broadcast %squeeze3A_1994 : f32 to vector<16xf32>
    %mul3A_1999 = arith.mulf %mul3A_1998, %get3A_1997 : vector<16xf32>
    %add3A_2000 = arith.addf %add3A_1992, %mul3A_1999 : vector<16xf32>
    %slice3A_2001 = vector.extract_strided_slice %get3A_1888 {offsets = [14], sizes = [1], strides = [1]} : vector<16xf32> to vector<1xf32>
    %squeeze3A_2002 = vector.extract %slice3A_2001[0] : f32 from vector<1xf32>
    %get3A_2003 = arith.constant 3808 : index
    %get3A_2004 = tpu.vector_load %arg5[%get3A_2003] {strides = array<i32>} : memref<4096xf32, #tpu.memory_space<vmem>>, vector<16xf32>,
    %get3A_2005 = vector.shape_cast %get3A_2004 : vector<16xf32> to vector<16xf32>
    %mul3A_2006 = vector.broadcast %squeeze3A_2002 : f32 to vector<16xf32>
    %mul3A_2007 = arith.mulf %mul3A_2006, %get3A_2005 : vector<16xf32>
    %add3A_2008 = arith.addf %add3A_2000, %mul3A_2007 : vector<16xf32>
    %slice3A_2009 = vector.extract_strided_slice %get3A_1888 {offsets = [15], sizes = [1], strides = [1]} : vector<16xf32> to vector<1xf32>
    %squeeze3A_2010 = vector.extract %slice3A_2009[0] : f32 from vector<1xf32>
    %get3A_2011 = arith.constant 3824 : index
    %get3A_2012 = tpu.vector_load %arg5[%get3A_2011] {strides = array<i32>} : memref<4096xf32, #tpu.memory_space<vmem>>, vector<16xf32>,
    %get3A_2013 = vector.shape_cast %get3A_2012 : vector<16xf32> to vector<16xf32>
    %mul3A_2014 = vector.broadcast %squeeze3A_2010 : f32 to vector<16xf32>
    %mul3A_2015 = arith.mulf %mul3A_2014, %get3A_2013 : vector<16xf32>
    %add3A_2016 = arith.addf %add3A_2008, %mul3A_2015 : vector<16xf32>
    %get3A_2017 = arith.index_cast %select_n3A : i32 to index
    %get3A_2018 = arith.constant 240 : index
    %get3A_2019 = tpu.vector_load %arg6[%get3A_2017, %get3A_2018] {strides = array<i32>} : memref<8x256xf32, #tpu.memory_space<vmem>>, vector<1x16xf32>,
    %get3A_2020 = vector.shape_cast %get3A_2019 : vector<1x16xf32> to vector<16xf32>
    %slice3A_2021 = vector.extract_strided_slice %get3A_2020 {offsets = [0], sizes = [1], strides = [1]} : vector<16xf32> to vector<1xf32>
    %squeeze3A_2022 = vector.extract %slice3A_2021[0] : f32 from vector<1xf32>
    %get3A_2023 = arith.constant 3840 : index
    %get3A_2024 = tpu.vector_load %arg5[%get3A_2023] {strides = array<i32>} : memref<4096xf32, #tpu.memory_space<vmem>>, vector<16xf32>,
    %get3A_2025 = vector.shape_cast %get3A_2024 : vector<16xf32> to vector<16xf32>
    %mul3A_2026 = vector.broadcast %squeeze3A_2022 : f32 to vector<16xf32>
    %mul3A_2027 = arith.mulf %mul3A_2026, %get3A_2025 : vector<16xf32>
    %add3A_2028 = arith.addf %add3A_2016, %mul3A_2027 : vector<16xf32>
    %slice3A_2029 = vector.extract_strided_slice %get3A_2020 {offsets = [1], sizes = [1], strides = [1]} : vector<16xf32> to vector<1xf32>
    %squeeze3A_2030 = vector.extract %slice3A_2029[0] : f32 from vector<1xf32>
    %get3A_2031 = arith.constant 3856 : index
    %get3A_2032 = tpu.vector_load %arg5[%get3A_2031] {strides = array<i32>} : memref<4096xf32, #tpu.memory_space<vmem>>, vector<16xf32>,
    %get3A_2033 = vector.shape_cast %get3A_2032 : vector<16xf32> to vector<16xf32>
    %mul3A_2034 = vector.broadcast %squeeze3A_2030 : f32 to vector<16xf32>
    %mul3A_2035 = arith.mulf %mul3A_2034, %get3A_2033 : vector<16xf32>
    %add3A_2036 = arith.addf %add3A_2028, %mul3A_2035 : vector<16xf32>
    %slice3A_2037 = vector.extract_strided_slice %get3A_2020 {offsets = [2], sizes = [1], strides = [1]} : vector<16xf32> to vector<1xf32>
    %squeeze3A_2038 = vector.extract %slice3A_2037[0] : f32 from vector<1xf32>
    %get3A_2039 = arith.constant 3872 : index
    %get3A_2040 = tpu.vector_load %arg5[%get3A_2039] {strides = array<i32>} : memref<4096xf32, #tpu.memory_space<vmem>>, vector<16xf32>,
    %get3A_2041 = vector.shape_cast %get3A_2040 : vector<16xf32> to vector<16xf32>
    %mul3A_2042 = vector.broadcast %squeeze3A_2038 : f32 to vector<16xf32>
    %mul3A_2043 = arith.mulf %mul3A_2042, %get3A_2041 : vector<16xf32>
    %add3A_2044 = arith.addf %add3A_2036, %mul3A_2043 : vector<16xf32>
    %slice3A_2045 = vector.extract_strided_slice %get3A_2020 {offsets = [3], sizes = [1], strides = [1]} : vector<16xf32> to vector<1xf32>
    %squeeze3A_2046 = vector.extract %slice3A_2045[0] : f32 from vector<1xf32>
    %get3A_2047 = arith.constant 3888 : index
    %get3A_2048 = tpu.vector_load %arg5[%get3A_2047] {strides = array<i32>} : memref<4096xf32, #tpu.memory_space<vmem>>, vector<16xf32>,
    %get3A_2049 = vector.shape_cast %get3A_2048 : vector<16xf32> to vector<16xf32>
    %mul3A_2050 = vector.broadcast %squeeze3A_2046 : f32 to vector<16xf32>
    %mul3A_2051 = arith.mulf %mul3A_2050, %get3A_2049 : vector<16xf32>
    %add3A_2052 = arith.addf %add3A_2044, %mul3A_2051 : vector<16xf32>
    %slice3A_2053 = vector.extract_strided_slice %get3A_2020 {offsets = [4], sizes = [1], strides = [1]} : vector<16xf32> to vector<1xf32>
    %squeeze3A_2054 = vector.extract %slice3A_2053[0] : f32 from vector<1xf32>
    %get3A_2055 = arith.constant 3904 : index
    %get3A_2056 = tpu.vector_load %arg5[%get3A_2055] {strides = array<i32>} : memref<4096xf32, #tpu.memory_space<vmem>>, vector<16xf32>,
    %get3A_2057 = vector.shape_cast %get3A_2056 : vector<16xf32> to vector<16xf32>
    %mul3A_2058 = vector.broadcast %squeeze3A_2054 : f32 to vector<16xf32>
    %mul3A_2059 = arith.mulf %mul3A_2058, %get3A_2057 : vector<16xf32>
    %add3A_2060 = arith.addf %add3A_2052, %mul3A_2059 : vector<16xf32>
    %slice3A_2061 = vector.extract_strided_slice %get3A_2020 {offsets = [5], sizes = [1], strides = [1]} : vector<16xf32> to vector<1xf32>
    %squeeze3A_2062 = vector.extract %slice3A_2061[0] : f32 from vector<1xf32>
    %get3A_2063 = arith.constant 3920 : index
    %get3A_2064 = tpu.vector_load %arg5[%get3A_2063] {strides = array<i32>} : memref<4096xf32, #tpu.memory_space<vmem>>, vector<16xf32>,
    %get3A_2065 = vector.shape_cast %get3A_2064 : vector<16xf32> to vector<16xf32>
    %mul3A_2066 = vector.broadcast %squeeze3A_2062 : f32 to vector<16xf32>
    %mul3A_2067 = arith.mulf %mul3A_2066, %get3A_2065 : vector<16xf32>
    %add3A_2068 = arith.addf %add3A_2060, %mul3A_2067 : vector<16xf32>
    %slice3A_2069 = vector.extract_strided_slice %get3A_2020 {offsets = [6], sizes = [1], strides = [1]} : vector<16xf32> to vector<1xf32>
    %squeeze3A_2070 = vector.extract %slice3A_2069[0] : f32 from vector<1xf32>
    %get3A_2071 = arith.constant 3936 : index
    %get3A_2072 = tpu.vector_load %arg5[%get3A_2071] {strides = array<i32>} : memref<4096xf32, #tpu.memory_space<vmem>>, vector<16xf32>,
    %get3A_2073 = vector.shape_cast %get3A_2072 : vector<16xf32> to vector<16xf32>
    %mul3A_2074 = vector.broadcast %squeeze3A_2070 : f32 to vector<16xf32>
    %mul3A_2075 = arith.mulf %mul3A_2074, %get3A_2073 : vector<16xf32>
    %add3A_2076 = arith.addf %add3A_2068, %mul3A_2075 : vector<16xf32>
    %slice3A_2077 = vector.extract_strided_slice %get3A_2020 {offsets = [7], sizes = [1], strides = [1]} : vector<16xf32> to vector<1xf32>
    %squeeze3A_2078 = vector.extract %slice3A_2077[0] : f32 from vector<1xf32>
    %get3A_2079 = arith.constant 3952 : index
    %get3A_2080 = tpu.vector_load %arg5[%get3A_2079] {strides = array<i32>} : memref<4096xf32, #tpu.memory_space<vmem>>, vector<16xf32>,
    %get3A_2081 = vector.shape_cast %get3A_2080 : vector<16xf32> to vector<16xf32>
    %mul3A_2082 = vector.broadcast %squeeze3A_2078 : f32 to vector<16xf32>
    %mul3A_2083 = arith.mulf %mul3A_2082, %get3A_2081 : vector<16xf32>
    %add3A_2084 = arith.addf %add3A_2076, %mul3A_2083 : vector<16xf32>
    %slice3A_2085 = vector.extract_strided_slice %get3A_2020 {offsets = [8], sizes = [1], strides = [1]} : vector<16xf32> to vector<1xf32>
    %squeeze3A_2086 = vector.extract %slice3A_2085[0] : f32 from vector<1xf32>
    %get3A_2087 = arith.constant 3968 : index
    %get3A_2088 = tpu.vector_load %arg5[%get3A_2087] {strides = array<i32>} : memref<4096xf32, #tpu.memory_space<vmem>>, vector<16xf32>,
    %get3A_2089 = vector.shape_cast %get3A_2088 : vector<16xf32> to vector<16xf32>
    %mul3A_2090 = vector.broadcast %squeeze3A_2086 : f32 to vector<16xf32>
    %mul3A_2091 = arith.mulf %mul3A_2090, %get3A_2089 : vector<16xf32>
    %add3A_2092 = arith.addf %add3A_2084, %mul3A_2091 : vector<16xf32>
    %slice3A_2093 = vector.extract_strided_slice %get3A_2020 {offsets = [9], sizes = [1], strides = [1]} : vector<16xf32> to vector<1xf32>
    %squeeze3A_2094 = vector.extract %slice3A_2093[0] : f32 from vector<1xf32>
    %get3A_2095 = arith.constant 3984 : index
    %get3A_2096 = tpu.vector_load %arg5[%get3A_2095] {strides = array<i32>} : memref<4096xf32, #tpu.memory_space<vmem>>, vector<16xf32>,
    %get3A_2097 = vector.shape_cast %get3A_2096 : vector<16xf32> to vector<16xf32>
    %mul3A_2098 = vector.broadcast %squeeze3A_2094 : f32 to vector<16xf32>
    %mul3A_2099 = arith.mulf %mul3A_2098, %get3A_2097 : vector<16xf32>
    %add3A_2100 = arith.addf %add3A_2092, %mul3A_2099 : vector<16xf32>
    %slice3A_2101 = vector.extract_strided_slice %get3A_2020 {offsets = [10], sizes = [1], strides = [1]} : vector<16xf32> to vector<1xf32>
    %squeeze3A_2102 = vector.extract %slice3A_2101[0] : f32 from vector<1xf32>
    %get3A_2103 = arith.constant 4000 : index
    %get3A_2104 = tpu.vector_load %arg5[%get3A_2103] {strides = array<i32>} : memref<4096xf32, #tpu.memory_space<vmem>>, vector<16xf32>,
    %get3A_2105 = vector.shape_cast %get3A_2104 : vector<16xf32> to vector<16xf32>
    %mul3A_2106 = vector.broadcast %squeeze3A_2102 : f32 to vector<16xf32>
    %mul3A_2107 = arith.mulf %mul3A_2106, %get3A_2105 : vector<16xf32>
    %add3A_2108 = arith.addf %add3A_2100, %mul3A_2107 : vector<16xf32>
    %slice3A_2109 = vector.extract_strided_slice %get3A_2020 {offsets = [11], sizes = [1], strides = [1]} : vector<16xf32> to vector<1xf32>
    %squeeze3A_2110 = vector.extract %slice3A_2109[0] : f32 from vector<1xf32>
    %get3A_2111 = arith.constant 4016 : index
    %get3A_2112 = tpu.vector_load %arg5[%get3A_2111] {strides = array<i32>} : memref<4096xf32, #tpu.memory_space<vmem>>, vector<16xf32>,
    %get3A_2113 = vector.shape_cast %get3A_2112 : vector<16xf32> to vector<16xf32>
    %mul3A_2114 = vector.broadcast %squeeze3A_2110 : f32 to vector<16xf32>
    %mul3A_2115 = arith.mulf %mul3A_2114, %get3A_2113 : vector<16xf32>
    %add3A_2116 = arith.addf %add3A_2108, %mul3A_2115 : vector<16xf32>
    %slice3A_2117 = vector.extract_strided_slice %get3A_2020 {offsets = [12], sizes = [1], strides = [1]} : vector<16xf32> to vector<1xf32>
    %squeeze3A_2118 = vector.extract %slice3A_2117[0] : f32 from vector<1xf32>
    %get3A_2119 = arith.constant 4032 : index
    %get3A_2120 = tpu.vector_load %arg5[%get3A_2119] {strides = array<i32>} : memref<4096xf32, #tpu.memory_space<vmem>>, vector<16xf32>,
    %get3A_2121 = vector.shape_cast %get3A_2120 : vector<16xf32> to vector<16xf32>
    %mul3A_2122 = vector.broadcast %squeeze3A_2118 : f32 to vector<16xf32>
    %mul3A_2123 = arith.mulf %mul3A_2122, %get3A_2121 : vector<16xf32>
    %add3A_2124 = arith.addf %add3A_2116, %mul3A_2123 : vector<16xf32>
    %slice3A_2125 = vector.extract_strided_slice %get3A_2020 {offsets = [13], sizes = [1], strides = [1]} : vector<16xf32> to vector<1xf32>
    %squeeze3A_2126 = vector.extract %slice3A_2125[0] : f32 from vector<1xf32>
    %get3A_2127 = arith.constant 4048 : index
    %get3A_2128 = tpu.vector_load %arg5[%get3A_2127] {strides = array<i32>} : memref<4096xf32, #tpu.memory_space<vmem>>, vector<16xf32>,
    %get3A_2129 = vector.shape_cast %get3A_2128 : vector<16xf32> to vector<16xf32>
    %mul3A_2130 = vector.broadcast %squeeze3A_2126 : f32 to vector<16xf32>
    %mul3A_2131 = arith.mulf %mul3A_2130, %get3A_2129 : vector<16xf32>
    %add3A_2132 = arith.addf %add3A_2124, %mul3A_2131 : vector<16xf32>
    %slice3A_2133 = vector.extract_strided_slice %get3A_2020 {offsets = [14], sizes = [1], strides = [1]} : vector<16xf32> to vector<1xf32>
    %squeeze3A_2134 = vector.extract %slice3A_2133[0] : f32 from vector<1xf32>
    %get3A_2135 = arith.constant 4064 : index
    %get3A_2136 = tpu.vector_load %arg5[%get3A_2135] {strides = array<i32>} : memref<4096xf32, #tpu.memory_space<vmem>>, vector<16xf32>,
    %get3A_2137 = vector.shape_cast %get3A_2136 : vector<16xf32> to vector<16xf32>
    %mul3A_2138 = vector.broadcast %squeeze3A_2134 : f32 to vector<16xf32>
    %mul3A_2139 = arith.mulf %mul3A_2138, %get3A_2137 : vector<16xf32>
    %add3A_2140 = arith.addf %add3A_2132, %mul3A_2139 : vector<16xf32>
    %slice3A_2141 = vector.extract_strided_slice %get3A_2020 {offsets = [15], sizes = [1], strides = [1]} : vector<16xf32> to vector<1xf32>
    %squeeze3A_2142 = vector.extract %slice3A_2141[0] : f32 from vector<1xf32>
    %get3A_2143 = arith.constant 4080 : index
    %get3A_2144 = tpu.vector_load %arg5[%get3A_2143] {strides = array<i32>} : memref<4096xf32, #tpu.memory_space<vmem>>, vector<16xf32>,
    %get3A_2145 = vector.shape_cast %get3A_2144 : vector<16xf32> to vector<16xf32>
    %mul3A_2146 = vector.broadcast %squeeze3A_2142 : f32 to vector<16xf32>
    %mul3A_2147 = arith.mulf %mul3A_2146, %get3A_2145 : vector<16xf32>
    %add3A_2148 = arith.addf %add3A_2140, %mul3A_2147 : vector<16xf32>
    %swap3A = arith.constant 0 : index
    %swap3A_2149 = tpu.vector_load %arg7[%swap3A] {strides = array<i32>} : memref<16xf32, #tpu.memory_space<vmem>>, vector<16xf32>,
    %swap3A_2150 = vector.shape_cast %swap3A_2149 : vector<16xf32> to vector<16xf32>
    %swap3A_2151 = vector.shape_cast %add3A_2148 : vector<16xf32> to vector<16xf32>
    tpu.vector_store %arg7[%swap3A], %swap3A_2151 {strides = array<i32>} : memref<16xf32, #tpu.memory_space<vmem>>, vector<16xf32>,
    "tpu.region"() ({
      %run_scoped3A = tpu.sem_alloc : memref<!tpu.dma_semaphore, #tpu.memory_space<semaphore_mem>>
      %dma_start3A = arith.constant 0 : i32
      %dma_start3A_2152 = tpu.memref_slice %arg4[%arg0, %arg1, %dma_start3A] : memref<2x16x16xf32, #tpu.memory_space<hbm>> -> memref<1x1x16xf32, #tpu.memory_space<hbm>>
      %dma_start3A_2153 = tpu.memref_squeeze %dma_start3A_2152 : memref<1x1x16xf32, #tpu.memory_space<hbm>> -> memref<16xf32, #tpu.memory_space<hbm>>
      %dma_start3A_2154 = arith.constant 0 : i32
      %dma_start3A_2155 = tpu.memref_slice %arg4[%arg0, %arg1, %dma_start3A_2154] : memref<2x16x16xf32, #tpu.memory_space<hbm>> -> memref<1x1x16xf32, #tpu.memory_space<hbm>>
      %dma_start3A_2156 = tpu.memref_squeeze %dma_start3A_2155 : memref<1x1x16xf32, #tpu.memory_space<hbm>> -> memref<16xf32, #tpu.memory_space<hbm>>
      tpu.enqueue_dma source(%arg7 : memref<16xf32, #tpu.memory_space<vmem>>) target(%dma_start3A_2156 : memref<16xf32, #tpu.memory_space<hbm>>) target_semaphore(%run_scoped3A : memref<!tpu.dma_semaphore, #tpu.memory_space<semaphore_mem>>)
      %dma_wait3A = arith.constant 0 : i32
      %dma_wait3A_2157 = tpu.memref_slice %arg4[%arg0, %arg1, %dma_wait3A] : memref<2x16x16xf32, #tpu.memory_space<hbm>> -> memref<1x1x16xf32, #tpu.memory_space<hbm>>
      %dma_wait3A_2158 = tpu.memref_squeeze %dma_wait3A_2157 : memref<1x1x16xf32, #tpu.memory_space<hbm>> -> memref<16xf32, #tpu.memory_space<hbm>>
      %dma_wait3A_2159 = arith.constant 0 : i32
      %dma_wait3A_2160 = tpu.memref_slice %arg4[%arg0, %arg1, %dma_wait3A_2159] : memref<2x16x16xf32, #tpu.memory_space<hbm>> -> memref<1x1x16xf32, #tpu.memory_space<hbm>>
      %dma_wait3A_2161 = tpu.memref_squeeze %dma_wait3A_2160 : memref<1x1x16xf32, #tpu.memory_space<hbm>> -> memref<16xf32, #tpu.memory_space<hbm>>
      tpu.wait_dma2 semaphore(%run_scoped3A : memref<!tpu.dma_semaphore, #tpu.memory_space<semaphore_mem>>) src(%arg7 : memref<16xf32, #tpu.memory_space<vmem>>) dst(%dma_wait3A_2161 : memref<16xf32, #tpu.memory_space<hbm>>)
      tpu.yield
    }) : () -> ()
    return
  }
}

module attributes {stable_mosaic.version = 14 : i64} {
  func.func @_ffn_kernel(%arg0: i32, %arg1: memref<32x512xf32, #tpu.memory_space<vmem>>, %arg2: memref<2x16x16xf32, #tpu.memory_space<vmem>>, %arg3: memref<1x512x2048xf32, #tpu.memory_space<vmem>>, %arg4: memref<1x1024x512xf32, #tpu.memory_space<vmem>>, %arg5: memref<32x512xf32, #tpu.memory_space<vmem>>) attributes {dimension_semantics = [#tpu.dimension_semantics<arbitrary>], iteration_bounds = array<i64: 8>, scalar_prefetch = 0 : i64, scratch_operands = 0 : i64, tpu.core_type = #tpu.core_type<tc>, window_params = [{pipeline_mode = #tpu.pipeline_mode<synchronous>, transform_indices = @transform_0, window_bounds = array<i64: 32, 512>}, {pipeline_mode = #tpu.pipeline_mode<synchronous>, transform_indices = @transform_1, window_bounds = array<i64: 2, 16, 16>}, {transform_indices = @transform_2, window_bounds = array<i64: 1, 512, 2048>}, {transform_indices = @transform_3, window_bounds = array<i64: 1, 1024, 512>}, {pipeline_mode = #tpu.pipeline_mode<synchronous>, transform_indices = @transform_4, window_bounds = array<i64: 32, 512>}]} {
    %get3A = arith.constant 0 : index
    %get3A_0 = arith.constant 0 : index
    %get3A_1 = arith.constant 0 : index
    %get3A_2 = vector.load %arg2[%get3A, %get3A_0, %get3A_1] : memref<2x16x16xf32, #tpu.memory_space<vmem>>, vector<2x16x16xf32>
    %slice3A = vector.extract_strided_slice %get3A_2 {offsets = [0, 0, 0], sizes = [1, 16, 16], strides = [1, 1, 1]} : vector<2x16x16xf32> to vector<1x16x16xf32>
    %squeeze3A = vector.shape_cast %slice3A : vector<1x16x16xf32> to vector<16x16xf32>
    %slice3A_3 = vector.extract_strided_slice %get3A_2 {offsets = [1, 0, 0], sizes = [1, 16, 16], strides = [1, 1, 1]} : vector<2x16x16xf32> to vector<1x16x16xf32>
    %squeeze3A_4 = vector.shape_cast %slice3A_3 : vector<1x16x16xf32> to vector<16x16xf32>
    %concatenate3A = tpu.concatenate %squeeze3A, %squeeze3A_4 in 1 : vector<16x16xf32>, vector<16x16xf32> -> vector<16x32xf32>
    %reshape3A = vector.shape_cast %concatenate3A : vector<16x32xf32> to vector<8x2x32xf32>
    %reduce_sum3A = arith.constant dense<0.000000e+00> : vector<8x32xf32>
    %reduce_sum3A_5 = vector.multi_reduction <add>, %reshape3A, %reduce_sum3A [1] : vector<8x2x32xf32> to vector<8x32xf32>
    %transpose3A = tpu.transpose %reduce_sum3A_5, [1, 0] : vector<8x32xf32> -> vector<32x8xf32>
    %reduce_max3A = arith.constant dense<0xFF800000> : vector<32xf32>
    %reduce_max3A_6 = vector.multi_reduction <maximumf>, %transpose3A, %reduce_max3A [1] : vector<32x8xf32> to vector<32xf32>
    %max3A = arith.constant 0xFF800000 : f32
    %max3A_7 = vector.broadcast %max3A : f32 to vector<32xf32>
    %max3A_8 = arith.maximumf %max3A_7, %reduce_max3A_6 : vector<32xf32>
    %broadcast_in_dim3A = vector.shape_cast %max3A_8 : vector<32xf32> to vector<32x1xf32>
    %sub3A = vector.broadcast %broadcast_in_dim3A : vector<32x1xf32> to vector<32x8xf32>
    %sub3A_9 = arith.subf %transpose3A, %sub3A : vector<32x8xf32>
    %exp3A = math.exp %sub3A_9 : vector<32x8xf32>
    %reduce_sum3A_10 = arith.constant dense<0.000000e+00> : vector<32xf32>
    %reduce_sum3A_11 = vector.multi_reduction <add>, %exp3A, %reduce_sum3A_10 [1] : vector<32x8xf32> to vector<32xf32>
    %broadcast_in_dim3A_12 = vector.shape_cast %reduce_sum3A_11 : vector<32xf32> to vector<32x1xf32>
    %div3A = vector.broadcast %broadcast_in_dim3A_12 : vector<32x1xf32> to vector<32x8xf32>
    %div3A_13 = arith.divf %exp3A, %div3A : vector<32x8xf32>
    %argmax3A = tpu.reduce_index %div3A_13 {axis = 1 : i32, kind = #tpu.reduction_kind<arg_max>} : vector<32x8xf32> -> vector<32xi32>
    %reduce_max3A_14 = arith.constant dense<0xFF800000> : vector<32xf32>
    %reduce_max3A_15 = vector.multi_reduction <maximumf>, %div3A_13, %reduce_max3A_14 [1] : vector<32x8xf32> to vector<32xf32>
    %iota3A = tpu.iota {dimensions = array<i32: 1>} : vector<32x8xi32>
    %broadcast_in_dim3A_16 = vector.shape_cast %argmax3A : vector<32xi32> to vector<32x1xi32>
    %eq3A = vector.broadcast %broadcast_in_dim3A_16 : vector<32x1xi32> to vector<32x8xi32>
    %eq3A_17 = arith.cmpi eq, %iota3A, %eq3A : vector<32x8xi32>
    %jit3A = arith.constant 0xFF800000 : f32
    %broadcast_in_dim3A_18 = vector.broadcast %jit3A : f32 to vector<32x8xf32>
    %select_n3A = arith.select %eq3A_17, %broadcast_in_dim3A_18, %div3A_13 : vector<32x8xi1>, vector<32x8xf32>
    %argmax3A_19 = tpu.reduce_index %select_n3A {axis = 1 : i32, kind = #tpu.reduction_kind<arg_max>} : vector<32x8xf32> -> vector<32xi32>
    %reduce_max3A_20 = arith.constant dense<0xFF800000> : vector<32xf32>
    %reduce_max3A_21 = vector.multi_reduction <maximumf>, %select_n3A, %reduce_max3A_20 [1] : vector<32x8xf32> to vector<32xf32>
    %add3A = arith.addf %reduce_max3A_15, %reduce_max3A_21 : vector<32xf32>
    %add3A_22 = arith.constant 9.99999997E-7 : f32
    %add3A_23 = vector.broadcast %add3A_22 : f32 to vector<32xf32>
    %add3A_24 = arith.addf %add3A, %add3A_23 : vector<32xf32>
    %eq3A_25 = vector.broadcast %arg0 : i32 to vector<32xi32>
    %eq3A_26 = arith.cmpi eq, %argmax3A, %eq3A_25 : vector<32xi32>
    %jit3A_27 = arith.constant 0.000000e+00 : f32
    %broadcast_in_dim3A_28 = vector.broadcast %jit3A_27 : f32 to vector<32xf32>
    %select_n3A_29 = arith.select %eq3A_26, %reduce_max3A_15, %broadcast_in_dim3A_28 : vector<32xi1>, vector<32xf32>
    %eq3A_30 = vector.broadcast %arg0 : i32 to vector<32xi32>
    %eq3A_31 = arith.cmpi eq, %argmax3A_19, %eq3A_30 : vector<32xi32>
    %jit3A_32 = arith.constant 0.000000e+00 : f32
    %broadcast_in_dim3A_33 = vector.broadcast %jit3A_32 : f32 to vector<32xf32>
    %select_n3A_34 = arith.select %eq3A_31, %reduce_max3A_21, %broadcast_in_dim3A_33 : vector<32xi1>, vector<32xf32>
    %add3A_35 = arith.addf %select_n3A_29, %select_n3A_34 : vector<32xf32>
    %div3A_36 = arith.divf %add3A_35, %add3A_24 : vector<32xf32>
    %get3A_37 = arith.constant 0 : index
    %get3A_38 = arith.constant 0 : index
    %get3A_39 = vector.load %arg1[%get3A_37, %get3A_38] : memref<32x512xf32, #tpu.memory_space<vmem>>, vector<32x512xf32>
    %convert_element_type3A = arith.truncf %get3A_39 : vector<32x512xf32> to vector<32x512xbf16>
    %get3A_40 = arith.constant 0 : index
    %get3A_41 = arith.constant 0 : index
    %get3A_42 = arith.constant 0 : index
    %get3A_43 = vector.load %arg3[%get3A_40, %get3A_41, %get3A_42] : memref<1x512x2048xf32, #tpu.memory_space<vmem>>, vector<1x512x2048xf32>
    %get3A_44 = vector.shape_cast %get3A_43 : vector<1x512x2048xf32> to vector<512x2048xf32>
    %convert_element_type3A_45 = arith.truncf %get3A_44 : vector<512x2048xf32> to vector<512x2048xbf16>
    %dot_general3A = arith.constant dense<0.000000e+00> : vector<32x2048xf32>
    %dot_general3A_46 = tpu.matmul %convert_element_type3A, %convert_element_type3A_45, %dot_general3A {dimension_numbers = #tpu.dot_dimension_numbers<[1], [0], [0], [1], [0, 0, 1, 1], [], []>, transpose_lhs_hint = false} : vector<32x512xbf16>, vector<512x2048xbf16>, vector<32x2048xf32> -> vector<32x2048xf32>
    %slice3A_47 = vector.extract_strided_slice %dot_general3A_46 {offsets = [0, 0], sizes = [32, 1024], strides = [1, 1]} : vector<32x2048xf32> to vector<32x1024xf32>
    %slice3A_48 = vector.extract_strided_slice %dot_general3A_46 {offsets = [0, 1024], sizes = [32, 1024], strides = [1, 1]} : vector<32x2048xf32> to vector<32x1024xf32>
    %logistic3A = arith.negf %slice3A_47 : vector<32x1024xf32>
    %logistic3A_49 = math.exp %logistic3A : vector<32x1024xf32>
    %logistic3A_50 = arith.constant 1.000000e+00 : f32
    %logistic3A_51 = vector.broadcast %logistic3A_50 : f32 to vector<32x1024xf32>
    %logistic3A_52 = arith.addf %logistic3A_51, %logistic3A_49 : vector<32x1024xf32>
    %logistic3A_53 = arith.divf %logistic3A_51, %logistic3A_52 : vector<32x1024xf32>
    %mul3A = arith.mulf %slice3A_47, %logistic3A_53 : vector<32x1024xf32>
    %mul3A_54 = arith.mulf %mul3A, %slice3A_48 : vector<32x1024xf32>
    %convert_element_type3A_55 = arith.truncf %mul3A_54 : vector<32x1024xf32> to vector<32x1024xbf16>
    %get3A_56 = arith.constant 0 : index
    %get3A_57 = arith.constant 0 : index
    %get3A_58 = arith.constant 0 : index
    %get3A_59 = vector.load %arg4[%get3A_56, %get3A_57, %get3A_58] : memref<1x1024x512xf32, #tpu.memory_space<vmem>>, vector<1x1024x512xf32>
    %get3A_60 = vector.shape_cast %get3A_59 : vector<1x1024x512xf32> to vector<1024x512xf32>
    %convert_element_type3A_61 = arith.truncf %get3A_60 : vector<1024x512xf32> to vector<1024x512xbf16>
    %dot_general3A_62 = arith.constant dense<0.000000e+00> : vector<32x512xf32>
    %dot_general3A_63 = tpu.matmul %convert_element_type3A_55, %convert_element_type3A_61, %dot_general3A_62 {dimension_numbers = #tpu.dot_dimension_numbers<[1], [0], [0], [1], [0, 0, 1, 1], [], []>, transpose_lhs_hint = false} : vector<32x1024xbf16>, vector<1024x512xbf16>, vector<32x512xf32> -> vector<32x512xf32>
    %broadcast_in_dim3A_64 = vector.shape_cast %div3A_36 : vector<32xf32> to vector<32x1xf32>
    %mul3A_65 = vector.broadcast %broadcast_in_dim3A_64 : vector<32x1xf32> to vector<32x512xf32>
    %mul3A_66 = arith.mulf %dot_general3A_63, %mul3A_65 : vector<32x512xf32>
    %eq3A_67 = arith.constant 0 : i32
    %eq3A_68 = arith.cmpi eq, %arg0, %eq3A_67 : i32
    %convert_element_type3A_69 = arith.extui %eq3A_68 : i1 to i32
    %cond3A = arith.constant 0 : i32
    %cond3A_70 = arith.cmpi ne, %convert_element_type3A_69, %cond3A : i32
    scf.if %cond3A_70 {
      %swap3A = arith.constant 0 : index
      %swap3A_75 = arith.constant 0 : index
      %swap3A_76 = vector.load %arg5[%swap3A, %swap3A_75] : memref<32x512xf32, #tpu.memory_space<vmem>>, vector<32x512xf32>
      tpu.vector_store %arg5[%swap3A, %swap3A_75], %mul3A_66 {strides = array<i32>} : memref<32x512xf32, #tpu.memory_space<vmem>>, vector<32x512xf32>,
    } else {
    }
    %ne3A = arith.constant 0 : i32
    %ne3A_71 = arith.cmpi ne, %arg0, %ne3A : i32
    %convert_element_type3A_72 = arith.extui %ne3A_71 : i1 to i32
    %cond3A_73 = arith.constant 0 : i32
    %cond3A_74 = arith.cmpi ne, %convert_element_type3A_72, %cond3A_73 : i32
    scf.if %cond3A_74 {
      %get3A_75 = arith.constant 0 : index
      %get3A_76 = arith.constant 0 : index
      %get3A_77 = vector.load %arg5[%get3A_75, %get3A_76] : memref<32x512xf32, #tpu.memory_space<vmem>>, vector<32x512xf32>
      %add3A_78 = arith.addf %get3A_77, %mul3A_66 : vector<32x512xf32>
      %swap3A = arith.constant 0 : index
      %swap3A_79 = arith.constant 0 : index
      %swap3A_80 = vector.load %arg5[%swap3A, %swap3A_79] : memref<32x512xf32, #tpu.memory_space<vmem>>, vector<32x512xf32>
      tpu.vector_store %arg5[%swap3A, %swap3A_79], %add3A_78 {strides = array<i32>} : memref<32x512xf32, #tpu.memory_space<vmem>>, vector<32x512xf32>,
    } else {
    }
    return
  }
  func.func @transform_0(%arg0: i32) -> (i32, i32) {
    %c0_i32 = arith.constant 0 : i32
    %c0_i32_0 = arith.constant 0 : i32
    %c0_i32_1 = arith.constant 0 : i32
    return %c0_i32, %c0_i32_0 : i32, i32
  }
  func.func @transform_1(%arg0: i32) -> (i32, i32, i32) {
    %c0_i32 = arith.constant 0 : i32
    %c0_i32_0 = arith.constant 0 : i32
    %c0_i32_1 = arith.constant 0 : i32
    %c0_i32_2 = arith.constant 0 : i32
    return %c0_i32, %c0_i32_0, %c0_i32_1 : i32, i32, i32
  }
  func.func @transform_2(%arg0: i32) -> (i32, i32, i32) {
    %c0_i32 = arith.constant 0 : i32
    %c0_i32_0 = arith.constant 0 : i32
    %c0_i32_1 = arith.constant 0 : i32
    return %arg0, %c0_i32, %c0_i32_0 : i32, i32, i32
  }
  func.func @transform_3(%arg0: i32) -> (i32, i32, i32) {
    %c0_i32 = arith.constant 0 : i32
    %c0_i32_0 = arith.constant 0 : i32
    %c0_i32_1 = arith.constant 0 : i32
    return %arg0, %c0_i32, %c0_i32_0 : i32, i32, i32
  }
  func.func @transform_4(%arg0: i32) -> (i32, i32) {
    %c0_i32 = arith.constant 0 : i32
    %c0_i32_0 = arith.constant 0 : i32
    %c0_i32_1 = arith.constant 0 : i32
    return %c0_i32, %c0_i32_0 : i32, i32
  }
}

</mosaic_0001>

<sc_bundles>
// kernel: kernel.4.cloned.1.call-start
scs
__scs_entry_jumppad:
0x0: {  	(pc) =	sbr.rel $0x88, $3  }
0x1: {  	(tag) =	ssettag $0x0;
	lr =	simm.s32 $0x1  }
0x2: {  	[smem:$0x3F9D] =	sst lr;
	_ =	strace $0xD0000000  }
0x3: {  	_ = 	snop  }
0x4: {  	_ = 	snop  }
0x5: {  	_ = 	snop  }
0x6: {  	_ = 	snop  }
0x7: {  	_ = 	snop  }
__scs_overlays_trampoline_lowered:
0x8: {  	[smem:$0x3FAC] =	sst s0  }
0x9: {  	[smem:$0x3FAD] =	sst s1  }
0xa: {  	[smem:$0x3FAE] =	sst s2  }
0xb: {  	[smem:$0x3FAF] =	sst s3  }
0xc: {  	[smem:$0x3FB0] =	sst s4  }
0xd: {  	[smem:$0x3FB1] =	sst s5  }
0xe: {  	[smem:$0x3FB2] =	sst s6  }
0xf: {  	[smem:$0x3FB3] =	sst s7  }
0x10: {  	[smem:$0x3FB4] =	sst s8  }
0x11: {  	[smem:$0x3FB5] =	sst s9;
	s0 =	simm.s32 @!p0 $0x0  }
0x12: {  	s1 =	sld [smem:$0x3F9B];
	s0 =	simm.s32 @p0 $0x1  }
0x13: {  	[smem:$0x3FB6] =	sst s0;
	s0 =	simm.s32 @!p1 $0x0  }
0x14: {  	s2 =	sld [smem:$0x3F9A];
	s0 =	simm.s32 @p1 $0x1  }
0x15: {  	[smem:$0x3FB7] =	sst s0;
	s0 =	simm.s32 @!p2 $0x0  }
0x16: {  	s3 =	sld [smem:$0x3FDB];
	s0 =	simm.s32 @p2 $0x1  }
0x17: {  	s4 =	simm.s32 $0x1BF5;
	[smem:$0x3FB9] =	sst s0  }
0x18: {  	s0 =	sld [smem:$0x3F9C];
	_ =	swait.ge [sflag:s4], $0x0  }
0x19: {  	s7 =	sld [smem:$0x3F9D]  }
0x1a: {  	s8 =	sadd.s32 $0xFFFFE003, lr  }
0x1b: {  	s9 =	sadd.s32 $0xFFFFFEF7, lr;
	s5 =	simm.s32 $0xFFFFFFFF;
	p2 =	slt.u32 s8, $0xFFFFF086  }
0x1c: {  	p1 =	slt.u32 s9, $0xF7A;
	s5 =	simm.s32 @!p2 $0x0  }
0x1d: {  	s5 =	simm.s32 @p1 $0x1;
	p0 =	seq.s32 s7, s2  }
0x1e: {  	s7 =	smul.u32 @!p0 $0xF7A, s2;
	p2 =	seq.s32 @!p0 s5, $0x0  }
0x1f: {  	s9 =	smul.u32 $0xF7A, s1;
	s8 =	simm.s32 @!p0 $0x1BF5;
	p2 =	por !p2, p0  }
0x20: {  	[sflag:s8] =	ssyncset.s32 @!p0 $0xFFFFF086;
	s6 =	sadd.s32 @!p0 s3, s7;
	s7 =	simm.s32 @!p0 $0x108  }
0x21: {  	s3 =	sadd.s32 s3, s9;
	s6 =	sadd.s32 @!p0 $0x88, s6;
	s7 =	simm.s32 @p2 $0x1082  }
0x22: {  	[simem:s7], [sflag:s8] =	dma.local @!p0 [hbm:s6], $0xF7A  }
0x23: {  	s9 =	sor.u32 $0xD0000000, s2;
	s6 =	simm.s32 $0x108;
	_ =	swait.ge @!p0 [sflag:s8], $0x0  }
0x24: {  	s3 =	sadd.s32 $0x88, s3;
	s6 =	simm.s32 @!p1 $0x1082;
	[sflag:s4] =	ssyncset.s32 $0xFFFFF086  }
0x25: {  	[simem:s6], [sflag:s4] =	dma.local [hbm:s3], $0xF7A  }
0x26: {  	[smem:$0x3F9D] =	sst s1;
	(tag) =	ssettag s2;
	_ =	strace s9  }
0x27: {  	s1 =	sld [smem:$0x3FAD]  }
0x28: {  	s2 =	sld [smem:$0x3FAE]  }
0x29: {  	s4 =	sld [smem:$0x3FB0]  }
0x2a: {  	p0 =	seq.s32 s5, $0x0;
	s5 =	sld [smem:$0x3FB1]  }
0x2b: {  	s6 =	sld [smem:$0x3FB2]  }
0x2c: {  	s7 =	sld [smem:$0x3FB3]  }
0x2d: {  	s3 =	simm.s32 $0x108;
	s8 =	sld [smem:$0x3FB4]  }
0x2e: {  	s3 =	simm.s32 @!p0 $0x1082;
	s9 =	sld [smem:$0x3FB5]  }
0x2f: {  	lr =	sadd.s32 s0, s3;
	s0 =	sld [smem:$0x3FAC]  }
0x30: {  	s3 =	sld [smem:$0x3FAF]  }
0x31: {  	[smem:$0x3FB8] =	sst s10  }
0x32: {  	s10 =	sld [smem:$0x3FB6];
	_ =	sdelay $0x3  }
0x33: {  	p0 =	seq.s32 s10, $0x1;
	s10 =	sld [smem:$0x3FB8];
	_ =	sdelay $0x3  }
0x34: {  	[smem:$0x3FB8] =	sst s10  }
0x35: {  	s10 =	sld [smem:$0x3FB7];
	_ =	sdelay $0x3  }
0x36: {  	p1 =	seq.s32 s10, $0x1;
	s10 =	sld [smem:$0x3FB8];
	_ =	sdelay $0x3  }
0x37: {  	[smem:$0x3FB8] =	sst s10  }
0x38: {  	s10 =	sld [smem:$0x3FB9]  }
0x39: {  	_ = 	snop;
	(pc) =	sbr.ind lr, $3  }
0x3a: {  	_ = 	snop  }
0x3b: {  	_ = 	snop  }
0x3c: {  	p2 =	seq.s32 s10, $0x1;
	s10 =	sld [smem:$0x3FB8]  }
0x3d: {  	_ =	shalt  }
0x3e: {  	_ =	shalt  }
0x3f: {  	_ =	shalt  }
0x40: {  	_ =	shalt  }
0x41: {  	_ =	shalt  }
0x42: {  	_ =	shalt  }
0x43: {  	_ =	shalt  }
0x44: {  	_ =	shalt  }
0x45: {  	_ =	shalt  }
0x46: {  	_ =	shalt  }
0x47: {  	_ =	shalt  }
0x48: {  	_ =	shalt  }
0x49: {  	_ =	shalt  }
0x4a: {  	_ =	shalt  }
0x4b: {  	_ =	shalt  }
0x4c: {  	_ =	shalt  }
0x4d: {  	_ =	shalt  }
0x4e: {  	_ =	shalt  }
0x4f: {  	_ =	shalt  }
0x50: {  	_ =	shalt  }
0x51: {  	_ =	shalt  }
0x52: {  	_ =	shalt  }
0x53: {  	_ =	shalt  }
0x54: {  	_ =	shalt  }
0x55: {  	_ =	shalt  }
0x56: {  	_ =	shalt  }
0x57: {  	_ =	shalt  }
0x58: {  	_ =	shalt  }
0x59: {  	_ =	shalt  }
0x5a: {  	_ =	shalt  }
0x5b: {  	_ =	shalt  }
0x5c: {  	_ =	shalt  }
0x5d: {  	_ =	shalt  }
0x5e: {  	_ =	shalt  }
0x5f: {  	_ =	shalt  }
0x60: {  	_ =	shalt  }
0x61: {  	_ =	shalt  }
0x62: {  	_ =	shalt  }
0x63: {  	_ =	shalt  }
0x64: {  	_ =	shalt  }
0x65: {  	_ =	shalt  }
0x66: {  	_ =	shalt  }
0x67: {  	_ =	shalt  }
0x68: {  	_ =	shalt  }
0x69: {  	_ =	shalt  }
0x6a: {  	_ =	shalt  }
0x6b: {  	_ =	shalt  }
0x6c: {  	_ =	shalt  }
0x6d: {  	_ =	shalt  }
0x6e: {  	_ =	shalt  }
0x6f: {  	_ =	shalt  }
0x70: {  	_ =	shalt  }
0x71: {  	_ =	shalt  }
0x72: {  	_ =	shalt  }
0x73: {  	_ =	shalt  }
0x74: {  	_ =	shalt  }
0x75: {  	_ =	shalt  }
0x76: {  	_ =	shalt  }
0x77: {  	_ =	shalt  }
0x78: {  	_ =	shalt  }
0x79: {  	_ =	shalt  }
0x7a: {  	_ =	shalt  }
0x7b: {  	_ =	shalt  }
0x7c: {  	_ =	shalt  }
0x7d: {  	_ =	shalt  }
0x7e: {  	_ =	shalt  }
0x7f: {  	_ =	shalt  }
0x80: {  	_ =	shalt  }
0x81: {  	_ =	shalt  }
0x82: {  	_ =	shalt  }
0x83: {  	_ =	shalt  }
0x84: {  	_ =	shalt  }
0x85: {  	_ =	shalt  }
0x86: {  	_ =	shalt  }
0x87: {  	_ =	shalt  }
.Lfunc_end0:
.L_simem_size_0:
called_computation_lowered:
.L_overlay_start_0:
0x88: {  	s2 =	sld [smem:$0x3FD9]  }
0x89: {  	s3 =	sld [smem:$0x3FFE];
	_ =	sdelay $0x1  }
0x8a: {  	s1 =	srdreg.scid  }
0x8b: {  	s0 =	sand.u32 $0x1, s1  }
0x8c: {  	s17 =	sshll.u32 s0, $0xA;
	s2 =	sadd.s32 s3, s2  }
0x8d: {  	s2 =	sadd.s32 s2, s17  }
0x8e: {  	[smem:$0x3FC4] =	sst s2  }
0x8f: {  	_ = 	snop  }
0x90: {  	s2 =	sld [smem:$0x3FC8]  }
0x91: {  	s18 =	sld [smem:$0x3FD0];
	(tm) =	ssettm $0x1  }
0x92: {  	s4 =	sld [smem:$0x3FFB];
	_ =	sdelay $0x3  }
0x93: {  	_ =	strace s4  }
0x94: {  	s4 =	sld [smem:$0x3FFC];
	_ =	sdelay $0x3  }
0x95: {  	_ =	strace s4  }
0x96: {  	s4 =	sld [smem:$0x3FFD];
	_ =	sdelay $0x3  }
0x97: {  	_ =	strace s4  }
0x98: {  	_ =	strace $0x8FFFFFFF  }
0x99: {  	s19 =	sld [smem:$0x3FDB];
	_ =	sdelay $0x1  }
0x9a: {  	s5 =	simm.s32 $_scs_section_size  }
0x9b: {  	s6 =	simm.s32 $_size__tile_overlayer_lowered;
	s7 =	simm.s32 $_tile_overlayer_lowered  }
0x9c: {  	s22 =	simm.s32 $0x1BFF;
	s21 =	sshll.u32 s7, $0x1;
	s4 =	sadd.s32 s5, s19  }
0x9d: {  	s8 =	simm.s32 $0x0;
	s20 =	sshll.u32 s6, $0x1;
	s6 =	sadd.s32 s21, s4  }
0x9e: {  	[timem:s8], [sflag:s22] =	dma.local [hbm:s6], s20  }
0x9f: {  	_ =	swait.ge [sflag:s22], s20  }
0xa0: {  	s5 =	ssub.s32 $0x0, s20;
	[sflag:s22] =	ssyncset.done $0x0  }
0xa1: {  	[sflag:s22] =	ssyncadd.s32 s5;
	_ =	sdelay $0x1  }
0xa2: {  	s23 =	simm.s32 $0x1B8B  }
0xa3: {  	_ =	swait.ge [sflag:s23], $0x1  }
0xa4: {  	[sflag:s23] =	ssyncset.done $0x0  }
0xa5: {  	s25 =	simm.s32 $0x1B8E;
	s24 =	sld [smem:$0x3FFE];
	[sflag:s23] =	ssyncadd.s32 $0xFFFFFFFF  }
0xa6: {  	s26 =	simm.s32 $execute0_lowered;
	[smem:$0x3FD2] =	sst s25  }
0xa7: {  	s6 =	sshll.u32 s26, $0x1;
	_ =	strace $0x80000046;
	[dreg:$0x1] =	wrdreg $0xFFFFFFFF  }
0xa8: {  	s28 =	simm.s32 $_size_execute0_lowered;
	s4 =	sadd.s32 s4, s6;
	[dreg:$0x0] =	wrdreg $0x0  }
0xa9: {  	s6 =	sshll.u32 s28, $0x1;
	[dreg:$0x2] =	wrdreg s4  }
0xaa: {  	[dreg:$0x3] =	wrdreg s6  }
0xab: {  	[dreg:$0x4] =	wrdreg $0xC0  }
0xac: {  	_ =	task [dreg:s8], $0x5FFFF  }
0xad: {  	[dreg:$0x1] =	wrdreg $0xFFFFFFFF  }
0xae: {  	[dreg:$0x0] =	wrdreg $0x60  }
0xaf: {  	[dreg:$0x2] =	wrdreg s18  }
0xb0: {  	[dreg:$0x3] =	wrdreg s2  }
0xb1: {  	[dreg:$0x4] =	wrdreg s24  }
0xb2: {  	[dreg:$0x5] =	wrdreg $0x9  }
0xb3: {  	_ =	task.clear_ibuf [dreg:s8], $0x6FFFF;
	_ =	strace $0x90000046  }
0xb4: {  	s29 =	simm.s32 $0x9;
	_ =	strace $0x80000048  }
0xb5: {  	_ =	swait.ge [sflag:s29], $0x1  }
0xb6: {  	[sflag:s29] =	ssyncadd.s32 $0xFFFFFFFF  }
0xb7: {  	_ =	strace $0x90000048  }
0xb8: {  	_ =	sfence  }
0xb9: {  	s30 =	sld [smem:$0x0];
	_ =	sdelay $0x2  }
0xba: {  	s31 =	sshll.u32 s1, $0xD;
	s1 =	sshrl.u32 s1, $0x2  }
0xbb: {  	s3 =	sand.u32 $0x4000, s31;
	s1 =	sadd.s32 s1, s30  }
0xbc: {  	s0 =	sor.u32 s3, s0;
	s1 =	sshll.u32 s1, $0x11  }
0xbd: {  	s0 =	sor.u32 s1, s0  }
0xbe: {  	s0 =	sadd.s32 $0x8F2B, s0  }
0xbf: {  	[sflag:s0] =	ssyncadd.remote.s32 $0x1  }
0xc0: {  	_ =	sfence.sel $0xFFFF  }
0xc1: {  	[dreg:$0x0] =	wrdreg $0xFFFFFFFF;
	(pc) =	sbr.abs _section_cstart, $3  }
0xc2: {  	[dreg:$0x1] =	wrdreg $0xFFFFFFFF  }
0xc3: {  	_ =	task.clear_ibuf [dreg:s8], $0x2FFFF;
	_ =	strace $0x9FFFFFFF  }
0xc4: {  	(tm) =	ssettm $0x7FFFFFFF  }
0xc5: {  	_ =	shalt  }
tec
execute0_lowered:
.L_overlay_start_1:
0x0: {  	(tag) =	ssettag $0x1  }
0x1: {  	s3 =	rddreg [dreg:$0x0]  }
0x2: {  	s4 =	rddreg [dreg:$0x1]  }
0x3: {  	s5 =	rddreg [dreg:$0x2]  }
0x4: {  	s0 =	rddreg [dreg:$0x3]  }
0x5: {  	s2 =	simm.s32 $0x0;
	s1 =	stileid.u32;
	s6 =	srdreg.scid  }
0x6: {  	[smem:$0x7FF] =	sst s2;
	s7 =	sshll.u32 s1, $0x4;
	s6 =	sand.u32 $0x1, s6  }
0x7: {  	s10 =	sand.u32 $0x1, s1;
	s31 =	sshll.u32 s1, $0x6;
	_ =	strace $0x80000047  }
0x8: {  	s5 =	sadd.s32 s7, s5;
	s28 =	ssub.s32 $0x2, s6;
	s9 =	sshll.u32 s6, $0xA  }
0x9: {  	s29 =	sshll.u32 s10, $0x9;
	s30 =	sshll.u32 s10, $0x8;
	s6 =	sshll.u32 s6, $0x8  }
0xa: {  	s10 =	simm.s32 $0x1800;
	s8 =	sshrl.u32 s28, $0x1;
	s3 =	sadd.s32 s3, s9  }
0xb: {  	s4 =	sadd.s32 s4, s30;
	s6 =	sadd.s32 s6, s5;
	s5 =	sand.u32 $0x380, s31  }
0xc: {  	s9 =	simm.s32 $0x1000;
	s7 =	ssub.s32 s28, s8;
	s3 =	sadd.s32 s29, s3  }
0xd: {  	s6 =	sadd.s32 $0x800, s6;
	s8 =	simm.s32 $0x1;
	s7 =	smax.u32 s7, $0x1  }
.LBB2_1:
0xe: {  	[tilespmem:s2], [sflag:$0x1] =	stream.linear.gather [hbm4b:s3+s2], $0x1000, $0x38;
	[tilespmem:$0x1880] =	vst v63  }
0xf: {  	_ =	swait.ge [sflag:s8], $0x1000  }
0x10: {  	[sflag:s8] =	ssyncset.done $0x0  }
0x11: {  	[sflag:s8] =	ssyncadd.s32 $0xFFFFF000  }
0x12: {  	[tilespmem:s9], [sflag:$0x1] =	stream.linear.gather [hbm4b:s4+s2], $0x800, $0x38;
	[tilespmem:$0x1880] =	vst v63  }
0x13: {  	_ =	swait.ge [sflag:s8], $0x800  }
0x14: {  	[sflag:s8] =	ssyncset.done $0x0  }
0x15: {  	[sflag:s8] =	ssyncadd.s32 $0xFFFFF800  }
0x16: {  	v0 =	vld [tilespmem:s5+$0x1000];
	_ =	sdelay $0x1  }
0x17: {  	v1 =	vld [tilespmem:$0x0];
	_ =	sdelay $0x1  }
0x18: {  	v2 =	vld [tilespmem:$0x10]  }
0x19: {  	v3 =	vbroadcast v0, $0x0  }
0x1a: {  	v4 =	vld [tilespmem:$0x20]  }
0x1b: {  	v20 =	vbroadcast v0, $0x1;
	v1 =	vmul.f32 v1, v3  }
0x1c: {  	v5 =	vld [tilespmem:$0x30]  }
0x1d: {  	v21 =	vbroadcast v0, $0x2;
	v2 =	vmul.f32 v2, v20;
	v1 =	vadd.f32 $0.0e+00, v1  }
0x1e: {  	v6 =	vld [tilespmem:$0x40]  }
0x1f: {  	v23 =	vbroadcast v0, $0x3;
	v22 =	vmul.f32 v4, v21;
	v1 =	vadd.f32 v2, v1  }
0x20: {  	v24 =	vld [tilespmem:$0x50]  }
0x21: {  	v26 =	vbroadcast v0, $0x4;
	v25 =	vmul.f32 v5, v23;
	v1 =	vadd.f32 v22, v1  }
0x22: {  	v27 =	vld [tilespmem:$0x60]  }
0x23: {  	v29 =	vbroadcast v0, $0x5;
	v28 =	vmul.f32 v6, v26;
	v1 =	vadd.f32 v25, v1  }
0x24: {  	v30 =	vld [tilespmem:$0x70]  }
0x25: {  	v32 =	vbroadcast v0, $0x6;
	v31 =	vmul.f32 v24, v29;
	v1 =	vadd.f32 v28, v1  }
0x26: {  	v33 =	vld [tilespmem:$0x80]  }
0x27: {  	v35 =	vbroadcast v0, $0x7;
	v34 =	vmul.f32 v27, v32;
	v1 =	vadd.f32 v31, v1  }
0x28: {  	v36 =	vld [tilespmem:$0x90]  }
0x29: {  	v38 =	vbroadcast v0, $0x8;
	v37 =	vmul.f32 v30, v35;
	v1 =	vadd.f32 v34, v1  }
0x2a: {  	v39 =	vld [tilespmem:$0xA0]  }
0x2b: {  	v41 =	vbroadcast v0, $0x9;
	v40 =	vmul.f32 v33, v38;
	v1 =	vadd.f32 v37, v1  }
0x2c: {  	v42 =	vld [tilespmem:$0xB0]  }
0x2d: {  	v44 =	vbroadcast v0, $0xA;
	v43 =	vmul.f32 v36, v41;
	v1 =	vadd.f32 v40, v1  }
0x2e: {  	v45 =	vld [tilespmem:$0xC0]  }
0x2f: {  	v47 =	vbroadcast v0, $0xB;
	v46 =	vmul.f32 v39, v44;
	v1 =	vadd.f32 v43, v1  }
0x30: {  	v48 =	vld [tilespmem:$0xD0]  }
0x31: {  	v50 =	vbroadcast v0, $0xC;
	v49 =	vmul.f32 v42, v47;
	v1 =	vadd.f32 v46, v1  }
0x32: {  	v51 =	vld [tilespmem:$0xE0]  }
0x33: {  	v54 =	vld [tilespmem:$0xF0];
	v53 =	vbroadcast v0, $0xD;
	v52 =	vmul.f32 v45, v50;
	v1 =	vadd.f32 v49, v1  }
0x34: {  	v7 =	vld [tilespmem:s5+$0x1010]  }
0x35: {  	v56 =	vbroadcast v0, $0xE;
	v55 =	vmul.f32 v48, v53;
	v1 =	vadd.f32 v52, v1  }
0x36: {  	v57 =	vld [tilespmem:$0x100]  }
0x37: {  	v0 =	vbroadcast v0, $0xF;
	v58 =	vmul.f32 v51, v56;
	v1 =	vadd.f32 v55, v1  }
0x38: {  	v59 =	vld [tilespmem:$0x110]  }
0x39: {  	v60 =	vbroadcast v7, $0x0;
	v0 =	vmul.f32 v54, v0;
	v1 =	vadd.f32 v58, v1  }
0x3a: {  	v61 =	vld [tilespmem:$0x120]  }
0x3b: {  	v63 =	vbroadcast v7, $0x1;
	v62 =	vmul.f32 v57, v60;
	v0 =	vadd.f32 v0, v1  }
0x3c: {  	v8 =	vld [tilespmem:$0x130]  }
0x3d: {  	v10 =	vbroadcast v7, $0x2;
	v9 =	vmul.f32 v59, v63;
	v0 =	vadd.f32 v62, v0  }
0x3e: {  	v11 =	vld [tilespmem:$0x140]  }
0x3f: {  	v13 =	vbroadcast v7, $0x3;
	v12 =	vmul.f32 v61, v10;
	v0 =	vadd.f32 v9, v0  }
0x40: {  	v14 =	vld [tilespmem:$0x150]  }
0x41: {  	v16 =	vbroadcast v7, $0x4;
	v15 =	vmul.f32 v8, v13;
	v0 =	vadd.f32 v12, v0  }
0x42: {  	v17 =	vld [tilespmem:$0x160]  }
0x43: {  	v19 =	vbroadcast v7, $0x5;
	v18 =	vmul.f32 v11, v16;
	v0 =	vadd.f32 v15, v0  }
0x44: {  	v20 =	vld [tilespmem:$0x170]  }
0x45: {  	v21 =	vmul.f32 v14, v19;
	v22 =	vbroadcast v7, $0x6;
	v0 =	vadd.f32 v18, v0  }
0x46: {  	v23 =	vld [tilespmem:$0x180]  }
0x47: {  	v24 =	vmul.f32 v17, v22;
	v25 =	vbroadcast v7, $0x7;
	v0 =	vadd.f32 v21, v0  }
0x48: {  	v26 =	vld [tilespmem:$0x190]  }
0x49: {  	v27 =	vmul.f32 v20, v25;
	v28 =	vbroadcast v7, $0x8;
	v0 =	vadd.f32 v24, v0  }
0x4a: {  	v29 =	vld [tilespmem:$0x1A0]  }
0x4b: {  	v30 =	vmul.f32 v23, v28;
	v31 =	vbroadcast v7, $0x9;
	v0 =	vadd.f32 v27, v0  }
0x4c: {  	v32 =	vld [tilespmem:$0x1B0]  }
0x4d: {  	v33 =	vmul.f32 v26, v31;
	v34 =	vbroadcast v7, $0xA;
	v0 =	vadd.f32 v30, v0  }
0x4e: {  	v35 =	vld [tilespmem:$0x1C0]  }
0x4f: {  	v36 =	vmul.f32 v29, v34;
	v37 =	vbroadcast v7, $0xB;
	v0 =	vadd.f32 v33, v0  }
0x50: {  	v38 =	vld [tilespmem:$0x1D0]  }
0x51: {  	v39 =	vmul.f32 v32, v37;
	v40 =	vbroadcast v7, $0xC;
	v0 =	vadd.f32 v36, v0  }
0x52: {  	v41 =	vld [tilespmem:$0x1E0]  }
0x53: {  	v44 =	vld [tilespmem:$0x1F0];
	v42 =	vmul.f32 v35, v40;
	v43 =	vbroadcast v7, $0xD;
	v0 =	vadd.f32 v39, v0  }
0x54: {  	v45 =	vld [tilespmem:s5+$0x1020]  }
0x55: {  	v47 =	vbroadcast v7, $0xE;
	v46 =	vmul.f32 v38, v43;
	v0 =	vadd.f32 v42, v0  }
0x56: {  	v48 =	vld [tilespmem:$0x200]  }
0x57: {  	v50 =	vbroadcast v7, $0xF;
	v49 =	vmul.f32 v41, v47;
	v0 =	vadd.f32 v46, v0  }
0x58: {  	v51 =	vld [tilespmem:$0x210]  }
0x59: {  	v53 =	vbroadcast v45, $0x0;
	v52 =	vmul.f32 v44, v50;
	v0 =	vadd.f32 v49, v0  }
0x5a: {  	v54 =	vld [tilespmem:$0x220]  }
0x5b: {  	v56 =	vbroadcast v45, $0x1;
	v55 =	vmul.f32 v48, v53;
	v0 =	vadd.f32 v52, v0  }
0x5c: {  	v57 =	vld [tilespmem:$0x230]  }
0x5d: {  	v59 =	vbroadcast v45, $0x2;
	v58 =	vmul.f32 v51, v56;
	v0 =	vadd.f32 v55, v0  }
0x5e: {  	v60 =	vld [tilespmem:$0x240]  }
0x5f: {  	v61 =	vmul.f32 v54, v59;
	v62 =	vbroadcast v45, $0x3;
	v0 =	vadd.f32 v58, v0  }
0x60: {  	v63 =	vld [tilespmem:$0x250]  }
0x61: {  	v8 =	vmul.f32 v57, v62;
	v9 =	vbroadcast v45, $0x4;
	v0 =	vadd.f32 v61, v0  }
0x62: {  	v10 =	vld [tilespmem:$0x260]  }
0x63: {  	v11 =	vmul.f32 v60, v9;
	v12 =	vbroadcast v45, $0x5;
	v0 =	vadd.f32 v8, v0  }
0x64: {  	v13 =	vld [tilespmem:$0x270]  }
0x65: {  	v14 =	vmul.f32 v63, v12;
	v15 =	vbroadcast v45, $0x6;
	v0 =	vadd.f32 v11, v0  }
0x66: {  	v16 =	vld [tilespmem:$0x280]  }
0x67: {  	v17 =	vmul.f32 v10, v15;
	v18 =	vbroadcast v45, $0x7;
	v0 =	vadd.f32 v14, v0  }
0x68: {  	v19 =	vld [tilespmem:$0x290]  }
0x69: {  	v20 =	vmul.f32 v13, v18;
	v21 =	vbroadcast v45, $0x8;
	v0 =	vadd.f32 v17, v0  }
0x6a: {  	v22 =	vld [tilespmem:$0x2A0]  }
0x6b: {  	v23 =	vmul.f32 v16, v21;
	v24 =	vbroadcast v45, $0x9;
	v0 =	vadd.f32 v20, v0  }
0x6c: {  	v25 =	vld [tilespmem:$0x2B0]  }
0x6d: {  	v26 =	vmul.f32 v19, v24;
	v27 =	vbroadcast v45, $0xA;
	v0 =	vadd.f32 v23, v0  }
0x6e: {  	v28 =	vld [tilespmem:$0x2C0]  }
0x6f: {  	v29 =	vmul.f32 v22, v27;
	v30 =	vbroadcast v45, $0xB;
	v0 =	vadd.f32 v26, v0  }
0x70: {  	v31 =	vld [tilespmem:$0x2D0]  }
0x71: {  	v32 =	vmul.f32 v25, v30;
	v33 =	vbroadcast v45, $0xC;
	v0 =	vadd.f32 v29, v0  }
0x72: {  	v34 =	vld [tilespmem:$0x2E0]  }
0x73: {  	v37 =	vld [tilespmem:$0x2F0];
	v35 =	vmul.f32 v28, v33;
	v36 =	vbroadcast v45, $0xD;
	v0 =	vadd.f32 v32, v0  }
0x74: {  	v38 =	vld [tilespmem:s5+$0x1030]  }
0x75: {  	v40 =	vbroadcast v45, $0xE;
	v39 =	vmul.f32 v31, v36;
	v0 =	vadd.f32 v35, v0  }
0x76: {  	v41 =	vld [tilespmem:$0x300]  }
0x77: {  	v43 =	vbroadcast v45, $0xF;
	v42 =	vmul.f32 v34, v40;
	v0 =	vadd.f32 v39, v0  }
0x78: {  	v44 =	vld [tilespmem:$0x310]  }
0x79: {  	v45 =	vmul.f32 v37, v43;
	v46 =	vbroadcast v38, $0x0;
	v0 =	vadd.f32 v42, v0  }
0x7a: {  	v47 =	vld [tilespmem:$0x320]  }
0x7b: {  	v48 =	vmul.f32 v41, v46;
	v49 =	vbroadcast v38, $0x1;
	v0 =	vadd.f32 v45, v0  }
0x7c: {  	v50 =	vld [tilespmem:$0x330]  }
0x7d: {  	v51 =	vmul.f32 v44, v49;
	v52 =	vbroadcast v38, $0x2;
	v0 =	vadd.f32 v48, v0  }
0x7e: {  	v53 =	vld [tilespmem:$0x340]  }
0x7f: {  	v54 =	vmul.f32 v47, v52;
	v55 =	vbroadcast v38, $0x3;
	v0 =	vadd.f32 v51, v0  }
0x80: {  	v56 =	vld [tilespmem:$0x350]  }
0x81: {  	v57 =	vmul.f32 v50, v55;
	v58 =	vbroadcast v38, $0x4;
	v0 =	vadd.f32 v54, v0  }
0x82: {  	v59 =	vld [tilespmem:$0x360]  }
0x83: {  	v60 =	vmul.f32 v53, v58;
	v61 =	vbroadcast v38, $0x5;
	v0 =	vadd.f32 v57, v0  }
0x84: {  	v62 =	vld [tilespmem:$0x370]  }
0x85: {  	v6 =	vbroadcast v38, $0x6;
	v63 =	vmul.f32 v56, v61;
	v0 =	vadd.f32 v60, v0  }
0x86: {  	v8 =	vld [tilespmem:$0x380]  }
0x87: {  	v9 =	vmul.f32 v59, v6;
	v10 =	vbroadcast v38, $0x7;
	v0 =	vadd.f32 v63, v0  }
0x88: {  	v11 =	vld [tilespmem:$0x390]  }
0x89: {  	v12 =	vmul.f32 v62, v10;
	v13 =	vbroadcast v38, $0x8;
	v0 =	vadd.f32 v9, v0  }
0x8a: {  	v14 =	vld [tilespmem:$0x3A0]  }
0x8b: {  	v16 =	vbroadcast v38, $0x9;
	v15 =	vmul.f32 v8, v13;
	v0 =	vadd.f32 v12, v0  }
0x8c: {  	v17 =	vld [tilespmem:$0x3B0]  }
0x8d: {  	v19 =	vbroadcast v38, $0xA;
	v18 =	vmul.f32 v11, v16;
	v0 =	vadd.f32 v15, v0  }
0x8e: {  	v20 =	vld [tilespmem:$0x3C0]  }
0x8f: {  	v22 =	vbroadcast v38, $0xB;
	v21 =	vmul.f32 v14, v19;
	v0 =	vadd.f32 v18, v0  }
0x90: {  	v23 =	vld [tilespmem:$0x3D0]  }
0x91: {  	v25 =	vbroadcast v38, $0xC;
	v24 =	vmul.f32 v17, v22;
	v0 =	vadd.f32 v21, v0  }
0x92: {  	v26 =	vld [tilespmem:$0x3E0]  }
0x93: {  	v30 =	vld [tilespmem:s5+$0x1040];
	v28 =	vbroadcast v38, $0xD;
	v27 =	vmul.f32 v20, v25;
	v0 =	vadd.f32 v24, v0  }
0x94: {  	v29 =	vld [tilespmem:$0x3F0]  }
0x95: {  	v31 =	vmul.f32 v23, v28;
	v32 =	vbroadcast v38, $0xE;
	v0 =	vadd.f32 v27, v0  }
0x96: {  	v33 =	vld [tilespmem:$0x400]  }
0x97: {  	v34 =	vmul.f32 v26, v32;
	v35 =	vbroadcast v38, $0xF;
	v0 =	vadd.f32 v31, v0  }
0x98: {  	v36 =	vld [tilespmem:$0x410]  }
0x99: {  	v38 =	vbroadcast v30, $0x0;
	v37 =	vmul.f32 v29, v35;
	v0 =	vadd.f32 v34, v0  }
0x9a: {  	v39 =	vld [tilespmem:$0x420]  }
0x9b: {  	v41 =	vbroadcast v30, $0x1;
	v40 =	vmul.f32 v33, v38;
	v0 =	vadd.f32 v37, v0  }
0x9c: {  	v42 =	vld [tilespmem:$0x430]  }
0x9d: {  	v43 =	vmul.f32 v36, v41;
	v44 =	vbroadcast v30, $0x2;
	v0 =	vadd.f32 v40, v0  }
0x9e: {  	v45 =	vld [tilespmem:$0x440]  }
0x9f: {  	v47 =	vbroadcast v30, $0x3;
	v46 =	vmul.f32 v39, v44;
	v0 =	vadd.f32 v43, v0  }
0xa0: {  	v48 =	vld [tilespmem:$0x450]  }
0xa1: {  	v50 =	vbroadcast v30, $0x4;
	v49 =	vmul.f32 v42, v47;
	v0 =	vadd.f32 v46, v0  }
0xa2: {  	v51 =	vld [tilespmem:$0x460]  }
0xa3: {  	v53 =	vbroadcast v30, $0x5;
	v52 =	vmul.f32 v45, v50;
	v0 =	vadd.f32 v49, v0  }
0xa4: {  	v54 =	vld [tilespmem:$0x470]  }
0xa5: {  	v56 =	vbroadcast v30, $0x6;
	v55 =	vmul.f32 v48, v53;
	v0 =	vadd.f32 v52, v0  }
0xa6: {  	v57 =	vld [tilespmem:$0x480]  }
0xa7: {  	v59 =	vbroadcast v30, $0x7;
	v58 =	vmul.f32 v51, v56;
	v0 =	vadd.f32 v55, v0  }
0xa8: {  	v60 =	vld [tilespmem:$0x490]  }
0xa9: {  	v62 =	vbroadcast v30, $0x8;
	v61 =	vmul.f32 v54, v59;
	v0 =	vadd.f32 v58, v0  }
0xaa: {  	v63 =	vld [tilespmem:$0x4A0]  }
0xab: {  	v8 =	vmul.f32 v57, v62;
	v9 =	vbroadcast v30, $0x9;
	v0 =	vadd.f32 v61, v0  }
0xac: {  	v10 =	vld [tilespmem:$0x4B0]  }
0xad: {  	v11 =	vmul.f32 v60, v9;
	v12 =	vbroadcast v30, $0xA;
	v0 =	vadd.f32 v8, v0  }
0xae: {  	v13 =	vld [tilespmem:$0x4C0]  }
0xaf: {  	v14 =	vmul.f32 v63, v12;
	v15 =	vbroadcast v30, $0xB;
	v0 =	vadd.f32 v11, v0  }
0xb0: {  	v16 =	vld [tilespmem:$0x4D0]  }
0xb1: {  	v17 =	vmul.f32 v10, v15;
	v18 =	vbroadcast v30, $0xC;
	v0 =	vadd.f32 v14, v0  }
0xb2: {  	v19 =	vld [tilespmem:$0x4E0]  }
0xb3: {  	v22 =	vld [tilespmem:$0x4F0];
	v20 =	vmul.f32 v13, v18;
	v21 =	vbroadcast v30, $0xD;
	v0 =	vadd.f32 v17, v0  }
0xb4: {  	v23 =	vld [tilespmem:s5+$0x1050]  }
0xb5: {  	v25 =	vbroadcast v30, $0xE;
	v24 =	vmul.f32 v16, v21;
	v0 =	vadd.f32 v20, v0  }
0xb6: {  	v26 =	vld [tilespmem:$0x500]  }
0xb7: {  	v28 =	vbroadcast v30, $0xF;
	v27 =	vmul.f32 v19, v25;
	v0 =	vadd.f32 v24, v0  }
0xb8: {  	v29 =	vld [tilespmem:$0x510]  }
0xb9: {  	v30 =	vmul.f32 v22, v28;
	v31 =	vbroadcast v23, $0x0;
	v0 =	vadd.f32 v27, v0  }
0xba: {  	v32 =	vld [tilespmem:$0x520]  }
0xbb: {  	v33 =	vmul.f32 v26, v31;
	v34 =	vbroadcast v23, $0x1;
	v0 =	vadd.f32 v30, v0  }
0xbc: {  	v35 =	vld [tilespmem:$0x530]  }
0xbd: {  	v36 =	vmul.f32 v29, v34;
	v37 =	vbroadcast v23, $0x2;
	v0 =	vadd.f32 v33, v0  }
0xbe: {  	v38 =	vld [tilespmem:$0x540]  }
0xbf: {  	v39 =	vmul.f32 v32, v37;
	v40 =	vbroadcast v23, $0x3;
	v0 =	vadd.f32 v36, v0  }
0xc0: {  	v41 =	vld [tilespmem:$0x550]  }
0xc1: {  	v42 =	vmul.f32 v35, v40;
	v43 =	vbroadcast v23, $0x4;
	v0 =	vadd.f32 v39, v0  }
0xc2: {  	v44 =	vld [tilespmem:$0x560]  }
0xc3: {  	v45 =	vmul.f32 v38, v43;
	v46 =	vbroadcast v23, $0x5;
	v0 =	vadd.f32 v42, v0  }
0xc4: {  	v47 =	vld [tilespmem:$0x570]  }
0xc5: {  	v48 =	vmul.f32 v41, v46;
	v49 =	vbroadcast v23, $0x6;
	v0 =	vadd.f32 v45, v0  }
0xc6: {  	v50 =	vld [tilespmem:$0x580]  }
0xc7: {  	v51 =	vmul.f32 v44, v49;
	v52 =	vbroadcast v23, $0x7;
	v0 =	vadd.f32 v48, v0  }
0xc8: {  	v53 =	vld [tilespmem:$0x590]  }
0xc9: {  	v54 =	vmul.f32 v47, v52;
	v55 =	vbroadcast v23, $0x8;
	v0 =	vadd.f32 v51, v0  }
0xca: {  	v56 =	vld [tilespmem:$0x5A0]  }
0xcb: {  	v57 =	vmul.f32 v50, v55;
	v58 =	vbroadcast v23, $0x9;
	v0 =	vadd.f32 v54, v0  }
0xcc: {  	v59 =	vld [tilespmem:$0x5B0]  }
0xcd: {  	v60 =	vmul.f32 v53, v58;
	v61 =	vbroadcast v23, $0xA;
	v0 =	vadd.f32 v57, v0  }
0xce: {  	v62 =	vld [tilespmem:$0x5C0]  }
0xcf: {  	v63 =	vmul.f32 v56, v61;
	v8 =	vbroadcast v23, $0xB;
	v0 =	vadd.f32 v60, v0  }
0xd0: {  	v9 =	vld [tilespmem:$0x5D0]  }
0xd1: {  	v10 =	vmul.f32 v59, v8;
	v11 =	vbroadcast v23, $0xC;
	v0 =	vadd.f32 v63, v0  }
0xd2: {  	v12 =	vld [tilespmem:$0x5E0]  }
0xd3: {  	v15 =	vld [tilespmem:$0x5F0];
	v13 =	vmul.f32 v62, v11;
	v14 =	vbroadcast v23, $0xD;
	v0 =	vadd.f32 v10, v0  }
0xd4: {  	v16 =	vld [tilespmem:s5+$0x1060]  }
0xd5: {  	v18 =	vbroadcast v23, $0xE;
	v17 =	vmul.f32 v9, v14;
	v0 =	vadd.f32 v13, v0  }
0xd6: {  	v19 =	vld [tilespmem:$0x600]  }
0xd7: {  	v21 =	vbroadcast v23, $0xF;
	v20 =	vmul.f32 v12, v18;
	v0 =	vadd.f32 v17, v0  }
0xd8: {  	v22 =	vld [tilespmem:$0x610]  }
0xd9: {  	v23 =	vmul.f32 v15, v21;
	v24 =	vbroadcast v16, $0x0;
	v0 =	vadd.f32 v20, v0  }
0xda: {  	v25 =	vld [tilespmem:$0x620]  }
0xdb: {  	v26 =	vmul.f32 v19, v24;
	v27 =	vbroadcast v16, $0x1;
	v0 =	vadd.f32 v23, v0  }
0xdc: {  	v28 =	vld [tilespmem:$0x630]  }
0xdd: {  	v29 =	vmul.f32 v22, v27;
	v30 =	vbroadcast v16, $0x2;
	v0 =	vadd.f32 v26, v0  }
0xde: {  	v31 =	vld [tilespmem:$0x640]  }
0xdf: {  	v32 =	vmul.f32 v25, v30;
	v33 =	vbroadcast v16, $0x3;
	v0 =	vadd.f32 v29, v0  }
0xe0: {  	v34 =	vld [tilespmem:$0x650]  }
0xe1: {  	v35 =	vmul.f32 v28, v33;
	v36 =	vbroadcast v16, $0x4;
	v0 =	vadd.f32 v32, v0  }
0xe2: {  	v37 =	vld [tilespmem:$0x660]  }
0xe3: {  	v38 =	vmul.f32 v31, v36;
	v39 =	vbroadcast v16, $0x5;
	v0 =	vadd.f32 v35, v0  }
0xe4: {  	v40 =	vld [tilespmem:$0x670]  }
0xe5: {  	v41 =	vmul.f32 v34, v39;
	v42 =	vbroadcast v16, $0x6;
	v0 =	vadd.f32 v38, v0  }
0xe6: {  	v43 =	vld [tilespmem:$0x680]  }
0xe7: {  	v44 =	vmul.f32 v37, v42;
	v45 =	vbroadcast v16, $0x7;
	v0 =	vadd.f32 v41, v0  }
0xe8: {  	v46 =	vld [tilespmem:$0x690]  }
0xe9: {  	v47 =	vmul.f32 v40, v45;
	v48 =	vbroadcast v16, $0x8;
	v0 =	vadd.f32 v44, v0  }
0xea: {  	v49 =	vld [tilespmem:$0x6A0]  }
0xeb: {  	v50 =	vmul.f32 v43, v48;
	v51 =	vbroadcast v16, $0x9;
	v0 =	vadd.f32 v47, v0  }
0xec: {  	v52 =	vld [tilespmem:$0x6B0]  }
0xed: {  	v53 =	vmul.f32 v46, v51;
	v54 =	vbroadcast v16, $0xA;
	v0 =	vadd.f32 v50, v0  }
0xee: {  	v55 =	vld [tilespmem:$0x6C0]  }
0xef: {  	v56 =	vmul.f32 v49, v54;
	v57 =	vbroadcast v16, $0xB;
	v0 =	vadd.f32 v53, v0  }
0xf0: {  	v58 =	vld [tilespmem:$0x6D0]  }
0xf1: {  	v59 =	vmul.f32 v52, v57;
	v60 =	vbroadcast v16, $0xC;
	v0 =	vadd.f32 v56, v0  }
0xf2: {  	v61 =	vld [tilespmem:$0x6E0]  }
0xf3: {  	v9 =	vld [tilespmem:$0x6F0];
	v62 =	vmul.f32 v55, v60;
	v63 =	vbroadcast v16, $0xD;
	v0 =	vadd.f32 v59, v0  }
0xf4: {  	v10 =	vld [tilespmem:s5+$0x1070]  }
0xf5: {  	v12 =	vbroadcast v16, $0xE;
	v11 =	vmul.f32 v58, v63;
	v0 =	vadd.f32 v62, v0  }
0xf6: {  	v13 =	vld [tilespmem:$0x700]  }
0xf7: {  	v15 =	vbroadcast v16, $0xF;
	v14 =	vmul.f32 v61, v12;
	v0 =	vadd.f32 v11, v0  }
0xf8: {  	v16 =	vld [tilespmem:$0x710]  }
0xf9: {  	v17 =	vmul.f32 v9, v15;
	v18 =	vbroadcast v10, $0x0;
	v0 =	vadd.f32 v14, v0  }
0xfa: {  	v19 =	vld [tilespmem:$0x720]  }
0xfb: {  	v21 =	vbroadcast v10, $0x1;
	v20 =	vmul.f32 v13, v18;
	v0 =	vadd.f32 v17, v0  }
0xfc: {  	v22 =	vld [tilespmem:$0x730]  }
0xfd: {  	v24 =	vbroadcast v10, $0x2;
	v23 =	vmul.f32 v16, v21;
	v0 =	vadd.f32 v20, v0  }
0xfe: {  	v25 =	vld [tilespmem:$0x740]  }
0xff: {  	v27 =	vbroadcast v10, $0x3;
	v26 =	vmul.f32 v19, v24;
	v0 =	vadd.f32 v23, v0  }
0x100: {  	v28 =	vld [tilespmem:$0x750]  }
0x101: {  	v30 =	vbroadcast v10, $0x4;
	v29 =	vmul.f32 v22, v27;
	v0 =	vadd.f32 v26, v0  }
0x102: {  	v31 =	vld [tilespmem:$0x760]  }
0x103: {  	v33 =	vbroadcast v10, $0x5;
	v32 =	vmul.f32 v25, v30;
	v0 =	vadd.f32 v29, v0  }
0x104: {  	v34 =	vld [tilespmem:$0x770]  }
0x105: {  	v36 =	vbroadcast v10, $0x6;
	v35 =	vmul.f32 v28, v33;
	v0 =	vadd.f32 v32, v0  }
0x106: {  	v37 =	vld [tilespmem:$0x780]  }
0x107: {  	v39 =	vbroadcast v10, $0x7;
	v38 =	vmul.f32 v31, v36;
	v0 =	vadd.f32 v35, v0  }
0x108: {  	v40 =	vld [tilespmem:$0x790]  }
0x109: {  	v42 =	vbroadcast v10, $0x8;
	v41 =	vmul.f32 v34, v39;
	v0 =	vadd.f32 v38, v0  }
0x10a: {  	v43 =	vld [tilespmem:$0x7A0]  }
0x10b: {  	v45 =	vbroadcast v10, $0x9;
	v44 =	vmul.f32 v37, v42;
	v0 =	vadd.f32 v41, v0  }
0x10c: {  	v46 =	vld [tilespmem:$0x7B0]  }
0x10d: {  	v48 =	vbroadcast v10, $0xA;
	v47 =	vmul.f32 v40, v45;
	v0 =	vadd.f32 v44, v0  }
0x10e: {  	v49 =	vld [tilespmem:$0x7C0]  }
0x10f: {  	v51 =	vbroadcast v10, $0xB;
	v50 =	vmul.f32 v43, v48;
	v0 =	vadd.f32 v47, v0  }
0x110: {  	v52 =	vld [tilespmem:$0x7D0]  }
0x111: {  	v54 =	vbroadcast v10, $0xC;
	v53 =	vmul.f32 v46, v51;
	v0 =	vadd.f32 v50, v0  }
0x112: {  	v55 =	vld [tilespmem:$0x7E0]  }
0x113: {  	v58 =	vld [tilespmem:$0x7F0];
	v57 =	vbroadcast v10, $0xD;
	v56 =	vmul.f32 v49, v54;
	v0 =	vadd.f32 v53, v0  }
0x114: {  	v59 =	vld [tilespmem:s5+$0x1400]  }
0x115: {  	v61 =	vbroadcast v10, $0xE;
	v60 =	vmul.f32 v52, v57;
	v0 =	vadd.f32 v56, v0  }
0x116: {  	v62 =	vld [tilespmem:$0x800]  }
0x117: {  	v8 =	vbroadcast v10, $0xF;
	v63 =	vmul.f32 v55, v61;
	v0 =	vadd.f32 v60, v0  }
0x118: {  	v9 =	vld [tilespmem:$0x810]  }
0x119: {  	v10 =	vmul.f32 v58, v8;
	v11 =	vbroadcast v59, $0x0;
	v0 =	vadd.f32 v63, v0  }
0x11a: {  	v12 =	vld [tilespmem:$0x820]  }
0x11b: {  	v14 =	vbroadcast v59, $0x1;
	v13 =	vmul.f32 v62, v11;
	v0 =	vadd.f32 v10, v0  }
0x11c: {  	v15 =	vld [tilespmem:$0x830]  }
0x11d: {  	v16 =	vmul.f32 v9, v14;
	v17 =	vbroadcast v59, $0x2;
	v0 =	vadd.f32 v13, v0  }
0x11e: {  	v18 =	vld [tilespmem:$0x840]  }
0x11f: {  	v19 =	vmul.f32 v12, v17;
	v20 =	vbroadcast v59, $0x3;
	v0 =	vadd.f32 v16, v0  }
0x120: {  	v21 =	vld [tilespmem:$0x850]  }
0x121: {  	v22 =	vmul.f32 v15, v20;
	v23 =	vbroadcast v59, $0x4;
	v0 =	vadd.f32 v19, v0  }
0x122: {  	v24 =	vld [tilespmem:$0x860]  }
0x123: {  	v25 =	vmul.f32 v18, v23;
	v26 =	vbroadcast v59, $0x5;
	v0 =	vadd.f32 v22, v0  }
0x124: {  	v27 =	vld [tilespmem:$0x870]  }
0x125: {  	v28 =	vmul.f32 v21, v26;
	v29 =	vbroadcast v59, $0x6;
	v0 =	vadd.f32 v25, v0  }
0x126: {  	v30 =	vld [tilespmem:$0x880]  }
0x127: {  	v31 =	vmul.f32 v24, v29;
	v32 =	vbroadcast v59, $0x7;
	v0 =	vadd.f32 v28, v0  }
0x128: {  	v33 =	vld [tilespmem:$0x890]  }
0x129: {  	v34 =	vmul.f32 v27, v32;
	v35 =	vbroadcast v59, $0x8;
	v0 =	vadd.f32 v31, v0  }
0x12a: {  	v36 =	vld [tilespmem:$0x8A0]  }
0x12b: {  	v37 =	vmul.f32 v30, v35;
	v38 =	vbroadcast v59, $0x9;
	v0 =	vadd.f32 v34, v0  }
0x12c: {  	v39 =	vld [tilespmem:$0x8B0]  }
0x12d: {  	v40 =	vmul.f32 v33, v38;
	v41 =	vbroadcast v59, $0xA;
	v0 =	vadd.f32 v37, v0  }
0x12e: {  	v42 =	vld [tilespmem:$0x8C0]  }
0x12f: {  	v43 =	vmul.f32 v36, v41;
	v44 =	vbroadcast v59, $0xB;
	v0 =	vadd.f32 v40, v0  }
0x130: {  	v45 =	vld [tilespmem:$0x8D0]  }
0x131: {  	v46 =	vmul.f32 v39, v44;
	v47 =	vbroadcast v59, $0xC;
	v0 =	vadd.f32 v43, v0  }
0x132: {  	v48 =	vld [tilespmem:$0x8E0]  }
0x133: {  	v52 =	vld [tilespmem:s5+$0x1410];
	v49 =	vmul.f32 v42, v47;
	v50 =	vbroadcast v59, $0xD;
	v0 =	vadd.f32 v46, v0  }
0x134: {  	v51 =	vld [tilespmem:$0x8F0]  }
0x135: {  	v54 =	vbroadcast v59, $0xE;
	v53 =	vmul.f32 v45, v50;
	v0 =	vadd.f32 v49, v0  }
0x136: {  	v55 =	vld [tilespmem:$0x900]  }
0x137: {  	v57 =	vbroadcast v59, $0xF;
	v56 =	vmul.f32 v48, v54;
	v0 =	vadd.f32 v53, v0  }
0x138: {  	v58 =	vld [tilespmem:$0x910]  }
0x139: {  	v59 =	vmul.f32 v51, v57;
	v60 =	vbroadcast v52, $0x0;
	v0 =	vadd.f32 v56, v0  }
0x13a: {  	v61 =	vld [tilespmem:$0x920]  }
0x13b: {  	v62 =	vmul.f32 v55, v60;
	v63 =	vbroadcast v52, $0x1;
	v0 =	vadd.f32 v59, v0  }
0x13c: {  	v8 =	vld [tilespmem:$0x930]  }
0x13d: {  	v9 =	vmul.f32 v58, v63;
	v10 =	vbroadcast v52, $0x2;
	v0 =	vadd.f32 v62, v0  }
0x13e: {  	v11 =	vld [tilespmem:$0x940]  }
0x13f: {  	v12 =	vmul.f32 v61, v10;
	v13 =	vbroadcast v52, $0x3;
	v0 =	vadd.f32 v9, v0  }
0x140: {  	v14 =	vld [tilespmem:$0x950]  }
0x141: {  	v15 =	vmul.f32 v8, v13;
	v16 =	vbroadcast v52, $0x4;
	v0 =	vadd.f32 v12, v0  }
0x142: {  	v17 =	vld [tilespmem:$0x960]  }
0x143: {  	v18 =	vmul.f32 v11, v16;
	v19 =	vbroadcast v52, $0x5;
	v0 =	vadd.f32 v15, v0  }
0x144: {  	v20 =	vld [tilespmem:$0x970]  }
0x145: {  	v21 =	vmul.f32 v14, v19;
	v22 =	vbroadcast v52, $0x6;
	v0 =	vadd.f32 v18, v0  }
0x146: {  	v23 =	vld [tilespmem:$0x980]  }
0x147: {  	v24 =	vmul.f32 v17, v22;
	v25 =	vbroadcast v52, $0x7;
	v0 =	vadd.f32 v21, v0  }
0x148: {  	v26 =	vld [tilespmem:$0x990]  }
0x149: {  	v27 =	vmul.f32 v20, v25;
	v28 =	vbroadcast v52, $0x8;
	v0 =	vadd.f32 v24, v0  }
0x14a: {  	v29 =	vld [tilespmem:$0x9A0]  }
0x14b: {  	v30 =	vmul.f32 v23, v28;
	v31 =	vbroadcast v52, $0x9;
	v0 =	vadd.f32 v27, v0  }
0x14c: {  	v32 =	vld [tilespmem:$0x9B0]  }
0x14d: {  	v33 =	vmul.f32 v26, v31;
	v34 =	vbroadcast v52, $0xA;
	v0 =	vadd.f32 v30, v0  }
0x14e: {  	v35 =	vld [tilespmem:$0x9C0]  }
0x14f: {  	v36 =	vmul.f32 v29, v34;
	v37 =	vbroadcast v52, $0xB;
	v0 =	vadd.f32 v33, v0  }
0x150: {  	v38 =	vld [tilespmem:$0x9D0]  }
0x151: {  	v39 =	vmul.f32 v32, v37;
	v40 =	vbroadcast v52, $0xC;
	v0 =	vadd.f32 v36, v0  }
0x152: {  	v41 =	vld [tilespmem:$0x9E0]  }
0x153: {  	v44 =	vld [tilespmem:$0x9F0];
	v42 =	vmul.f32 v35, v40;
	v43 =	vbroadcast v52, $0xD;
	v0 =	vadd.f32 v39, v0  }
0x154: {  	v45 =	vld [tilespmem:s5+$0x1420]  }
0x155: {  	v47 =	vbroadcast v52, $0xE;
	v46 =	vmul.f32 v38, v43;
	v0 =	vadd.f32 v42, v0  }
0x156: {  	v48 =	vld [tilespmem:$0xA00]  }
0x157: {  	v50 =	vbroadcast v52, $0xF;
	v49 =	vmul.f32 v41, v47;
	v0 =	vadd.f32 v46, v0  }
0x158: {  	v51 =	vld [tilespmem:$0xA10]  }
0x159: {  	v52 =	vmul.f32 v44, v50;
	v53 =	vbroadcast v45, $0x0;
	v0 =	vadd.f32 v49, v0  }
0x15a: {  	v54 =	vld [tilespmem:$0xA20]  }
0x15b: {  	v55 =	vmul.f32 v48, v53;
	v56 =	vbroadcast v45, $0x1;
	v0 =	vadd.f32 v52, v0  }
0x15c: {  	v57 =	vld [tilespmem:$0xA30]  }
0x15d: {  	v58 =	vmul.f32 v51, v56;
	v59 =	vbroadcast v45, $0x2;
	v0 =	vadd.f32 v55, v0  }
0x15e: {  	v60 =	vld [tilespmem:$0xA40]  }
0x15f: {  	v61 =	vmul.f32 v54, v59;
	v62 =	vbroadcast v45, $0x3;
	v0 =	vadd.f32 v58, v0  }
0x160: {  	v63 =	vld [tilespmem:$0xA50]  }
0x161: {  	v8 =	vmul.f32 v57, v62;
	v9 =	vbroadcast v45, $0x4;
	v0 =	vadd.f32 v61, v0  }
0x162: {  	v10 =	vld [tilespmem:$0xA60]  }
0x163: {  	v11 =	vmul.f32 v60, v9;
	v12 =	vbroadcast v45, $0x5;
	v0 =	vadd.f32 v8, v0  }
0x164: {  	v13 =	vld [tilespmem:$0xA70]  }
0x165: {  	v14 =	vmul.f32 v63, v12;
	v15 =	vbroadcast v45, $0x6;
	v0 =	vadd.f32 v11, v0  }
0x166: {  	v16 =	vld [tilespmem:$0xA80]  }
0x167: {  	v17 =	vmul.f32 v10, v15;
	v18 =	vbroadcast v45, $0x7;
	v0 =	vadd.f32 v14, v0  }
0x168: {  	v19 =	vld [tilespmem:$0xA90]  }
0x169: {  	v20 =	vmul.f32 v13, v18;
	v21 =	vbroadcast v45, $0x8;
	v0 =	vadd.f32 v17, v0  }
0x16a: {  	v22 =	vld [tilespmem:$0xAA0]  }
0x16b: {  	v23 =	vmul.f32 v16, v21;
	v24 =	vbroadcast v45, $0x9;
	v0 =	vadd.f32 v20, v0  }
0x16c: {  	v25 =	vld [tilespmem:$0xAB0]  }
0x16d: {  	v26 =	vmul.f32 v19, v24;
	v27 =	vbroadcast v45, $0xA;
	v0 =	vadd.f32 v23, v0  }
0x16e: {  	v28 =	vld [tilespmem:$0xAC0]  }
0x16f: {  	v29 =	vmul.f32 v22, v27;
	v30 =	vbroadcast v45, $0xB;
	v0 =	vadd.f32 v26, v0  }
0x170: {  	v31 =	vld [tilespmem:$0xAD0]  }
0x171: {  	v32 =	vmul.f32 v25, v30;
	v33 =	vbroadcast v45, $0xC;
	v0 =	vadd.f32 v29, v0  }
0x172: {  	v34 =	vld [tilespmem:$0xAE0]  }
0x173: {  	v37 =	vld [tilespmem:$0xAF0];
	v35 =	vmul.f32 v28, v33;
	v36 =	vbroadcast v45, $0xD;
	v0 =	vadd.f32 v32, v0  }
0x174: {  	v38 =	vld [tilespmem:s5+$0x1430]  }
0x175: {  	v40 =	vbroadcast v45, $0xE;
	v39 =	vmul.f32 v31, v36;
	v0 =	vadd.f32 v35, v0  }
0x176: {  	v41 =	vld [tilespmem:$0xB00]  }
0x177: {  	v43 =	vbroadcast v45, $0xF;
	v42 =	vmul.f32 v34, v40;
	v0 =	vadd.f32 v39, v0  }
0x178: {  	v44 =	vld [tilespmem:$0xB10]  }
0x179: {  	v45 =	vmul.f32 v37, v43;
	v46 =	vbroadcast v38, $0x0;
	v0 =	vadd.f32 v42, v0  }
0x17a: {  	v47 =	vld [tilespmem:$0xB20]  }
0x17b: {  	v48 =	vmul.f32 v41, v46;
	v49 =	vbroadcast v38, $0x1;
	v0 =	vadd.f32 v45, v0  }
0x17c: {  	v50 =	vld [tilespmem:$0xB30]  }
0x17d: {  	v51 =	vmul.f32 v44, v49;
	v52 =	vbroadcast v38, $0x2;
	v0 =	vadd.f32 v48, v0  }
0x17e: {  	v53 =	vld [tilespmem:$0xB40]  }
0x17f: {  	v54 =	vmul.f32 v47, v52;
	v55 =	vbroadcast v38, $0x3;
	v0 =	vadd.f32 v51, v0  }
0x180: {  	v56 =	vld [tilespmem:$0xB50]  }
0x181: {  	v57 =	vmul.f32 v50, v55;
	v58 =	vbroadcast v38, $0x4;
	v0 =	vadd.f32 v54, v0  }
0x182: {  	v59 =	vld [tilespmem:$0xB60]  }
0x183: {  	v60 =	vmul.f32 v53, v58;
	v61 =	vbroadcast v38, $0x5;
	v0 =	vadd.f32 v57, v0  }
0x184: {  	v62 =	vld [tilespmem:$0xB70]  }
0x185: {  	v63 =	vmul.f32 v56, v61;
	v8 =	vbroadcast v38, $0x6;
	v0 =	vadd.f32 v60, v0  }
0x186: {  	v9 =	vld [tilespmem:$0xB80]  }
0x187: {  	v10 =	vmul.f32 v59, v8;
	v11 =	vbroadcast v38, $0x7;
	v0 =	vadd.f32 v63, v0  }
0x188: {  	v12 =	vld [tilespmem:$0xB90]  }
0x189: {  	v13 =	vmul.f32 v62, v11;
	v14 =	vbroadcast v38, $0x8;
	v0 =	vadd.f32 v10, v0  }
0x18a: {  	v15 =	vld [tilespmem:$0xBA0]  }
0x18b: {  	v16 =	vmul.f32 v9, v14;
	v17 =	vbroadcast v38, $0x9;
	v0 =	vadd.f32 v13, v0  }
0x18c: {  	v18 =	vld [tilespmem:$0xBB0]  }
0x18d: {  	v19 =	vmul.f32 v12, v17;
	v20 =	vbroadcast v38, $0xA;
	v0 =	vadd.f32 v16, v0  }
0x18e: {  	v21 =	vld [tilespmem:$0xBC0]  }
0x18f: {  	v22 =	vmul.f32 v15, v20;
	v23 =	vbroadcast v38, $0xB;
	v0 =	vadd.f32 v19, v0  }
0x190: {  	v24 =	vld [tilespmem:$0xBD0]  }
0x191: {  	v25 =	vmul.f32 v18, v23;
	v26 =	vbroadcast v38, $0xC;
	v0 =	vadd.f32 v22, v0  }
0x192: {  	v27 =	vld [tilespmem:$0xBE0]  }
0x193: {  	v30 =	vld [tilespmem:$0xBF0];
	v28 =	vmul.f32 v21, v26;
	v29 =	vbroadcast v38, $0xD;
	v0 =	vadd.f32 v25, v0  }
0x194: {  	v31 =	vld [tilespmem:s5+$0x1440]  }
0x195: {  	v33 =	vbroadcast v38, $0xE;
	v32 =	vmul.f32 v24, v29;
	v0 =	vadd.f32 v28, v0  }
0x196: {  	v34 =	vld [tilespmem:$0xC00]  }
0x197: {  	v36 =	vbroadcast v38, $0xF;
	v35 =	vmul.f32 v27, v33;
	v0 =	vadd.f32 v32, v0  }
0x198: {  	v37 =	vld [tilespmem:$0xC10]  }
0x199: {  	v38 =	vmul.f32 v30, v36;
	v39 =	vbroadcast v31, $0x0;
	v0 =	vadd.f32 v35, v0  }
0x19a: {  	v40 =	vld [tilespmem:$0xC20]  }
0x19b: {  	v41 =	vmul.f32 v34, v39;
	v42 =	vbroadcast v31, $0x1;
	v0 =	vadd.f32 v38, v0  }
0x19c: {  	v43 =	vld [tilespmem:$0xC30]  }
0x19d: {  	v44 =	vmul.f32 v37, v42;
	v45 =	vbroadcast v31, $0x2;
	v0 =	vadd.f32 v41, v0  }
0x19e: {  	v46 =	vld [tilespmem:$0xC40]  }
0x19f: {  	v47 =	vmul.f32 v40, v45;
	v48 =	vbroadcast v31, $0x3;
	v0 =	vadd.f32 v44, v0  }
0x1a0: {  	v49 =	vld [tilespmem:$0xC50]  }
0x1a1: {  	v50 =	vmul.f32 v43, v48;
	v51 =	vbroadcast v31, $0x4;
	v0 =	vadd.f32 v47, v0  }
0x1a2: {  	v52 =	vld [tilespmem:$0xC60]  }
0x1a3: {  	v53 =	vmul.f32 v46, v51;
	v54 =	vbroadcast v31, $0x5;
	v0 =	vadd.f32 v50, v0  }
0x1a4: {  	v55 =	vld [tilespmem:$0xC70]  }
0x1a5: {  	v56 =	vmul.f32 v49, v54;
	v57 =	vbroadcast v31, $0x6;
	v0 =	vadd.f32 v53, v0  }
0x1a6: {  	v58 =	vld [tilespmem:$0xC80]  }
0x1a7: {  	v59 =	vmul.f32 v52, v57;
	v60 =	vbroadcast v31, $0x7;
	v0 =	vadd.f32 v56, v0  }
0x1a8: {  	v61 =	vld [tilespmem:$0xC90]  }
0x1a9: {  	v62 =	vmul.f32 v55, v60;
	v63 =	vbroadcast v31, $0x8;
	v0 =	vadd.f32 v59, v0  }
0x1aa: {  	v8 =	vld [tilespmem:$0xCA0]  }
0x1ab: {  	v9 =	vmul.f32 v58, v63;
	v10 =	vbroadcast v31, $0x9;
	v0 =	vadd.f32 v62, v0  }
0x1ac: {  	v11 =	vld [tilespmem:$0xCB0]  }
0x1ad: {  	v12 =	vmul.f32 v61, v10;
	v13 =	vbroadcast v31, $0xA;
	v0 =	vadd.f32 v9, v0  }
0x1ae: {  	v14 =	vld [tilespmem:$0xCC0]  }
0x1af: {  	v15 =	vmul.f32 v8, v13;
	v16 =	vbroadcast v31, $0xB;
	v0 =	vadd.f32 v12, v0  }
0x1b0: {  	v17 =	vld [tilespmem:$0xCD0]  }
0x1b1: {  	v18 =	vmul.f32 v11, v16;
	v19 =	vbroadcast v31, $0xC;
	v0 =	vadd.f32 v15, v0  }
0x1b2: {  	v20 =	vld [tilespmem:$0xCE0]  }
0x1b3: {  	v23 =	vld [tilespmem:$0xCF0];
	v21 =	vmul.f32 v14, v19;
	v22 =	vbroadcast v31, $0xD;
	v0 =	vadd.f32 v18, v0  }
0x1b4: {  	v24 =	vld [tilespmem:s5+$0x1450]  }
0x1b5: {  	v26 =	vbroadcast v31, $0xE;
	v25 =	vmul.f32 v17, v22;
	v0 =	vadd.f32 v21, v0  }
0x1b6: {  	v27 =	vld [tilespmem:$0xD00]  }
0x1b7: {  	v29 =	vbroadcast v31, $0xF;
	v28 =	vmul.f32 v20, v26;
	v0 =	vadd.f32 v25, v0  }
0x1b8: {  	v30 =	vld [tilespmem:$0xD10]  }
0x1b9: {  	v31 =	vmul.f32 v23, v29;
	v32 =	vbroadcast v24, $0x0;
	v0 =	vadd.f32 v28, v0  }
0x1ba: {  	v33 =	vld [tilespmem:$0xD20]  }
0x1bb: {  	v34 =	vmul.f32 v27, v32;
	v35 =	vbroadcast v24, $0x1;
	v0 =	vadd.f32 v31, v0  }
0x1bc: {  	v36 =	vld [tilespmem:$0xD30]  }
0x1bd: {  	v37 =	vmul.f32 v30, v35;
	v38 =	vbroadcast v24, $0x2;
	v0 =	vadd.f32 v34, v0  }
0x1be: {  	v39 =	vld [tilespmem:$0xD40]  }
0x1bf: {  	v40 =	vmul.f32 v33, v38;
	v41 =	vbroadcast v24, $0x3;
	v0 =	vadd.f32 v37, v0  }
0x1c0: {  	v42 =	vld [tilespmem:$0xD50]  }
0x1c1: {  	v43 =	vmul.f32 v36, v41;
	v44 =	vbroadcast v24, $0x4;
	v0 =	vadd.f32 v40, v0  }
0x1c2: {  	v45 =	vld [tilespmem:$0xD60]  }
0x1c3: {  	v46 =	vmul.f32 v39, v44;
	v47 =	vbroadcast v24, $0x5;
	v0 =	vadd.f32 v43, v0  }
0x1c4: {  	v48 =	vld [tilespmem:$0xD70]  }
0x1c5: {  	v49 =	vmul.f32 v42, v47;
	v50 =	vbroadcast v24, $0x6;
	v0 =	vadd.f32 v46, v0  }
0x1c6: {  	v51 =	vld [tilespmem:$0xD80]  }
0x1c7: {  	v52 =	vmul.f32 v45, v50;
	v53 =	vbroadcast v24, $0x7;
	v0 =	vadd.f32 v49, v0  }
0x1c8: {  	v54 =	vld [tilespmem:$0xD90]  }
0x1c9: {  	v55 =	vmul.f32 v48, v53;
	v56 =	vbroadcast v24, $0x8;
	v0 =	vadd.f32 v52, v0  }
0x1ca: {  	v57 =	vld [tilespmem:$0xDA0]  }
0x1cb: {  	v58 =	vmul.f32 v51, v56;
	v59 =	vbroadcast v24, $0x9;
	v0 =	vadd.f32 v55, v0  }
0x1cc: {  	v60 =	vld [tilespmem:$0xDB0]  }
0x1cd: {  	v61 =	vmul.f32 v54, v59;
	v62 =	vbroadcast v24, $0xA;
	v0 =	vadd.f32 v58, v0  }
0x1ce: {  	v63 =	vld [tilespmem:$0xDC0]  }
0x1cf: {  	v8 =	vbroadcast v24, $0xB;
	v6 =	vmul.f32 v57, v62;
	v0 =	vadd.f32 v61, v0  }
0x1d0: {  	v9 =	vld [tilespmem:$0xDD0]  }
0x1d1: {  	v10 =	vmul.f32 v60, v8;
	v11 =	vbroadcast v24, $0xC;
	v0 =	vadd.f32 v6, v0  }
0x1d2: {  	v12 =	vld [tilespmem:$0xDE0]  }
0x1d3: {  	v16 =	vld [tilespmem:s5+$0x1460];
	v13 =	vmul.f32 v63, v11;
	v14 =	vbroadcast v24, $0xD;
	v0 =	vadd.f32 v10, v0  }
0x1d4: {  	v15 =	vld [tilespmem:$0xDF0]  }
0x1d5: {  	v17 =	vmul.f32 v9, v14;
	v18 =	vbroadcast v24, $0xE;
	v0 =	vadd.f32 v13, v0  }
0x1d6: {  	v19 =	vld [tilespmem:$0xE00]  }
0x1d7: {  	v20 =	vmul.f32 v12, v18;
	v21 =	vbroadcast v24, $0xF;
	v0 =	vadd.f32 v17, v0  }
0x1d8: {  	v22 =	vld [tilespmem:$0xE10]  }
0x1d9: {  	v24 =	vbroadcast v16, $0x0;
	v23 =	vmul.f32 v15, v21;
	v0 =	vadd.f32 v20, v0  }
0x1da: {  	v25 =	vld [tilespmem:$0xE20]  }
0x1db: {  	v27 =	vbroadcast v16, $0x1;
	v26 =	vmul.f32 v19, v24;
	v0 =	vadd.f32 v23, v0  }
0x1dc: {  	v28 =	vld [tilespmem:$0xE30]  }
0x1dd: {  	v29 =	vmul.f32 v22, v27;
	v30 =	vbroadcast v16, $0x2;
	v0 =	vadd.f32 v26, v0  }
0x1de: {  	v31 =	vld [tilespmem:$0xE40]  }
0x1df: {  	v33 =	vbroadcast v16, $0x3;
	v32 =	vmul.f32 v25, v30;
	v0 =	vadd.f32 v29, v0  }
0x1e0: {  	v34 =	vld [tilespmem:$0xE50]  }
0x1e1: {  	v36 =	vbroadcast v16, $0x4;
	v35 =	vmul.f32 v28, v33;
	v0 =	vadd.f32 v32, v0  }
0x1e2: {  	v37 =	vld [tilespmem:$0xE60]  }
0x1e3: {  	v39 =	vbroadcast v16, $0x5;
	v38 =	vmul.f32 v31, v36;
	v0 =	vadd.f32 v35, v0  }
0x1e4: {  	v40 =	vld [tilespmem:$0xE70]  }
0x1e5: {  	v42 =	vbroadcast v16, $0x6;
	v41 =	vmul.f32 v34, v39;
	v0 =	vadd.f32 v38, v0  }
0x1e6: {  	v43 =	vld [tilespmem:$0xE80]  }
0x1e7: {  	v45 =	vbroadcast v16, $0x7;
	v44 =	vmul.f32 v37, v42;
	v0 =	vadd.f32 v41, v0  }
0x1e8: {  	v46 =	vld [tilespmem:$0xE90]  }
0x1e9: {  	v48 =	vbroadcast v16, $0x8;
	v47 =	vmul.f32 v40, v45;
	v0 =	vadd.f32 v44, v0  }
0x1ea: {  	v49 =	vld [tilespmem:$0xEA0]  }
0x1eb: {  	v51 =	vbroadcast v16, $0x9;
	v50 =	vmul.f32 v43, v48;
	v0 =	vadd.f32 v47, v0  }
0x1ec: {  	v52 =	vld [tilespmem:$0xEB0]  }
0x1ed: {  	v54 =	vbroadcast v16, $0xA;
	v53 =	vmul.f32 v46, v51;
	v0 =	vadd.f32 v50, v0  }
0x1ee: {  	v55 =	vld [tilespmem:$0xEC0]  }
0x1ef: {  	v57 =	vbroadcast v16, $0xB;
	v56 =	vmul.f32 v49, v54;
	v0 =	vadd.f32 v53, v0  }
0x1f0: {  	v58 =	vld [tilespmem:$0xED0]  }
0x1f1: {  	v60 =	vbroadcast v16, $0xC;
	v59 =	vmul.f32 v52, v57;
	v0 =	vadd.f32 v56, v0  }
0x1f2: {  	v61 =	vld [tilespmem:$0xEE0]  }
0x1f3: {  	v63 =	vbroadcast v16, $0xD;
	v9 =	vld [tilespmem:$0xEF0];
	v62 =	vmul.f32 v55, v60;
	v0 =	vadd.f32 v59, v0  }
0x1f4: {  	v10 =	vld [tilespmem:s5+$0x1470]  }
0x1f5: {  	v12 =	vbroadcast v16, $0xE;
	v11 =	vmul.f32 v58, v63;
	v0 =	vadd.f32 v62, v0  }
0x1f6: {  	v13 =	vld [tilespmem:$0xF00]  }
0x1f7: {  	v15 =	vbroadcast v16, $0xF;
	v14 =	vmul.f32 v61, v12;
	v0 =	vadd.f32 v11, v0  }
0x1f8: {  	v16 =	vld [tilespmem:$0xF10]  }
0x1f9: {  	v17 =	vmul.f32 v9, v15;
	v18 =	vbroadcast v10, $0x0;
	v0 =	vadd.f32 v14, v0  }
0x1fa: {  	v19 =	vld [tilespmem:$0xF20]  }
0x1fb: {  	v21 =	vbroadcast v10, $0x1;
	v20 =	vmul.f32 v13, v18;
	v0 =	vadd.f32 v17, v0  }
0x1fc: {  	v22 =	vld [tilespmem:$0xF30]  }
0x1fd: {  	v24 =	vbroadcast v10, $0x2;
	v23 =	vmul.f32 v16, v21;
	v0 =	vadd.f32 v20, v0  }
0x1fe: {  	v25 =	vld [tilespmem:$0xF40]  }
0x1ff: {  	v27 =	vbroadcast v10, $0x3;
	v26 =	vmul.f32 v19, v24;
	v0 =	vadd.f32 v23, v0  }
0x200: {  	v28 =	vld [tilespmem:$0xF50]  }
0x201: {  	v30 =	vbroadcast v10, $0x4;
	v29 =	vmul.f32 v22, v27;
	v0 =	vadd.f32 v26, v0  }
0x202: {  	v31 =	vld [tilespmem:$0xF60]  }
0x203: {  	v33 =	vbroadcast v10, $0x5;
	v32 =	vmul.f32 v25, v30;
	v0 =	vadd.f32 v29, v0  }
0x204: {  	v34 =	vld [tilespmem:$0xF70]  }
0x205: {  	v36 =	vbroadcast v10, $0x6;
	v35 =	vmul.f32 v28, v33;
	v0 =	vadd.f32 v32, v0  }
0x206: {  	v37 =	vld [tilespmem:$0xF80]  }
0x207: {  	v39 =	vbroadcast v10, $0x7;
	v38 =	vmul.f32 v31, v36;
	v0 =	vadd.f32 v35, v0  }
0x208: {  	v40 =	vld [tilespmem:$0xF90]  }
0x209: {  	v42 =	vbroadcast v10, $0x8;
	v41 =	vmul.f32 v34, v39;
	v0 =	vadd.f32 v38, v0  }
0x20a: {  	v43 =	vld [tilespmem:$0xFA0]  }
0x20b: {  	v45 =	vbroadcast v10, $0x9;
	v44 =	vmul.f32 v37, v42;
	v0 =	vadd.f32 v41, v0  }
0x20c: {  	v46 =	vld [tilespmem:$0xFB0]  }
0x20d: {  	v48 =	vbroadcast v10, $0xA;
	v47 =	vmul.f32 v40, v45;
	v0 =	vadd.f32 v44, v0  }
0x20e: {  	v49 =	vld [tilespmem:$0xFC0]  }
0x20f: {  	v51 =	vbroadcast v10, $0xB;
	v50 =	vmul.f32 v43, v48;
	v0 =	vadd.f32 v47, v0  }
0x210: {  	v52 =	vld [tilespmem:$0xFD0]  }
0x211: {  	v54 =	vbroadcast v10, $0xC;
	v53 =	vmul.f32 v46, v51;
	v0 =	vadd.f32 v50, v0  }
0x212: {  	v55 =	vld [tilespmem:$0xFE0]  }
0x213: {  	v57 =	vbroadcast v10, $0xD;
	v56 =	vmul.f32 v49, v54;
	v0 =	vadd.f32 v53, v0  }
0x214: {  	v58 =	vld [tilespmem:$0xFF0]  }
0x215: {  	v60 =	vbroadcast v10, $0xE;
	v59 =	vmul.f32 v52, v57;
	v0 =	vadd.f32 v56, v0;
	_ =	sdelay $0x1  }
0x216: {  	v61 =	vmul.f32 v55, v60;
	v62 =	vbroadcast v10, $0xF;
	v0 =	vadd.f32 v59, v0;
	_ =	sdelay $0x1  }
0x217: {  	v63 =	vmul.f32 v58, v62;
	v0 =	vadd.f32 v61, v0;
	_ =	sdelay $0x1  }
0x218: {  	v0 =	vadd.f32 v63, v0  }
0x219: {  	p0 =	sne.s32 s7, $0x1  }
.Ltmp0:
0x21a: {  	[tilespmem:$0x1800] =	vst v0;
	(pc) =	sbr.rel @p0 .LBB2_1-.Ltmp0, $4  }
0x21b: {  	[hbm4b:s6+s2] =	stream.linear.scatter [tilespmem:s10], [sflag:$0x1], $0x80, $0x38;
	[tilespmem:$0x1880] =	vst v63  }
0x21c: {  	_ =	swait.ge [sflag:s8], $0x80  }
0x21d: {  	[sflag:s8] =	ssyncset.done $0x0  }
0x21e: {  	s7 =	sadd.s32 $0xFFFFFFFF, s7;
	[sflag:s8] =	ssyncadd.s32 $0xFFFFFF80  }
0x21f: {  	_ =	sfence.sel $0x180000  }
0x220: {  	[bflag:$0x0] =	sbarrier.arrive $0xFFFF  }
0x221: {  	p0 =	sne.s32 s1, $0x0;
	_ =	strace $0x90000047  }
0x222: {  	s0 =	sadd.s32 @!p0 $0x100000, s0;
	[bflag:$0x2] =	sbarrier.arrive $0xFFFF  }
0x223: {  	[sflag:s0] =	ssyncadd.tile.s32 @!p0 $0x1;
	_ =	shalt  }
.Lfunc_end2:
_tile_overlayer_lowered:
.L_overlay_start_2:
0x224: {  	(tag) =	ssettag $0x2  }
0x225: {  	s0 =	rddreg [dreg:$0x0];
	s2 =	stileid.u32  }
0x226: {  	s1 =	rddreg [dreg:$0x1];
	p0 =	sne.s32 s2, $0x0  }
0x227: {  	s3 =	rddreg [dreg:$0x2];
	[bflag:$0x3] =	sbarrier.arrive $0xFFFF;
	s2 =	simm.s32 @!p0 $0x1C01  }
0x228: {  	[timem:s3], [sflag:s2] =	dma.local @!p0 [hbm:s0], s1  }
0x229: {  	s0 =	simm.s32 @!p0 $0x1  }
0x22a: {  	_ =	swait.ge @!p0 [sflag:s0], s1  }
0x22b: {  	s1 =	ssub.s32 @!p0 $0x0, s1;
	[sflag:s0] =	ssyncset.done @!p0 $0x0  }
0x22c: {  	[sflag:s0] =	ssyncadd.s32 @!p0 s1  }
0x22d: {  	[bflag:$0x3] =	sbarrier.arrive $0xFFFF  }
0x22e: {  	_ =	shalt  }

</sc_bundles>
